<compile_context>
chip_gen: v7x
topology: tpu7x:2x2x1
jax: 0.10.2.dev20260603
libtpu: 0.0.44.dev20260713+nightly
codegen_flags: <defaults>
</compile_context>

<pallas_src>
import functools

import jax
import jax.numpy as jnp
from jax import lax
from jax.experimental import pallas as pl
from jax.experimental.pallas import tpu as pltpu
from jax.experimental.pallas import tpu_sc as plsc

N = 10000
E = 320000
D = 128
NC = 2
NS = 16
NW = NC * NS
CH = 80

NPAD = 10240
GPT = NPAD // NW
GCH = GPT // CH

ECH_CH = 96
ECH = 108
ICH = ECH
EPT = ECH * ECH_CH
EPAD = NW * EPT
IPT = ICH * ECH_CH
RPT = NPAD // NS

_mesh = plsc.VectorSubcoreMesh(core_axis_name="c", subcore_axis_name="s")


@functools.partial(
    pl.kernel,
    out_type=jax.ShapeDtypeStruct((NPAD, D), jnp.float32),
    mesh=_mesh,
    scratch_types=[
        pltpu.VMEM((CH,), jnp.int32),
        pltpu.VMEM((CH, D), jnp.float32),
        pltpu.SemaphoreType.DMA,
    ],
)
def _sc_gather_h0(emb_hbm, xt_hbm, out_hbm, tidx, rows, sem):
    c = lax.axis_index("c")
    s = lax.axis_index("s")
    base = (c * NS + s) * GPT

    def step(j, carry):
        off = pl.multiple_of(base + j * CH, 8)
        pltpu.sync_copy(xt_hbm.at[pl.ds(off, CH)], tidx)
        pltpu.async_copy(emb_hbm.at[tidx], rows, sem).wait()
        pltpu.sync_copy(rows, out_hbm.at[pl.ds(off, CH)])
        return carry

    lax.fori_loop(0, GCH, step, 0)


def _make_sc_agg():
    @functools.partial(
        pl.kernel,
        out_type=jax.ShapeDtypeStruct((NC, NPAD, D), jnp.float32),
        mesh=_mesh,
        scratch_types=[
            pltpu.VMEM((ECH_CH,), jnp.int32),
            pltpu.VMEM((ECH_CH,), jnp.int32),
            pltpu.VMEM((ECH_CH,), jnp.int32),
            pltpu.VMEM((ECH_CH,), jnp.int32),
            pltpu.VMEM((ECH_CH,), jnp.int32),
            pltpu.VMEM((ECH_CH,), jnp.int32),
            pltpu.VMEM((ECH_CH, D), jnp.float32),
            pltpu.VMEM((ECH_CH, D), jnp.float32),
            pltpu.VMEM_SHARED((NPAD, D), jnp.float32),
            pltpu.SemaphoreType.DMA,
            pltpu.SemaphoreType.DMA,
            pltpu.SemaphoreType.DMA,
            pltpu.SemaphoreType.DMA,
            pltpu.SemaphoreType.DMA,
        ],
    )
    def _sc_agg(h_hbm, src_hbm, dst_hbm, zer_hbm, out_hbm, sidx0, sidx1,
                sidx2, didx0, didx1, didx2, rows0, rows1, acc,
                semi0, semi1, semi2, semg0, semg1):
        c = lax.axis_index("c")
        s = lax.axis_index("s")
        w = c * NS + s
        pltpu.sync_copy(zer_hbm, acc.at[pl.ds(s * RPT, RPT)])

        sidx = (sidx0, sidx1, sidx2)
        didx = (didx0, didx1, didx2)
        semi = (semi0, semi1, semi2)
        rows = (rows0, rows1)
        semg = (semg0, semg1)

        def load_idx(chunk, bi):
            off = pl.multiple_of(w * IPT + chunk * ECH_CH, 8)
            pltpu.async_copy(src_hbm.at[pl.ds(off, ECH_CH)], sidx[bi],
                             semi[bi])
            pltpu.async_copy(dst_hbm.at[pl.ds(off, ECH_CH)], didx[bi],
                             semi[bi])

        def wait_idx(bi):
            pltpu.make_async_copy(src_hbm.at[pl.ds(0, ECH_CH)], sidx[bi],
                                  semi[bi]).wait()
            pltpu.make_async_copy(dst_hbm.at[pl.ds(0, ECH_CH)], didx[bi],
                                  semi[bi]).wait()

        def gather(bi, br):
            pltpu.async_copy(h_hbm.at[sidx[bi]], rows[br], semg[br])

        def wait_scatter(bi, br):
            pltpu.make_async_copy(h_hbm.at[sidx[bi]], rows[br],
                                  semg[br]).wait()
            pltpu.sync_copy(rows[br], acc.at[didx[bi]], add=True)

        plsc.subcore_barrier()

        load_idx(0, 0)
        load_idx(1, 1)
        wait_idx(0)
        gather(0, 0)

        def step(j, carry):
            a = j * 6
            for k in range(6):
                p = a + k

                @pl.when(p + 1 < ECH)
                def _():
                    wait_idx((k + 1) % 3)
                    gather((k + 1) % 3, (k + 1) % 2)

                @pl.when(p + 2 < ECH)
                def _():
                    load_idx(p + 2, (k + 2) % 3)

                wait_scatter(k % 3, k % 2)
            return carry

        lax.fori_loop(0, ECH // 6, step, 0)

        plsc.subcore_barrier()
        pltpu.sync_copy(acc.at[pl.ds(s * RPT, RPT)],
                        out_hbm.at[c, pl.ds(s * RPT, RPT)])

    return _sc_agg


_sc_agg_l1 = _make_sc_agg()
_sc_agg_l2 = _make_sc_agg()


def _tc_layer_body(h_ref, p_ref, wa_ref, ba_ref, wb_ref, bb_ref, g_ref,
                   be_ref, out_ref):
    x = h_ref[:N] + p_ref[0, :N] + p_ref[1, :N]
    z = jnp.maximum(
        jnp.dot(x, wa_ref[...], preferred_element_type=jnp.float32)
        + ba_ref[...], 0.0)
    t = (jnp.dot(z, wb_ref[...], preferred_element_type=jnp.float32)
         + bb_ref[...])
    mean = jnp.mean(t, axis=0, keepdims=True)
    var = jnp.mean((t - mean) ** 2, axis=0, keepdims=True)
    out_ref[...] = jnp.maximum(
        g_ref[...] * (t - mean) / jnp.sqrt(var + 1e-5) + be_ref[...], 0.0)


_tc_layer = pl.pallas_call(
    _tc_layer_body,
    out_shape=jax.ShapeDtypeStruct((N, D), jnp.float32),
)


def _tc_layer_out_body(h_ref, p_ref, wa_ref, ba_ref, wb_ref, bb_ref, g_ref,
                       be_ref, wo_ref, bo_ref, out_ref):
    x = h_ref[:N] + p_ref[0, :N] + p_ref[1, :N]
    z = jnp.maximum(
        jnp.dot(x, wa_ref[...], preferred_element_type=jnp.float32)
        + ba_ref[...], 0.0)
    t = (jnp.dot(z, wb_ref[...], preferred_element_type=jnp.float32)
         + bb_ref[...])
    mean = jnp.mean(t, axis=0, keepdims=True)
    var = jnp.mean((t - mean) ** 2, axis=0, keepdims=True)
    r = jnp.maximum(
        g_ref[...] * (t - mean) / jnp.sqrt(var + 1e-5) + be_ref[...], 0.0)
    out_ref[...] = (jnp.dot(r, wo_ref[...], preferred_element_type=jnp.float32)
                    + bo_ref[...])


def _tc_layer_out(a):
    return pl.pallas_call(
        _tc_layer_out_body,
        out_shape=jax.ShapeDtypeStruct((N, a), jnp.float32),
    )


def kernel(x_atom_type, edge_index, batch, emb, W1a, b1a, W1b, b1b, gamma1,
           beta1, W2a, b2a, W2b, b2b, gamma2, beta2, Wout, bout):
    src = edge_index[0]
    dst = edge_index[1]
    src_p = jnp.pad(
        jnp.concatenate([src, jnp.zeros((EPAD - E,), src.dtype)]
                        ).reshape(NW, EPT),
        ((0, 0), (0, IPT - EPT))).reshape(-1)
    dst_p = jnp.pad(
        jnp.concatenate([dst, jnp.full((EPAD - E,), N, dst.dtype)]
                        ).reshape(NW, EPT),
        ((0, 0), (0, IPT - EPT)), constant_values=N).reshape(-1)
    x_pad = jnp.concatenate(
        [x_atom_type.astype(jnp.int32),
         jnp.zeros((NPAD - N,), jnp.int32)])
    zer = jnp.zeros((RPT, D), jnp.float32)

    h0p = _sc_gather_h0(emb, x_pad)
    p1 = _sc_agg_l1(h0p, src_p, dst_p, zer)
    h1 = _tc_layer(h0p, p1, W1a, b1a[None], W1b, b1b[None],
                   gamma1[None], beta1[None])
    p2 = _sc_agg_l2(h1, src_p, dst_p, zer)
    logits = _tc_layer_out(Wout.shape[1])(
        h1, p2, W2a, b2a[None], W2b, b2b[None], gamma2[None],
        beta2[None], Wout, bout[None])
    return logits

# --- scband reference (transcript-rebuilt; emitter-appended) ---
"""Pipeline reference for scband-graph-mlm-28973849379197 (READ-ONLY COPY).

The authoritative reference and input builder live on the scoring server;
editing this copy changes nothing except your own understanding.
"""

import jax, jax.numpy as jnp
import numpy as np

N = 10000
E = 320000
D = 128
A = 120


def setup_inputs(seed: int = 0) -> dict:
    key = jax.random.key(seed)
    ks = jax.random.split(key, 12)
    s = 0.05
    inp = {
        "x_atom_type": jax.random.randint(ks[0], (N,), 0, A),
        "edge_index": jax.random.randint(ks[1], (2, E), 0, N),
        "batch": jnp.sort(jax.random.randint(ks[2], (N,), 0, 256)),
        "emb": jax.random.normal(ks[3], (A, D), dtype=jnp.float32) * s,
        "W1a": jax.random.normal(ks[4], (D, D), dtype=jnp.float32) * s,
        "b1a": jnp.zeros((D,), dtype=jnp.float32),
        "W1b": jax.random.normal(ks[5], (D, D), dtype=jnp.float32) * s,
        "b1b": jnp.zeros((D,), dtype=jnp.float32),
        "gamma1": jnp.ones((D,), dtype=jnp.float32),
        "beta1": jnp.zeros((D,), dtype=jnp.float32),
        "W2a": jax.random.normal(ks[6], (D, D), dtype=jnp.float32) * s,
        "b2a": jnp.zeros((D,), dtype=jnp.float32),
        "W2b": jax.random.normal(ks[7], (D, D), dtype=jnp.float32) * s,
        "b2b": jnp.zeros((D,), dtype=jnp.float32),
        "gamma2": jnp.ones((D,), dtype=jnp.float32),
        "beta2": jnp.zeros((D,), dtype=jnp.float32),
        "Wout": jax.random.normal(ks[8], (D, A), dtype=jnp.float32) * s,
        "bout": jnp.zeros((A,), dtype=jnp.float32),
    }
    return inp


def _batch_norm(h, gamma, beta, eps=1e-5):
    mean = jnp.mean(h, axis=0)
    var = jnp.var(h, axis=0)
    return gamma * (h - mean) / jnp.sqrt(var + eps) + beta


def _gin_conv(h, src, dst, Wa, ba, Wb, bb):
    # GINConv with eps=0: nn((1+eps)*x + sum_{j in N(i)} x_j)
    agg = jax.ops.segment_sum(h[src], dst, num_segments=h.shape[0])
    z = h + agg
    z = jnp.maximum(z @ Wa + ba, 0.0)
    return z @ Wb + bb


def reference(x_atom_type, edge_index, batch, emb, W1a, b1a, W1b, b1b, gamma1, beta1,
              W2a, b2a, W2b, b2b, gamma2, beta2, Wout, bout):
    src = edge_index[0]
    dst = edge_index[1]
    h = emb[x_atom_type]
    h = _gin_conv(h, src, dst, W1a, b1a, W1b, b1b)
    h = jnp.maximum(_batch_norm(h, gamma1, beta1), 0.0)
    h = _gin_conv(h, src, dst, W2a, b2a, W2b, b2b)
    h = jnp.maximum(_batch_norm(h, gamma2, beta2), 0.0)
    logits = h @ Wout + bout
    return logits

if __name__ == "__main__":
    import jax
    _d = setup_inputs()
    print(jax.jit(kernel)(*tuple(_d.values())))

</pallas_src>

<mosaic_0001>
#map = affine_map<(d0, d1) -> (0, 0)>
#map1 = affine_map<(d0, d1) -> (0)>
#map2 = affine_map<(d0, d1) -> (0, 0, 0)>
module attributes {stable_mosaic.version = 14 : i64} {
  func.func @_sc_agg(%arg0: i32, %arg1: i32, %arg2: memref<10000x128xf32, #tpu.memory_space<hbm>>, %arg3: memref<331776xi32, #tpu.memory_space<hbm>>, %arg4: memref<331776xi32, #tpu.memory_space<hbm>>, %arg5: memref<640x128xf32, #tpu.memory_space<hbm>>, %arg6: memref<2x10240x128xf32, #tpu.memory_space<hbm>>, %arg7: memref<96xi32, #tpu.memory_space<vmem>>, %arg8: memref<96xi32, #tpu.memory_space<vmem>>, %arg9: memref<96xi32, #tpu.memory_space<vmem>>, %arg10: memref<96xi32, #tpu.memory_space<vmem>>, %arg11: memref<96xi32, #tpu.memory_space<vmem>>, %arg12: memref<96xi32, #tpu.memory_space<vmem>>, %arg13: memref<96x128xf32, #tpu.memory_space<vmem>>, %arg14: memref<96x128xf32, #tpu.memory_space<vmem>>, %arg15: memref<10240x128xf32, #tpu.memory_space<vmem_shared>>, %arg16: memref<!tpu.dma_semaphore, #tpu.memory_space<semaphore_mem>>, %arg17: memref<!tpu.dma_semaphore, #tpu.memory_space<semaphore_mem>>, %arg18: memref<!tpu.dma_semaphore, #tpu.memory_space<semaphore_mem>>, %arg19: memref<!tpu.dma_semaphore, #tpu.memory_space<semaphore_mem>>, %arg20: memref<!tpu.dma_semaphore, #tpu.memory_space<semaphore_mem>>) attributes {dimension_semantics = [#tpu.dimension_semantics<core_parallel>, #tpu.dimension_semantics<subcore_parallel>], iteration_bounds = array<i64: 2, 16>, scalar_prefetch = 0 : i64, scratch_operands = 14 : i64, tpu.core_type = #tpu.core_type<sc_vector_subcore>, window_params = [{transform_indices = #map}, {transform_indices = #map1}, {transform_indices = #map1}, {transform_indices = #map}, {transform_indices = #map2}]} {
    %mul3A = arith.constant 16 : i32
    %mul3A_0 = arith.muli %arg0, %mul3A : i32
    %add3A = arith.addi %mul3A_0, %arg1 : i32
    %mul3A_1 = arith.constant 640 : i32
    %mul3A_2 = arith.muli %arg1, %mul3A_1 : i32
    "tpu.region"() ({
      %run_scoped3A = tpu.sem_alloc : memref<!tpu.dma_semaphore, #tpu.memory_space<semaphore_mem>>
      %dma_start3A_39 = arith.constant 0 : i32
      %dma_start3A_40 = tpu.memref_slice %arg15[%mul3A_2, %dma_start3A_39] : memref<10240x128xf32, #tpu.memory_space<vmem_shared>> -> memref<640x128xf32, #tpu.memory_space<vmem_shared>>
      tpu.enqueue_dma source(%arg5 : memref<640x128xf32, #tpu.memory_space<hbm>>) target(%dma_start3A_40 : memref<640x128xf32, #tpu.memory_space<vmem_shared>>) target_semaphore(%run_scoped3A : memref<!tpu.dma_semaphore, #tpu.memory_space<semaphore_mem>>)
      %dma_wait3A_41 = arith.constant 0 : i32
      %dma_wait3A_42 = tpu.memref_slice %arg15[%mul3A_2, %dma_wait3A_41] : memref<10240x128xf32, #tpu.memory_space<vmem_shared>> -> memref<640x128xf32, #tpu.memory_space<vmem_shared>>
      tpu.wait_dma2 semaphore(%run_scoped3A : memref<!tpu.dma_semaphore, #tpu.memory_space<semaphore_mem>>) src(%arg5 : memref<640x128xf32, #tpu.memory_space<hbm>>) dst(%dma_wait3A_42 : memref<640x128xf32, #tpu.memory_space<vmem_shared>>)
      tpu.yield
    }) : () -> ()
    %barrier3A = arith.constant 0 : index
    tpu.barrier barrier_id(%barrier3A)
    %mul3A_3 = arith.constant 10368 : i32
    %mul3A_4 = arith.muli %add3A, %mul3A_3 : i32
    %add3A_5 = arith.constant 0 : i32
    %add3A_6 = arith.addi %mul3A_4, %add3A_5 : i32
    %multiple_of3A = tpu.assume_multiple %add3A_6, 8 : i32
    %dma_start3A = tpu.memref_slice %arg3[%multiple_of3A] : memref<331776xi32, #tpu.memory_space<hbm>> -> memref<96xi32, #tpu.memory_space<hbm>>
    %dma_start3A_7 = tpu.memref_slice %arg3[%multiple_of3A] : memref<331776xi32, #tpu.memory_space<hbm>> -> memref<96xi32, #tpu.memory_space<hbm>>
    tpu.enqueue_dma source(%dma_start3A_7 : memref<96xi32, #tpu.memory_space<hbm>>) target(%arg7 : memref<96xi32, #tpu.memory_space<vmem>>) target_semaphore(%arg16 : memref<!tpu.dma_semaphore, #tpu.memory_space<semaphore_mem>>)
    %dma_start3A_8 = tpu.memref_slice %arg4[%multiple_of3A] : memref<331776xi32, #tpu.memory_space<hbm>> -> memref<96xi32, #tpu.memory_space<hbm>>
    %dma_start3A_9 = tpu.memref_slice %arg4[%multiple_of3A] : memref<331776xi32, #tpu.memory_space<hbm>> -> memref<96xi32, #tpu.memory_space<hbm>>
    tpu.enqueue_dma source(%dma_start3A_9 : memref<96xi32, #tpu.memory_space<hbm>>) target(%arg10 : memref<96xi32, #tpu.memory_space<vmem>>) target_semaphore(%arg16 : memref<!tpu.dma_semaphore, #tpu.memory_space<semaphore_mem>>)
    %mul3A_10 = arith.constant 10368 : i32
    %mul3A_11 = arith.muli %add3A, %mul3A_10 : i32
    %add3A_12 = arith.constant 96 : i32
    %add3A_13 = arith.addi %mul3A_11, %add3A_12 : i32
    %multiple_of3A_14 = tpu.assume_multiple %add3A_13, 8 : i32
    %dma_start3A_15 = tpu.memref_slice %arg3[%multiple_of3A_14] : memref<331776xi32, #tpu.memory_space<hbm>> -> memref<96xi32, #tpu.memory_space<hbm>>
    %dma_start3A_16 = tpu.memref_slice %arg3[%multiple_of3A_14] : memref<331776xi32, #tpu.memory_space<hbm>> -> memref<96xi32, #tpu.memory_space<hbm>>
    tpu.enqueue_dma source(%dma_start3A_16 : memref<96xi32, #tpu.memory_space<hbm>>) target(%arg8 : memref<96xi32, #tpu.memory_space<vmem>>) target_semaphore(%arg17 : memref<!tpu.dma_semaphore, #tpu.memory_space<semaphore_mem>>)
    %dma_start3A_17 = tpu.memref_slice %arg4[%multiple_of3A_14] : memref<331776xi32, #tpu.memory_space<hbm>> -> memref<96xi32, #tpu.memory_space<hbm>>
    %dma_start3A_18 = tpu.memref_slice %arg4[%multiple_of3A_14] : memref<331776xi32, #tpu.memory_space<hbm>> -> memref<96xi32, #tpu.memory_space<hbm>>
    tpu.enqueue_dma source(%dma_start3A_18 : memref<96xi32, #tpu.memory_space<hbm>>) target(%arg11 : memref<96xi32, #tpu.memory_space<vmem>>) target_semaphore(%arg17 : memref<!tpu.dma_semaphore, #tpu.memory_space<semaphore_mem>>)
    %dma_wait3A = arith.constant 0 : i32
    %dma_wait3A_19 = tpu.memref_slice %arg3[%dma_wait3A] : memref<331776xi32, #tpu.memory_space<hbm>> -> memref<96xi32, #tpu.memory_space<hbm>>
    %dma_wait3A_20 = arith.constant 0 : i32
    %dma_wait3A_21 = tpu.memref_slice %arg3[%dma_wait3A_20] : memref<331776xi32, #tpu.memory_space<hbm>> -> memref<96xi32, #tpu.memory_space<hbm>>
    tpu.wait_dma2 semaphore(%arg16 : memref<!tpu.dma_semaphore, #tpu.memory_space<semaphore_mem>>) src(%dma_wait3A_21 : memref<96xi32, #tpu.memory_space<hbm>>) dst(%arg7 : memref<96xi32, #tpu.memory_space<vmem>>)
    %dma_wait3A_22 = arith.constant 0 : i32
    %dma_wait3A_23 = tpu.memref_slice %arg4[%dma_wait3A_22] : memref<331776xi32, #tpu.memory_space<hbm>> -> memref<96xi32, #tpu.memory_space<hbm>>
    %dma_wait3A_24 = arith.constant 0 : i32
    %dma_wait3A_25 = tpu.memref_slice %arg4[%dma_wait3A_24] : memref<331776xi32, #tpu.memory_space<hbm>> -> memref<96xi32, #tpu.memory_space<hbm>>
    tpu.wait_dma2 semaphore(%arg16 : memref<!tpu.dma_semaphore, #tpu.memory_space<semaphore_mem>>) src(%dma_wait3A_25 : memref<96xi32, #tpu.memory_space<hbm>>) dst(%arg10 : memref<96xi32, #tpu.memory_space<vmem>>)
    %dma_start3A_26 = arith.constant 0 : i32
    %dma_start3A_27 = arith.constant 0 : i32
    %dma_start3A_28 = tpu.memref_slice %arg2[%dma_start3A_26, %dma_start3A_27] : memref<10000x128xf32, #tpu.memory_space<hbm>> -> memref<10000x128xf32, #tpu.memory_space<hbm>>
    tpu.enqueue_indirect_dma source(%dma_start3A_28 : memref<10000x128xf32, #tpu.memory_space<hbm>>) target(%arg13 : memref<96x128xf32, #tpu.memory_space<vmem>>) offsets(%arg7 : memref<96xi32, #tpu.memory_space<vmem>>) semaphore(%arg19 : memref<!tpu.dma_semaphore, #tpu.memory_space<semaphore_mem>>)
    %scan3A = arith.constant 0 : i32
    %scan3A_29 = arith.constant 0 : i32
    %scan3A_30 = arith.constant 18 : i32
    %scan3A_31 = arith.addi %scan3A_29, %scan3A_30 : i32
    %scan3A_32 = arith.constant 1 : i32
    scf.for %scan3A_39 = %scan3A_29 to %scan3A_31 step %scan3A_32  : i32 {
      %mul3A_40 = arith.constant 6 : i32
      %mul3A_41 = arith.muli %scan3A_39, %mul3A_40 : i32
      %add3A_42 = arith.constant 0 : i32
      %add3A_43 = arith.addi %mul3A_41, %add3A_42 : i32
      %add3A_44 = arith.constant 1 : i32
      %add3A_45 = arith.addi %add3A_43, %add3A_44 : i32
      %lt3A = arith.constant 108 : i32
      %lt3A_46 = arith.cmpi slt, %add3A_45, %lt3A : i32
      %convert_element_type3A = arith.extui %lt3A_46 : i1 to i32
      %cond3A = arith.constant 0 : i32
      %cond3A_47 = arith.cmpi ne, %convert_element_type3A, %cond3A : i32
      scf.if %cond3A_47 {
        %dma_wait3A_153 = arith.constant 0 : i32
        %dma_wait3A_154 = tpu.memref_slice %arg3[%dma_wait3A_153] : memref<331776xi32, #tpu.memory_space<hbm>> -> memref<96xi32, #tpu.memory_space<hbm>>
        %dma_wait3A_155 = arith.constant 0 : i32
        %dma_wait3A_156 = tpu.memref_slice %arg3[%dma_wait3A_155] : memref<331776xi32, #tpu.memory_space<hbm>> -> memref<96xi32, #tpu.memory_space<hbm>>
        tpu.wait_dma2 semaphore(%arg17 : memref<!tpu.dma_semaphore, #tpu.memory_space<semaphore_mem>>) src(%dma_wait3A_156 : memref<96xi32, #tpu.memory_space<hbm>>) dst(%arg8 : memref<96xi32, #tpu.memory_space<vmem>>)
        %dma_wait3A_157 = arith.constant 0 : i32
        %dma_wait3A_158 = tpu.memref_slice %arg4[%dma_wait3A_157] : memref<331776xi32, #tpu.memory_space<hbm>> -> memref<96xi32, #tpu.memory_space<hbm>>
        %dma_wait3A_159 = arith.constant 0 : i32
        %dma_wait3A_160 = tpu.memref_slice %arg4[%dma_wait3A_159] : memref<331776xi32, #tpu.memory_space<hbm>> -> memref<96xi32, #tpu.memory_space<hbm>>
        tpu.wait_dma2 semaphore(%arg17 : memref<!tpu.dma_semaphore, #tpu.memory_space<semaphore_mem>>) src(%dma_wait3A_160 : memref<96xi32, #tpu.memory_space<hbm>>) dst(%arg11 : memref<96xi32, #tpu.memory_space<vmem>>)
        %dma_start3A_161 = arith.constant 0 : i32
        %dma_start3A_162 = arith.constant 0 : i32
        %dma_start3A_163 = tpu.memref_slice %arg2[%dma_start3A_161, %dma_start3A_162] : memref<10000x128xf32, #tpu.memory_space<hbm>> -> memref<10000x128xf32, #tpu.memory_space<hbm>>
        tpu.enqueue_indirect_dma source(%dma_start3A_163 : memref<10000x128xf32, #tpu.memory_space<hbm>>) target(%arg14 : memref<96x128xf32, #tpu.memory_space<vmem>>) offsets(%arg8 : memref<96xi32, #tpu.memory_space<vmem>>) semaphore(%arg20 : memref<!tpu.dma_semaphore, #tpu.memory_space<semaphore_mem>>)
      } else {
      }
      %add3A_48 = arith.constant 2 : i32
      %add3A_49 = arith.addi %add3A_43, %add3A_48 : i32
      %lt3A_50 = arith.constant 108 : i32
      %lt3A_51 = arith.cmpi slt, %add3A_49, %lt3A_50 : i32
      %convert_element_type3A_52 = arith.extui %lt3A_51 : i1 to i32
      %cond3A_53 = arith.constant 0 : i32
      %cond3A_54 = arith.cmpi ne, %convert_element_type3A_52, %cond3A_53 : i32
      scf.if %cond3A_54 {
        %add3A_153 = arith.constant 2 : i32
        %add3A_154 = arith.addi %add3A_43, %add3A_153 : i32
        %mul3A_155 = arith.constant 10368 : i32
        %mul3A_156 = arith.muli %add3A, %mul3A_155 : i32
        %mul3A_157 = arith.constant 96 : i32
        %mul3A_158 = arith.muli %add3A_154, %mul3A_157 : i32
        %add3A_159 = arith.addi %mul3A_156, %mul3A_158 : i32
        %multiple_of3A_160 = tpu.assume_multiple %add3A_159, 8 : i32
        %dma_start3A_161 = tpu.memref_slice %arg3[%multiple_of3A_160] : memref<331776xi32, #tpu.memory_space<hbm>> -> memref<96xi32, #tpu.memory_space<hbm>>
        %dma_start3A_162 = tpu.memref_slice %arg3[%multiple_of3A_160] : memref<331776xi32, #tpu.memory_space<hbm>> -> memref<96xi32, #tpu.memory_space<hbm>>
        tpu.enqueue_dma source(%dma_start3A_162 : memref<96xi32, #tpu.memory_space<hbm>>) target(%arg9 : memref<96xi32, #tpu.memory_space<vmem>>) target_semaphore(%arg18 : memref<!tpu.dma_semaphore, #tpu.memory_space<semaphore_mem>>)
        %dma_start3A_163 = tpu.memref_slice %arg4[%multiple_of3A_160] : memref<331776xi32, #tpu.memory_space<hbm>> -> memref<96xi32, #tpu.memory_space<hbm>>
        %dma_start3A_164 = tpu.memref_slice %arg4[%multiple_of3A_160] : memref<331776xi32, #tpu.memory_space<hbm>> -> memref<96xi32, #tpu.memory_space<hbm>>
        tpu.enqueue_dma source(%dma_start3A_164 : memref<96xi32, #tpu.memory_space<hbm>>) target(%arg12 : memref<96xi32, #tpu.memory_space<vmem>>) target_semaphore(%arg18 : memref<!tpu.dma_semaphore, #tpu.memory_space<semaphore_mem>>)
      } else {
      }
      %dma_wait3A_55 = arith.constant 0 : i32
      %dma_wait3A_56 = arith.constant 0 : i32
      %dma_wait3A_57 = tpu.memref_slice %arg2[%dma_wait3A_55, %dma_wait3A_56] : memref<10000x128xf32, #tpu.memory_space<hbm>> -> memref<10000x128xf32, #tpu.memory_space<hbm>>
      tpu.wait_indirect_dma semaphore(%arg19 : memref<!tpu.dma_semaphore, #tpu.memory_space<semaphore_mem>>) src(%dma_wait3A_57 : memref<10000x128xf32, #tpu.memory_space<hbm>>) dst(%arg13 : memref<96x128xf32, #tpu.memory_space<vmem>>)
      "tpu.region"() ({
        %run_scoped3A = tpu.sem_alloc : memref<!tpu.dma_semaphore, #tpu.memory_space<semaphore_mem>>
        %dma_start3A_153 = arith.constant 0 : i32
        %dma_start3A_154 = arith.constant 0 : i32
        %dma_start3A_155 = tpu.memref_slice %arg15[%dma_start3A_153, %dma_start3A_154] : memref<10240x128xf32, #tpu.memory_space<vmem_shared>> -> memref<10240x128xf32, #tpu.memory_space<vmem_shared>>
        tpu.enqueue_indirect_dma source(%arg13 : memref<96x128xf32, #tpu.memory_space<vmem>>) target(%dma_start3A_155 : memref<10240x128xf32, #tpu.memory_space<vmem_shared>>) offsets(%arg10 : memref<96xi32, #tpu.memory_space<vmem>>) semaphore(%run_scoped3A : memref<!tpu.dma_semaphore, #tpu.memory_space<semaphore_mem>>) {add = true}
        %dma_wait3A_156 = arith.constant 0 : i32
        %dma_wait3A_157 = arith.constant 0 : i32
        %dma_wait3A_158 = tpu.memref_slice %arg15[%dma_wait3A_156, %dma_wait3A_157] : memref<10240x128xf32, #tpu.memory_space<vmem_shared>> -> memref<10240x128xf32, #tpu.memory_space<vmem_shared>>
        tpu.wait_indirect_dma semaphore(%run_scoped3A : memref<!tpu.dma_semaphore, #tpu.memory_space<semaphore_mem>>) src(%arg13 : memref<96x128xf32, #tpu.memory_space<vmem>>) dst(%dma_wait3A_158 : memref<10240x128xf32, #tpu.memory_space<vmem_shared>>)
        tpu.yield
      }) : () -> ()
      %add3A_58 = arith.constant 1 : i32
      %add3A_59 = arith.addi %mul3A_41, %add3A_58 : i32
      %add3A_60 = arith.constant 1 : i32
      %add3A_61 = arith.addi %add3A_59, %add3A_60 : i32
      %lt3A_62 = arith.constant 108 : i32
      %lt3A_63 = arith.cmpi slt, %add3A_61, %lt3A_62 : i32
      %convert_element_type3A_64 = arith.extui %lt3A_63 : i1 to i32
      %cond3A_65 = arith.constant 0 : i32
      %cond3A_66 = arith.cmpi ne, %convert_element_type3A_64, %cond3A_65 : i32
      scf.if %cond3A_66 {
        %dma_wait3A_153 = arith.constant 0 : i32
        %dma_wait3A_154 = tpu.memref_slice %arg3[%dma_wait3A_153] : memref<331776xi32, #tpu.memory_space<hbm>> -> memref<96xi32, #tpu.memory_space<hbm>>
        %dma_wait3A_155 = arith.constant 0 : i32
        %dma_wait3A_156 = tpu.memref_slice %arg3[%dma_wait3A_155] : memref<331776xi32, #tpu.memory_space<hbm>> -> memref<96xi32, #tpu.memory_space<hbm>>
        tpu.wait_dma2 semaphore(%arg18 : memref<!tpu.dma_semaphore, #tpu.memory_space<semaphore_mem>>) src(%dma_wait3A_156 : memref<96xi32, #tpu.memory_space<hbm>>) dst(%arg9 : memref<96xi32, #tpu.memory_space<vmem>>)
        %dma_wait3A_157 = arith.constant 0 : i32
        %dma_wait3A_158 = tpu.memref_slice %arg4[%dma_wait3A_157] : memref<331776xi32, #tpu.memory_space<hbm>> -> memref<96xi32, #tpu.memory_space<hbm>>
        %dma_wait3A_159 = arith.constant 0 : i32
        %dma_wait3A_160 = tpu.memref_slice %arg4[%dma_wait3A_159] : memref<331776xi32, #tpu.memory_space<hbm>> -> memref<96xi32, #tpu.memory_space<hbm>>
        tpu.wait_dma2 semaphore(%arg18 : memref<!tpu.dma_semaphore, #tpu.memory_space<semaphore_mem>>) src(%dma_wait3A_160 : memref<96xi32, #tpu.memory_space<hbm>>) dst(%arg12 : memref<96xi32, #tpu.memory_space<vmem>>)
        %dma_start3A_161 = arith.constant 0 : i32
        %dma_start3A_162 = arith.constant 0 : i32
        %dma_start3A_163 = tpu.memref_slice %arg2[%dma_start3A_161, %dma_start3A_162] : memref<10000x128xf32, #tpu.memory_space<hbm>> -> memref<10000x128xf32, #tpu.memory_space<hbm>>
        tpu.enqueue_indirect_dma source(%dma_start3A_163 : memref<10000x128xf32, #tpu.memory_space<hbm>>) target(%arg13 : memref<96x128xf32, #tpu.memory_space<vmem>>) offsets(%arg9 : memref<96xi32, #tpu.memory_space<vmem>>) semaphore(%arg19 : memref<!tpu.dma_semaphore, #tpu.memory_space<semaphore_mem>>)
      } else {
      }
      %add3A_67 = arith.constant 2 : i32
      %add3A_68 = arith.addi %add3A_59, %add3A_67 : i32
      %lt3A_69 = arith.constant 108 : i32
      %lt3A_70 = arith.cmpi slt, %add3A_68, %lt3A_69 : i32
      %convert_element_type3A_71 = arith.extui %lt3A_70 : i1 to i32
      %cond3A_72 = arith.constant 0 : i32
      %cond3A_73 = arith.cmpi ne, %convert_element_type3A_71, %cond3A_72 : i32
      scf.if %cond3A_73 {
        %add3A_153 = arith.constant 2 : i32
        %add3A_154 = arith.addi %add3A_59, %add3A_153 : i32
        %mul3A_155 = arith.constant 10368 : i32
        %mul3A_156 = arith.muli %add3A, %mul3A_155 : i32
        %mul3A_157 = arith.constant 96 : i32
        %mul3A_158 = arith.muli %add3A_154, %mul3A_157 : i32
        %add3A_159 = arith.addi %mul3A_156, %mul3A_158 : i32
        %multiple_of3A_160 = tpu.assume_multiple %add3A_159, 8 : i32
        %dma_start3A_161 = tpu.memref_slice %arg3[%multiple_of3A_160] : memref<331776xi32, #tpu.memory_space<hbm>> -> memref<96xi32, #tpu.memory_space<hbm>>
        %dma_start3A_162 = tpu.memref_slice %arg3[%multiple_of3A_160] : memref<331776xi32, #tpu.memory_space<hbm>> -> memref<96xi32, #tpu.memory_space<hbm>>
        tpu.enqueue_dma source(%dma_start3A_162 : memref<96xi32, #tpu.memory_space<hbm>>) target(%arg7 : memref<96xi32, #tpu.memory_space<vmem>>) target_semaphore(%arg16 : memref<!tpu.dma_semaphore, #tpu.memory_space<semaphore_mem>>)
        %dma_start3A_163 = tpu.memref_slice %arg4[%multiple_of3A_160] : memref<331776xi32, #tpu.memory_space<hbm>> -> memref<96xi32, #tpu.memory_space<hbm>>
        %dma_start3A_164 = tpu.memref_slice %arg4[%multiple_of3A_160] : memref<331776xi32, #tpu.memory_space<hbm>> -> memref<96xi32, #tpu.memory_space<hbm>>
        tpu.enqueue_dma source(%dma_start3A_164 : memref<96xi32, #tpu.memory_space<hbm>>) target(%arg10 : memref<96xi32, #tpu.memory_space<vmem>>) target_semaphore(%arg16 : memref<!tpu.dma_semaphore, #tpu.memory_space<semaphore_mem>>)
      } else {
      }
      %dma_wait3A_74 = arith.constant 0 : i32
      %dma_wait3A_75 = arith.constant 0 : i32
      %dma_wait3A_76 = tpu.memref_slice %arg2[%dma_wait3A_74, %dma_wait3A_75] : memref<10000x128xf32, #tpu.memory_space<hbm>> -> memref<10000x128xf32, #tpu.memory_space<hbm>>
      tpu.wait_indirect_dma semaphore(%arg20 : memref<!tpu.dma_semaphore, #tpu.memory_space<semaphore_mem>>) src(%dma_wait3A_76 : memref<10000x128xf32, #tpu.memory_space<hbm>>) dst(%arg14 : memref<96x128xf32, #tpu.memory_space<vmem>>)
      "tpu.region"() ({
        %run_scoped3A = tpu.sem_alloc : memref<!tpu.dma_semaphore, #tpu.memory_space<semaphore_mem>>
        %dma_start3A_153 = arith.constant 0 : i32
        %dma_start3A_154 = arith.constant 0 : i32
        %dma_start3A_155 = tpu.memref_slice %arg15[%dma_start3A_153, %dma_start3A_154] : memref<10240x128xf32, #tpu.memory_space<vmem_shared>> -> memref<10240x128xf32, #tpu.memory_space<vmem_shared>>
        tpu.enqueue_indirect_dma source(%arg14 : memref<96x128xf32, #tpu.memory_space<vmem>>) target(%dma_start3A_155 : memref<10240x128xf32, #tpu.memory_space<vmem_shared>>) offsets(%arg11 : memref<96xi32, #tpu.memory_space<vmem>>) semaphore(%run_scoped3A : memref<!tpu.dma_semaphore, #tpu.memory_space<semaphore_mem>>) {add = true}
        %dma_wait3A_156 = arith.constant 0 : i32
        %dma_wait3A_157 = arith.constant 0 : i32
        %dma_wait3A_158 = tpu.memref_slice %arg15[%dma_wait3A_156, %dma_wait3A_157] : memref<10240x128xf32, #tpu.memory_space<vmem_shared>> -> memref<10240x128xf32, #tpu.memory_space<vmem_shared>>
        tpu.wait_indirect_dma semaphore(%run_scoped3A : memref<!tpu.dma_semaphore, #tpu.memory_space<semaphore_mem>>) src(%arg14 : memref<96x128xf32, #tpu.memory_space<vmem>>) dst(%dma_wait3A_158 : memref<10240x128xf32, #tpu.memory_space<vmem_shared>>)
        tpu.yield
      }) : () -> ()
      %add3A_77 = arith.constant 2 : i32
      %add3A_78 = arith.addi %mul3A_41, %add3A_77 : i32
      %add3A_79 = arith.constant 1 : i32
      %add3A_80 = arith.addi %add3A_78, %add3A_79 : i32
      %lt3A_81 = arith.constant 108 : i32
      %lt3A_82 = arith.cmpi slt, %add3A_80, %lt3A_81 : i32
      %convert_element_type3A_83 = arith.extui %lt3A_82 : i1 to i32
      %cond3A_84 = arith.constant 0 : i32
      %cond3A_85 = arith.cmpi ne, %convert_element_type3A_83, %cond3A_84 : i32
      scf.if %cond3A_85 {
        %dma_wait3A_153 = arith.constant 0 : i32
        %dma_wait3A_154 = tpu.memref_slice %arg3[%dma_wait3A_153] : memref<331776xi32, #tpu.memory_space<hbm>> -> memref<96xi32, #tpu.memory_space<hbm>>
        %dma_wait3A_155 = arith.constant 0 : i32
        %dma_wait3A_156 = tpu.memref_slice %arg3[%dma_wait3A_155] : memref<331776xi32, #tpu.memory_space<hbm>> -> memref<96xi32, #tpu.memory_space<hbm>>
        tpu.wait_dma2 semaphore(%arg16 : memref<!tpu.dma_semaphore, #tpu.memory_space<semaphore_mem>>) src(%dma_wait3A_156 : memref<96xi32, #tpu.memory_space<hbm>>) dst(%arg7 : memref<96xi32, #tpu.memory_space<vmem>>)
        %dma_wait3A_157 = arith.constant 0 : i32
        %dma_wait3A_158 = tpu.memref_slice %arg4[%dma_wait3A_157] : memref<331776xi32, #tpu.memory_space<hbm>> -> memref<96xi32, #tpu.memory_space<hbm>>
        %dma_wait3A_159 = arith.constant 0 : i32
        %dma_wait3A_160 = tpu.memref_slice %arg4[%dma_wait3A_159] : memref<331776xi32, #tpu.memory_space<hbm>> -> memref<96xi32, #tpu.memory_space<hbm>>
        tpu.wait_dma2 semaphore(%arg16 : memref<!tpu.dma_semaphore, #tpu.memory_space<semaphore_mem>>) src(%dma_wait3A_160 : memref<96xi32, #tpu.memory_space<hbm>>) dst(%arg10 : memref<96xi32, #tpu.memory_space<vmem>>)
        %dma_start3A_161 = arith.constant 0 : i32
        %dma_start3A_162 = arith.constant 0 : i32
        %dma_start3A_163 = tpu.memref_slice %arg2[%dma_start3A_161, %dma_start3A_162] : memref<10000x128xf32, #tpu.memory_space<hbm>> -> memref<10000x128xf32, #tpu.memory_space<hbm>>
        tpu.enqueue_indirect_dma source(%dma_start3A_163 : memref<10000x128xf32, #tpu.memory_space<hbm>>) target(%arg14 : memref<96x128xf32, #tpu.memory_space<vmem>>) offsets(%arg7 : memref<96xi32, #tpu.memory_space<vmem>>) semaphore(%arg20 : memref<!tpu.dma_semaphore, #tpu.memory_space<semaphore_mem>>)
      } else {
      }
      %add3A_86 = arith.constant 2 : i32
      %add3A_87 = arith.addi %add3A_78, %add3A_86 : i32
      %lt3A_88 = arith.constant 108 : i32
      %lt3A_89 = arith.cmpi slt, %add3A_87, %lt3A_88 : i32
      %convert_element_type3A_90 = arith.extui %lt3A_89 : i1 to i32
      %cond3A_91 = arith.constant 0 : i32
      %cond3A_92 = arith.cmpi ne, %convert_element_type3A_90, %cond3A_91 : i32
      scf.if %cond3A_92 {
        %add3A_153 = arith.constant 2 : i32
        %add3A_154 = arith.addi %add3A_78, %add3A_153 : i32
        %mul3A_155 = arith.constant 10368 : i32
        %mul3A_156 = arith.muli %add3A, %mul3A_155 : i32
        %mul3A_157 = arith.constant 96 : i32
        %mul3A_158 = arith.muli %add3A_154, %mul3A_157 : i32
        %add3A_159 = arith.addi %mul3A_156, %mul3A_158 : i32
        %multiple_of3A_160 = tpu.assume_multiple %add3A_159, 8 : i32
        %dma_start3A_161 = tpu.memref_slice %arg3[%multiple_of3A_160] : memref<331776xi32, #tpu.memory_space<hbm>> -> memref<96xi32, #tpu.memory_space<hbm>>
        %dma_start3A_162 = tpu.memref_slice %arg3[%multiple_of3A_160] : memref<331776xi32, #tpu.memory_space<hbm>> -> memref<96xi32, #tpu.memory_space<hbm>>
        tpu.enqueue_dma source(%dma_start3A_162 : memref<96xi32, #tpu.memory_space<hbm>>) target(%arg8 : memref<96xi32, #tpu.memory_space<vmem>>) target_semaphore(%arg17 : memref<!tpu.dma_semaphore, #tpu.memory_space<semaphore_mem>>)
        %dma_start3A_163 = tpu.memref_slice %arg4[%multiple_of3A_160] : memref<331776xi32, #tpu.memory_space<hbm>> -> memref<96xi32, #tpu.memory_space<hbm>>
        %dma_start3A_164 = tpu.memref_slice %arg4[%multiple_of3A_160] : memref<331776xi32, #tpu.memory_space<hbm>> -> memref<96xi32, #tpu.memory_space<hbm>>
        tpu.enqueue_dma source(%dma_start3A_164 : memref<96xi32, #tpu.memory_space<hbm>>) target(%arg11 : memref<96xi32, #tpu.memory_space<vmem>>) target_semaphore(%arg17 : memref<!tpu.dma_semaphore, #tpu.memory_space<semaphore_mem>>)
      } else {
      }
      %dma_wait3A_93 = arith.constant 0 : i32
      %dma_wait3A_94 = arith.constant 0 : i32
      %dma_wait3A_95 = tpu.memref_slice %arg2[%dma_wait3A_93, %dma_wait3A_94] : memref<10000x128xf32, #tpu.memory_space<hbm>> -> memref<10000x128xf32, #tpu.memory_space<hbm>>
      tpu.wait_indirect_dma semaphore(%arg19 : memref<!tpu.dma_semaphore, #tpu.memory_space<semaphore_mem>>) src(%dma_wait3A_95 : memref<10000x128xf32, #tpu.memory_space<hbm>>) dst(%arg13 : memref<96x128xf32, #tpu.memory_space<vmem>>)
      "tpu.region"() ({
        %run_scoped3A = tpu.sem_alloc : memref<!tpu.dma_semaphore, #tpu.memory_space<semaphore_mem>>
        %dma_start3A_153 = arith.constant 0 : i32
        %dma_start3A_154 = arith.constant 0 : i32
        %dma_start3A_155 = tpu.memref_slice %arg15[%dma_start3A_153, %dma_start3A_154] : memref<10240x128xf32, #tpu.memory_space<vmem_shared>> -> memref<10240x128xf32, #tpu.memory_space<vmem_shared>>
        tpu.enqueue_indirect_dma source(%arg13 : memref<96x128xf32, #tpu.memory_space<vmem>>) target(%dma_start3A_155 : memref<10240x128xf32, #tpu.memory_space<vmem_shared>>) offsets(%arg12 : memref<96xi32, #tpu.memory_space<vmem>>) semaphore(%run_scoped3A : memref<!tpu.dma_semaphore, #tpu.memory_space<semaphore_mem>>) {add = true}
        %dma_wait3A_156 = arith.constant 0 : i32
        %dma_wait3A_157 = arith.constant 0 : i32
        %dma_wait3A_158 = tpu.memref_slice %arg15[%dma_wait3A_156, %dma_wait3A_157] : memref<10240x128xf32, #tpu.memory_space<vmem_shared>> -> memref<10240x128xf32, #tpu.memory_space<vmem_shared>>
        tpu.wait_indirect_dma semaphore(%run_scoped3A : memref<!tpu.dma_semaphore, #tpu.memory_space<semaphore_mem>>) src(%arg13 : memref<96x128xf32, #tpu.memory_space<vmem>>) dst(%dma_wait3A_158 : memref<10240x128xf32, #tpu.memory_space<vmem_shared>>)
        tpu.yield
      }) : () -> ()
      %add3A_96 = arith.constant 3 : i32
      %add3A_97 = arith.addi %mul3A_41, %add3A_96 : i32
      %add3A_98 = arith.constant 1 : i32
      %add3A_99 = arith.addi %add3A_97, %add3A_98 : i32
      %lt3A_100 = arith.constant 108 : i32
      %lt3A_101 = arith.cmpi slt, %add3A_99, %lt3A_100 : i32
      %convert_element_type3A_102 = arith.extui %lt3A_101 : i1 to i32
      %cond3A_103 = arith.constant 0 : i32
      %cond3A_104 = arith.cmpi ne, %convert_element_type3A_102, %cond3A_103 : i32
      scf.if %cond3A_104 {
        %dma_wait3A_153 = arith.constant 0 : i32
        %dma_wait3A_154 = tpu.memref_slice %arg3[%dma_wait3A_153] : memref<331776xi32, #tpu.memory_space<hbm>> -> memref<96xi32, #tpu.memory_space<hbm>>
        %dma_wait3A_155 = arith.constant 0 : i32
        %dma_wait3A_156 = tpu.memref_slice %arg3[%dma_wait3A_155] : memref<331776xi32, #tpu.memory_space<hbm>> -> memref<96xi32, #tpu.memory_space<hbm>>
        tpu.wait_dma2 semaphore(%arg17 : memref<!tpu.dma_semaphore, #tpu.memory_space<semaphore_mem>>) src(%dma_wait3A_156 : memref<96xi32, #tpu.memory_space<hbm>>) dst(%arg8 : memref<96xi32, #tpu.memory_space<vmem>>)
        %dma_wait3A_157 = arith.constant 0 : i32
        %dma_wait3A_158 = tpu.memref_slice %arg4[%dma_wait3A_157] : memref<331776xi32, #tpu.memory_space<hbm>> -> memref<96xi32, #tpu.memory_space<hbm>>
        %dma_wait3A_159 = arith.constant 0 : i32
        %dma_wait3A_160 = tpu.memref_slice %arg4[%dma_wait3A_159] : memref<331776xi32, #tpu.memory_space<hbm>> -> memref<96xi32, #tpu.memory_space<hbm>>
        tpu.wait_dma2 semaphore(%arg17 : memref<!tpu.dma_semaphore, #tpu.memory_space<semaphore_mem>>) src(%dma_wait3A_160 : memref<96xi32, #tpu.memory_space<hbm>>) dst(%arg11 : memref<96xi32, #tpu.memory_space<vmem>>)
        %dma_start3A_161 = arith.constant 0 : i32
        %dma_start3A_162 = arith.constant 0 : i32
        %dma_start3A_163 = tpu.memref_slice %arg2[%dma_start3A_161, %dma_start3A_162] : memref<10000x128xf32, #tpu.memory_space<hbm>> -> memref<10000x128xf32, #tpu.memory_space<hbm>>
        tpu.enqueue_indirect_dma source(%dma_start3A_163 : memref<10000x128xf32, #tpu.memory_space<hbm>>) target(%arg13 : memref<96x128xf32, #tpu.memory_space<vmem>>) offsets(%arg8 : memref<96xi32, #tpu.memory_space<vmem>>) semaphore(%arg19 : memref<!tpu.dma_semaphore, #tpu.memory_space<semaphore_mem>>)
      } else {
      }
      %add3A_105 = arith.constant 2 : i32
      %add3A_106 = arith.addi %add3A_97, %add3A_105 : i32
      %lt3A_107 = arith.constant 108 : i32
      %lt3A_108 = arith.cmpi slt, %add3A_106, %lt3A_107 : i32
      %convert_element_type3A_109 = arith.extui %lt3A_108 : i1 to i32
      %cond3A_110 = arith.constant 0 : i32
      %cond3A_111 = arith.cmpi ne, %convert_element_type3A_109, %cond3A_110 : i32
      scf.if %cond3A_111 {
        %add3A_153 = arith.constant 2 : i32
        %add3A_154 = arith.addi %add3A_97, %add3A_153 : i32
        %mul3A_155 = arith.constant 10368 : i32
        %mul3A_156 = arith.muli %add3A, %mul3A_155 : i32
        %mul3A_157 = arith.constant 96 : i32
        %mul3A_158 = arith.muli %add3A_154, %mul3A_157 : i32
        %add3A_159 = arith.addi %mul3A_156, %mul3A_158 : i32
        %multiple_of3A_160 = tpu.assume_multiple %add3A_159, 8 : i32
        %dma_start3A_161 = tpu.memref_slice %arg3[%multiple_of3A_160] : memref<331776xi32, #tpu.memory_space<hbm>> -> memref<96xi32, #tpu.memory_space<hbm>>
        %dma_start3A_162 = tpu.memref_slice %arg3[%multiple_of3A_160] : memref<331776xi32, #tpu.memory_space<hbm>> -> memref<96xi32, #tpu.memory_space<hbm>>
        tpu.enqueue_dma source(%dma_start3A_162 : memref<96xi32, #tpu.memory_space<hbm>>) target(%arg9 : memref<96xi32, #tpu.memory_space<vmem>>) target_semaphore(%arg18 : memref<!tpu.dma_semaphore, #tpu.memory_space<semaphore_mem>>)
        %dma_start3A_163 = tpu.memref_slice %arg4[%multiple_of3A_160] : memref<331776xi32, #tpu.memory_space<hbm>> -> memref<96xi32, #tpu.memory_space<hbm>>
        %dma_start3A_164 = tpu.memref_slice %arg4[%multiple_of3A_160] : memref<331776xi32, #tpu.memory_space<hbm>> -> memref<96xi32, #tpu.memory_space<hbm>>
        tpu.enqueue_dma source(%dma_start3A_164 : memref<96xi32, #tpu.memory_space<hbm>>) target(%arg12 : memref<96xi32, #tpu.memory_space<vmem>>) target_semaphore(%arg18 : memref<!tpu.dma_semaphore, #tpu.memory_space<semaphore_mem>>)
      } else {
      }
      %dma_wait3A_112 = arith.constant 0 : i32
      %dma_wait3A_113 = arith.constant 0 : i32
      %dma_wait3A_114 = tpu.memref_slice %arg2[%dma_wait3A_112, %dma_wait3A_113] : memref<10000x128xf32, #tpu.memory_space<hbm>> -> memref<10000x128xf32, #tpu.memory_space<hbm>>
      tpu.wait_indirect_dma semaphore(%arg20 : memref<!tpu.dma_semaphore, #tpu.memory_space<semaphore_mem>>) src(%dma_wait3A_114 : memref<10000x128xf32, #tpu.memory_space<hbm>>) dst(%arg14 : memref<96x128xf32, #tpu.memory_space<vmem>>)
      "tpu.region"() ({
        %run_scoped3A = tpu.sem_alloc : memref<!tpu.dma_semaphore, #tpu.memory_space<semaphore_mem>>
        %dma_start3A_153 = arith.constant 0 : i32
        %dma_start3A_154 = arith.constant 0 : i32
        %dma_start3A_155 = tpu.memref_slice %arg15[%dma_start3A_153, %dma_start3A_154] : memref<10240x128xf32, #tpu.memory_space<vmem_shared>> -> memref<10240x128xf32, #tpu.memory_space<vmem_shared>>
        tpu.enqueue_indirect_dma source(%arg14 : memref<96x128xf32, #tpu.memory_space<vmem>>) target(%dma_start3A_155 : memref<10240x128xf32, #tpu.memory_space<vmem_shared>>) offsets(%arg10 : memref<96xi32, #tpu.memory_space<vmem>>) semaphore(%run_scoped3A : memref<!tpu.dma_semaphore, #tpu.memory_space<semaphore_mem>>) {add = true}
        %dma_wait3A_156 = arith.constant 0 : i32
        %dma_wait3A_157 = arith.constant 0 : i32
        %dma_wait3A_158 = tpu.memref_slice %arg15[%dma_wait3A_156, %dma_wait3A_157] : memref<10240x128xf32, #tpu.memory_space<vmem_shared>> -> memref<10240x128xf32, #tpu.memory_space<vmem_shared>>
        tpu.wait_indirect_dma semaphore(%run_scoped3A : memref<!tpu.dma_semaphore, #tpu.memory_space<semaphore_mem>>) src(%arg14 : memref<96x128xf32, #tpu.memory_space<vmem>>) dst(%dma_wait3A_158 : memref<10240x128xf32, #tpu.memory_space<vmem_shared>>)
        tpu.yield
      }) : () -> ()
      %add3A_115 = arith.constant 4 : i32
      %add3A_116 = arith.addi %mul3A_41, %add3A_115 : i32
      %add3A_117 = arith.constant 1 : i32
      %add3A_118 = arith.addi %add3A_116, %add3A_117 : i32
      %lt3A_119 = arith.constant 108 : i32
      %lt3A_120 = arith.cmpi slt, %add3A_118, %lt3A_119 : i32
      %convert_element_type3A_121 = arith.extui %lt3A_120 : i1 to i32
      %cond3A_122 = arith.constant 0 : i32
      %cond3A_123 = arith.cmpi ne, %convert_element_type3A_121, %cond3A_122 : i32
      scf.if %cond3A_123 {
        %dma_wait3A_153 = arith.constant 0 : i32
        %dma_wait3A_154 = tpu.memref_slice %arg3[%dma_wait3A_153] : memref<331776xi32, #tpu.memory_space<hbm>> -> memref<96xi32, #tpu.memory_space<hbm>>
        %dma_wait3A_155 = arith.constant 0 : i32
        %dma_wait3A_156 = tpu.memref_slice %arg3[%dma_wait3A_155] : memref<331776xi32, #tpu.memory_space<hbm>> -> memref<96xi32, #tpu.memory_space<hbm>>
        tpu.wait_dma2 semaphore(%arg18 : memref<!tpu.dma_semaphore, #tpu.memory_space<semaphore_mem>>) src(%dma_wait3A_156 : memref<96xi32, #tpu.memory_space<hbm>>) dst(%arg9 : memref<96xi32, #tpu.memory_space<vmem>>)
        %dma_wait3A_157 = arith.constant 0 : i32
        %dma_wait3A_158 = tpu.memref_slice %arg4[%dma_wait3A_157] : memref<331776xi32, #tpu.memory_space<hbm>> -> memref<96xi32, #tpu.memory_space<hbm>>
        %dma_wait3A_159 = arith.constant 0 : i32
        %dma_wait3A_160 = tpu.memref_slice %arg4[%dma_wait3A_159] : memref<331776xi32, #tpu.memory_space<hbm>> -> memref<96xi32, #tpu.memory_space<hbm>>
        tpu.wait_dma2 semaphore(%arg18 : memref<!tpu.dma_semaphore, #tpu.memory_space<semaphore_mem>>) src(%dma_wait3A_160 : memref<96xi32, #tpu.memory_space<hbm>>) dst(%arg12 : memref<96xi32, #tpu.memory_space<vmem>>)
        %dma_start3A_161 = arith.constant 0 : i32
        %dma_start3A_162 = arith.constant 0 : i32
        %dma_start3A_163 = tpu.memref_slice %arg2[%dma_start3A_161, %dma_start3A_162] : memref<10000x128xf32, #tpu.memory_space<hbm>> -> memref<10000x128xf32, #tpu.memory_space<hbm>>
        tpu.enqueue_indirect_dma source(%dma_start3A_163 : memref<10000x128xf32, #tpu.memory_space<hbm>>) target(%arg14 : memref<96x128xf32, #tpu.memory_space<vmem>>) offsets(%arg9 : memref<96xi32, #tpu.memory_space<vmem>>) semaphore(%arg20 : memref<!tpu.dma_semaphore, #tpu.memory_space<semaphore_mem>>)
      } else {
      }
      %add3A_124 = arith.constant 2 : i32
      %add3A_125 = arith.addi %add3A_116, %add3A_124 : i32
      %lt3A_126 = arith.constant 108 : i32
      %lt3A_127 = arith.cmpi slt, %add3A_125, %lt3A_126 : i32
      %convert_element_type3A_128 = arith.extui %lt3A_127 : i1 to i32
      %cond3A_129 = arith.constant 0 : i32
      %cond3A_130 = arith.cmpi ne, %convert_element_type3A_128, %cond3A_129 : i32
      scf.if %cond3A_130 {
        %add3A_153 = arith.constant 2 : i32
        %add3A_154 = arith.addi %add3A_116, %add3A_153 : i32
        %mul3A_155 = arith.constant 10368 : i32
        %mul3A_156 = arith.muli %add3A, %mul3A_155 : i32
        %mul3A_157 = arith.constant 96 : i32
        %mul3A_158 = arith.muli %add3A_154, %mul3A_157 : i32
        %add3A_159 = arith.addi %mul3A_156, %mul3A_158 : i32
        %multiple_of3A_160 = tpu.assume_multiple %add3A_159, 8 : i32
        %dma_start3A_161 = tpu.memref_slice %arg3[%multiple_of3A_160] : memref<331776xi32, #tpu.memory_space<hbm>> -> memref<96xi32, #tpu.memory_space<hbm>>
        %dma_start3A_162 = tpu.memref_slice %arg3[%multiple_of3A_160] : memref<331776xi32, #tpu.memory_space<hbm>> -> memref<96xi32, #tpu.memory_space<hbm>>
        tpu.enqueue_dma source(%dma_start3A_162 : memref<96xi32, #tpu.memory_space<hbm>>) target(%arg7 : memref<96xi32, #tpu.memory_space<vmem>>) target_semaphore(%arg16 : memref<!tpu.dma_semaphore, #tpu.memory_space<semaphore_mem>>)
        %dma_start3A_163 = tpu.memref_slice %arg4[%multiple_of3A_160] : memref<331776xi32, #tpu.memory_space<hbm>> -> memref<96xi32, #tpu.memory_space<hbm>>
        %dma_start3A_164 = tpu.memref_slice %arg4[%multiple_of3A_160] : memref<331776xi32, #tpu.memory_space<hbm>> -> memref<96xi32, #tpu.memory_space<hbm>>
        tpu.enqueue_dma source(%dma_start3A_164 : memref<96xi32, #tpu.memory_space<hbm>>) target(%arg10 : memref<96xi32, #tpu.memory_space<vmem>>) target_semaphore(%arg16 : memref<!tpu.dma_semaphore, #tpu.memory_space<semaphore_mem>>)
      } else {
      }
      %dma_wait3A_131 = arith.constant 0 : i32
      %dma_wait3A_132 = arith.constant 0 : i32
      %dma_wait3A_133 = tpu.memref_slice %arg2[%dma_wait3A_131, %dma_wait3A_132] : memref<10000x128xf32, #tpu.memory_space<hbm>> -> memref<10000x128xf32, #tpu.memory_space<hbm>>
      tpu.wait_indirect_dma semaphore(%arg19 : memref<!tpu.dma_semaphore, #tpu.memory_space<semaphore_mem>>) src(%dma_wait3A_133 : memref<10000x128xf32, #tpu.memory_space<hbm>>) dst(%arg13 : memref<96x128xf32, #tpu.memory_space<vmem>>)
      "tpu.region"() ({
        %run_scoped3A = tpu.sem_alloc : memref<!tpu.dma_semaphore, #tpu.memory_space<semaphore_mem>>
        %dma_start3A_153 = arith.constant 0 : i32
        %dma_start3A_154 = arith.constant 0 : i32
        %dma_start3A_155 = tpu.memref_slice %arg15[%dma_start3A_153, %dma_start3A_154] : memref<10240x128xf32, #tpu.memory_space<vmem_shared>> -> memref<10240x128xf32, #tpu.memory_space<vmem_shared>>
        tpu.enqueue_indirect_dma source(%arg13 : memref<96x128xf32, #tpu.memory_space<vmem>>) target(%dma_start3A_155 : memref<10240x128xf32, #tpu.memory_space<vmem_shared>>) offsets(%arg11 : memref<96xi32, #tpu.memory_space<vmem>>) semaphore(%run_scoped3A : memref<!tpu.dma_semaphore, #tpu.memory_space<semaphore_mem>>) {add = true}
        %dma_wait3A_156 = arith.constant 0 : i32
        %dma_wait3A_157 = arith.constant 0 : i32
        %dma_wait3A_158 = tpu.memref_slice %arg15[%dma_wait3A_156, %dma_wait3A_157] : memref<10240x128xf32, #tpu.memory_space<vmem_shared>> -> memref<10240x128xf32, #tpu.memory_space<vmem_shared>>
        tpu.wait_indirect_dma semaphore(%run_scoped3A : memref<!tpu.dma_semaphore, #tpu.memory_space<semaphore_mem>>) src(%arg13 : memref<96x128xf32, #tpu.memory_space<vmem>>) dst(%dma_wait3A_158 : memref<10240x128xf32, #tpu.memory_space<vmem_shared>>)
        tpu.yield
      }) : () -> ()
      %add3A_134 = arith.constant 5 : i32
      %add3A_135 = arith.addi %mul3A_41, %add3A_134 : i32
      %add3A_136 = arith.constant 1 : i32
      %add3A_137 = arith.addi %add3A_135, %add3A_136 : i32
      %lt3A_138 = arith.constant 108 : i32
      %lt3A_139 = arith.cmpi slt, %add3A_137, %lt3A_138 : i32
      %convert_element_type3A_140 = arith.extui %lt3A_139 : i1 to i32
      %cond3A_141 = arith.constant 0 : i32
      %cond3A_142 = arith.cmpi ne, %convert_element_type3A_140, %cond3A_141 : i32
      scf.if %cond3A_142 {
        %dma_wait3A_153 = arith.constant 0 : i32
        %dma_wait3A_154 = tpu.memref_slice %arg3[%dma_wait3A_153] : memref<331776xi32, #tpu.memory_space<hbm>> -> memref<96xi32, #tpu.memory_space<hbm>>
        %dma_wait3A_155 = arith.constant 0 : i32
        %dma_wait3A_156 = tpu.memref_slice %arg3[%dma_wait3A_155] : memref<331776xi32, #tpu.memory_space<hbm>> -> memref<96xi32, #tpu.memory_space<hbm>>
        tpu.wait_dma2 semaphore(%arg16 : memref<!tpu.dma_semaphore, #tpu.memory_space<semaphore_mem>>) src(%dma_wait3A_156 : memref<96xi32, #tpu.memory_space<hbm>>) dst(%arg7 : memref<96xi32, #tpu.memory_space<vmem>>)
        %dma_wait3A_157 = arith.constant 0 : i32
        %dma_wait3A_158 = tpu.memref_slice %arg4[%dma_wait3A_157] : memref<331776xi32, #tpu.memory_space<hbm>> -> memref<96xi32, #tpu.memory_space<hbm>>
        %dma_wait3A_159 = arith.constant 0 : i32
        %dma_wait3A_160 = tpu.memref_slice %arg4[%dma_wait3A_159] : memref<331776xi32, #tpu.memory_space<hbm>> -> memref<96xi32, #tpu.memory_space<hbm>>
        tpu.wait_dma2 semaphore(%arg16 : memref<!tpu.dma_semaphore, #tpu.memory_space<semaphore_mem>>) src(%dma_wait3A_160 : memref<96xi32, #tpu.memory_space<hbm>>) dst(%arg10 : memref<96xi32, #tpu.memory_space<vmem>>)
        %dma_start3A_161 = arith.constant 0 : i32
        %dma_start3A_162 = arith.constant 0 : i32
        %dma_start3A_163 = tpu.memref_slice %arg2[%dma_start3A_161, %dma_start3A_162] : memref<10000x128xf32, #tpu.memory_space<hbm>> -> memref<10000x128xf32, #tpu.memory_space<hbm>>
        tpu.enqueue_indirect_dma source(%dma_start3A_163 : memref<10000x128xf32, #tpu.memory_space<hbm>>) target(%arg13 : memref<96x128xf32, #tpu.memory_space<vmem>>) offsets(%arg7 : memref<96xi32, #tpu.memory_space<vmem>>) semaphore(%arg19 : memref<!tpu.dma_semaphore, #tpu.memory_space<semaphore_mem>>)
      } else {
      }
      %add3A_143 = arith.constant 2 : i32
      %add3A_144 = arith.addi %add3A_135, %add3A_143 : i32
      %lt3A_145 = arith.constant 108 : i32
      %lt3A_146 = arith.cmpi slt, %add3A_144, %lt3A_145 : i32
      %convert_element_type3A_147 = arith.extui %lt3A_146 : i1 to i32
      %cond3A_148 = arith.constant 0 : i32
      %cond3A_149 = arith.cmpi ne, %convert_element_type3A_147, %cond3A_148 : i32
      scf.if %cond3A_149 {
        %add3A_153 = arith.constant 2 : i32
        %add3A_154 = arith.addi %add3A_135, %add3A_153 : i32
        %mul3A_155 = arith.constant 10368 : i32
        %mul3A_156 = arith.muli %add3A, %mul3A_155 : i32
        %mul3A_157 = arith.constant 96 : i32
        %mul3A_158 = arith.muli %add3A_154, %mul3A_157 : i32
        %add3A_159 = arith.addi %mul3A_156, %mul3A_158 : i32
        %multiple_of3A_160 = tpu.assume_multiple %add3A_159, 8 : i32
        %dma_start3A_161 = tpu.memref_slice %arg3[%multiple_of3A_160] : memref<331776xi32, #tpu.memory_space<hbm>> -> memref<96xi32, #tpu.memory_space<hbm>>
        %dma_start3A_162 = tpu.memref_slice %arg3[%multiple_of3A_160] : memref<331776xi32, #tpu.memory_space<hbm>> -> memref<96xi32, #tpu.memory_space<hbm>>
        tpu.enqueue_dma source(%dma_start3A_162 : memref<96xi32, #tpu.memory_space<hbm>>) target(%arg8 : memref<96xi32, #tpu.memory_space<vmem>>) target_semaphore(%arg17 : memref<!tpu.dma_semaphore, #tpu.memory_space<semaphore_mem>>)
        %dma_start3A_163 = tpu.memref_slice %arg4[%multiple_of3A_160] : memref<331776xi32, #tpu.memory_space<hbm>> -> memref<96xi32, #tpu.memory_space<hbm>>
        %dma_start3A_164 = tpu.memref_slice %arg4[%multiple_of3A_160] : memref<331776xi32, #tpu.memory_space<hbm>> -> memref<96xi32, #tpu.memory_space<hbm>>
        tpu.enqueue_dma source(%dma_start3A_164 : memref<96xi32, #tpu.memory_space<hbm>>) target(%arg11 : memref<96xi32, #tpu.memory_space<vmem>>) target_semaphore(%arg17 : memref<!tpu.dma_semaphore, #tpu.memory_space<semaphore_mem>>)
      } else {
      }
      %dma_wait3A_150 = arith.constant 0 : i32
      %dma_wait3A_151 = arith.constant 0 : i32
      %dma_wait3A_152 = tpu.memref_slice %arg2[%dma_wait3A_150, %dma_wait3A_151] : memref<10000x128xf32, #tpu.memory_space<hbm>> -> memref<10000x128xf32, #tpu.memory_space<hbm>>
      tpu.wait_indirect_dma semaphore(%arg20 : memref<!tpu.dma_semaphore, #tpu.memory_space<semaphore_mem>>) src(%dma_wait3A_152 : memref<10000x128xf32, #tpu.memory_space<hbm>>) dst(%arg14 : memref<96x128xf32, #tpu.memory_space<vmem>>)
      "tpu.region"() ({
        %run_scoped3A = tpu.sem_alloc : memref<!tpu.dma_semaphore, #tpu.memory_space<semaphore_mem>>
        %dma_start3A_153 = arith.constant 0 : i32
        %dma_start3A_154 = arith.constant 0 : i32
        %dma_start3A_155 = tpu.memref_slice %arg15[%dma_start3A_153, %dma_start3A_154] : memref<10240x128xf32, #tpu.memory_space<vmem_shared>> -> memref<10240x128xf32, #tpu.memory_space<vmem_shared>>
        tpu.enqueue_indirect_dma source(%arg14 : memref<96x128xf32, #tpu.memory_space<vmem>>) target(%dma_start3A_155 : memref<10240x128xf32, #tpu.memory_space<vmem_shared>>) offsets(%arg12 : memref<96xi32, #tpu.memory_space<vmem>>) semaphore(%run_scoped3A : memref<!tpu.dma_semaphore, #tpu.memory_space<semaphore_mem>>) {add = true}
        %dma_wait3A_156 = arith.constant 0 : i32
        %dma_wait3A_157 = arith.constant 0 : i32
        %dma_wait3A_158 = tpu.memref_slice %arg15[%dma_wait3A_156, %dma_wait3A_157] : memref<10240x128xf32, #tpu.memory_space<vmem_shared>> -> memref<10240x128xf32, #tpu.memory_space<vmem_shared>>
        tpu.wait_indirect_dma semaphore(%run_scoped3A : memref<!tpu.dma_semaphore, #tpu.memory_space<semaphore_mem>>) src(%arg14 : memref<96x128xf32, #tpu.memory_space<vmem>>) dst(%dma_wait3A_158 : memref<10240x128xf32, #tpu.memory_space<vmem_shared>>)
        tpu.yield
      }) : () -> ()
    }
    %scan3A_33 = arith.constant 18 : i32
    %barrier3A_34 = arith.constant 0 : index
    tpu.barrier barrier_id(%barrier3A_34)
    %mul3A_35 = arith.constant 640 : i32
    %mul3A_36 = arith.muli %arg1, %mul3A_35 : i32
    %mul3A_37 = arith.constant 640 : i32
    %mul3A_38 = arith.muli %arg1, %mul3A_37 : i32
    "tpu.region"() ({
      %run_scoped3A = tpu.sem_alloc : memref<!tpu.dma_semaphore, #tpu.memory_space<semaphore_mem>>
      %dma_start3A_39 = arith.constant 0 : i32
      %dma_start3A_40 = tpu.memref_slice %arg6[%arg0, %mul3A_38, %dma_start3A_39] : memref<2x10240x128xf32, #tpu.memory_space<hbm>> -> memref<1x640x128xf32, #tpu.memory_space<hbm>>
      %dma_start3A_41 = tpu.memref_squeeze %dma_start3A_40 : memref<1x640x128xf32, #tpu.memory_space<hbm>> -> memref<640x128xf32, #tpu.memory_space<hbm>>
      %dma_start3A_42 = arith.constant 0 : i32
      %dma_start3A_43 = tpu.memref_slice %arg15[%mul3A_36, %dma_start3A_42] : memref<10240x128xf32, #tpu.memory_space<vmem_shared>> -> memref<640x128xf32, #tpu.memory_space<vmem_shared>>
      tpu.enqueue_dma source(%dma_start3A_43 : memref<640x128xf32, #tpu.memory_space<vmem_shared>>) target(%dma_start3A_41 : memref<640x128xf32, #tpu.memory_space<hbm>>) target_semaphore(%run_scoped3A : memref<!tpu.dma_semaphore, #tpu.memory_space<semaphore_mem>>)
      %dma_wait3A_44 = arith.constant 0 : i32
      %dma_wait3A_45 = tpu.memref_slice %arg6[%arg0, %mul3A_38, %dma_wait3A_44] : memref<2x10240x128xf32, #tpu.memory_space<hbm>> -> memref<1x640x128xf32, #tpu.memory_space<hbm>>
      %dma_wait3A_46 = tpu.memref_squeeze %dma_wait3A_45 : memref<1x640x128xf32, #tpu.memory_space<hbm>> -> memref<640x128xf32, #tpu.memory_space<hbm>>
      %dma_wait3A_47 = arith.constant 0 : i32
      %dma_wait3A_48 = tpu.memref_slice %arg15[%mul3A_36, %dma_wait3A_47] : memref<10240x128xf32, #tpu.memory_space<vmem_shared>> -> memref<640x128xf32, #tpu.memory_space<vmem_shared>>
      tpu.wait_dma2 semaphore(%run_scoped3A : memref<!tpu.dma_semaphore, #tpu.memory_space<semaphore_mem>>) src(%dma_wait3A_48 : memref<640x128xf32, #tpu.memory_space<vmem_shared>>) dst(%dma_wait3A_46 : memref<640x128xf32, #tpu.memory_space<hbm>>)
      tpu.yield
    }) : () -> ()
    return
  }
}

#map = affine_map<(d0, d1) -> (0, 0)>
#map1 = affine_map<(d0, d1) -> (0)>
module attributes {stable_mosaic.version = 14 : i64} {
  func.func @_sc_gather_h0(%arg0: i32, %arg1: i32, %arg2: memref<120x128xf32, #tpu.memory_space<hbm>>, %arg3: memref<10240xi32, #tpu.memory_space<hbm>>, %arg4: memref<10240x128xf32, #tpu.memory_space<hbm>>, %arg5: memref<80xi32, #tpu.memory_space<vmem>>, %arg6: memref<80x128xf32, #tpu.memory_space<vmem>>, %arg7: memref<!tpu.dma_semaphore, #tpu.memory_space<semaphore_mem>>) attributes {dimension_semantics = [#tpu.dimension_semantics<core_parallel>, #tpu.dimension_semantics<subcore_parallel>], iteration_bounds = array<i64: 2, 16>, scalar_prefetch = 0 : i64, scratch_operands = 3 : i64, tpu.core_type = #tpu.core_type<sc_vector_subcore>, window_params = [{transform_indices = #map}, {transform_indices = #map1}, {transform_indices = #map}]} {
    %mul3A = arith.constant 16 : i32
    %mul3A_0 = arith.muli %arg0, %mul3A : i32
    %add3A = arith.addi %mul3A_0, %arg1 : i32
    %mul3A_1 = arith.constant 320 : i32
    %mul3A_2 = arith.muli %add3A, %mul3A_1 : i32
    %scan3A = arith.constant 0 : i32
    %scan3A_3 = arith.constant 0 : i32
    %scan3A_4 = arith.constant 4 : i32
    %scan3A_5 = arith.addi %scan3A_3, %scan3A_4 : i32
    %scan3A_6 = arith.constant 1 : i32
    scf.for %scan3A_8 = %scan3A_3 to %scan3A_5 step %scan3A_6  : i32 {
      %mul3A_9 = arith.constant 80 : i32
      %mul3A_10 = arith.muli %scan3A_8, %mul3A_9 : i32
      %add3A_11 = arith.addi %mul3A_2, %mul3A_10 : i32
      %multiple_of3A = tpu.assume_multiple %add3A_11, 8 : i32
      "tpu.region"() ({
        %run_scoped3A = tpu.sem_alloc : memref<!tpu.dma_semaphore, #tpu.memory_space<semaphore_mem>>
        %dma_start3A_16 = tpu.memref_slice %arg3[%multiple_of3A] : memref<10240xi32, #tpu.memory_space<hbm>> -> memref<80xi32, #tpu.memory_space<hbm>>
        %dma_start3A_17 = tpu.memref_slice %arg3[%multiple_of3A] : memref<10240xi32, #tpu.memory_space<hbm>> -> memref<80xi32, #tpu.memory_space<hbm>>
        tpu.enqueue_dma source(%dma_start3A_17 : memref<80xi32, #tpu.memory_space<hbm>>) target(%arg5 : memref<80xi32, #tpu.memory_space<vmem>>) target_semaphore(%run_scoped3A : memref<!tpu.dma_semaphore, #tpu.memory_space<semaphore_mem>>)
        %dma_wait3A_18 = tpu.memref_slice %arg3[%multiple_of3A] : memref<10240xi32, #tpu.memory_space<hbm>> -> memref<80xi32, #tpu.memory_space<hbm>>
        %dma_wait3A_19 = tpu.memref_slice %arg3[%multiple_of3A] : memref<10240xi32, #tpu.memory_space<hbm>> -> memref<80xi32, #tpu.memory_space<hbm>>
        tpu.wait_dma2 semaphore(%run_scoped3A : memref<!tpu.dma_semaphore, #tpu.memory_space<semaphore_mem>>) src(%dma_wait3A_19 : memref<80xi32, #tpu.memory_space<hbm>>) dst(%arg5 : memref<80xi32, #tpu.memory_space<vmem>>)
        tpu.yield
      }) : () -> ()
      %dma_start3A = arith.constant 0 : i32
      %dma_start3A_12 = arith.constant 0 : i32
      %dma_start3A_13 = tpu.memref_slice %arg2[%dma_start3A, %dma_start3A_12] : memref<120x128xf32, #tpu.memory_space<hbm>> -> memref<120x128xf32, #tpu.memory_space<hbm>>
      tpu.enqueue_indirect_dma source(%dma_start3A_13 : memref<120x128xf32, #tpu.memory_space<hbm>>) target(%arg6 : memref<80x128xf32, #tpu.memory_space<vmem>>) offsets(%arg5 : memref<80xi32, #tpu.memory_space<vmem>>) semaphore(%arg7 : memref<!tpu.dma_semaphore, #tpu.memory_space<semaphore_mem>>)
      %dma_wait3A = arith.constant 0 : i32
      %dma_wait3A_14 = arith.constant 0 : i32
      %dma_wait3A_15 = tpu.memref_slice %arg2[%dma_wait3A, %dma_wait3A_14] : memref<120x128xf32, #tpu.memory_space<hbm>> -> memref<120x128xf32, #tpu.memory_space<hbm>>
      tpu.wait_indirect_dma semaphore(%arg7 : memref<!tpu.dma_semaphore, #tpu.memory_space<semaphore_mem>>) src(%dma_wait3A_15 : memref<120x128xf32, #tpu.memory_space<hbm>>) dst(%arg6 : memref<80x128xf32, #tpu.memory_space<vmem>>)
      "tpu.region"() ({
        %run_scoped3A = tpu.sem_alloc : memref<!tpu.dma_semaphore, #tpu.memory_space<semaphore_mem>>
        %dma_start3A_16 = arith.constant 0 : i32
        %dma_start3A_17 = tpu.memref_slice %arg4[%multiple_of3A, %dma_start3A_16] : memref<10240x128xf32, #tpu.memory_space<hbm>> -> memref<80x128xf32, #tpu.memory_space<hbm>>
        %dma_start3A_18 = arith.constant 0 : i32
        %dma_start3A_19 = tpu.memref_slice %arg4[%multiple_of3A, %dma_start3A_18] : memref<10240x128xf32, #tpu.memory_space<hbm>> -> memref<80x128xf32, #tpu.memory_space<hbm>>
        tpu.enqueue_dma source(%arg6 : memref<80x128xf32, #tpu.memory_space<vmem>>) target(%dma_start3A_19 : memref<80x128xf32, #tpu.memory_space<hbm>>) target_semaphore(%run_scoped3A : memref<!tpu.dma_semaphore, #tpu.memory_space<semaphore_mem>>)
        %dma_wait3A_20 = arith.constant 0 : i32
        %dma_wait3A_21 = tpu.memref_slice %arg4[%multiple_of3A, %dma_wait3A_20] : memref<10240x128xf32, #tpu.memory_space<hbm>> -> memref<80x128xf32, #tpu.memory_space<hbm>>
        %dma_wait3A_22 = arith.constant 0 : i32
        %dma_wait3A_23 = tpu.memref_slice %arg4[%multiple_of3A, %dma_wait3A_22] : memref<10240x128xf32, #tpu.memory_space<hbm>> -> memref<80x128xf32, #tpu.memory_space<hbm>>
        tpu.wait_dma2 semaphore(%run_scoped3A : memref<!tpu.dma_semaphore, #tpu.memory_space<semaphore_mem>>) src(%arg6 : memref<80x128xf32, #tpu.memory_space<vmem>>) dst(%dma_wait3A_23 : memref<80x128xf32, #tpu.memory_space<hbm>>)
        tpu.yield
      }) : () -> ()
    }
    %scan3A_7 = arith.constant 4 : i32
    return
  }
}

#map = affine_map<(d0, d1) -> (0, 0)>
#map1 = affine_map<(d0, d1) -> (0)>
#map2 = affine_map<(d0, d1) -> (0, 0, 0)>
module attributes {stable_mosaic.version = 14 : i64} {
  func.func @_sc_agg(%arg0: i32, %arg1: i32, %arg2: memref<10240x128xf32, #tpu.memory_space<hbm>>, %arg3: memref<331776xi32, #tpu.memory_space<hbm>>, %arg4: memref<331776xi32, #tpu.memory_space<hbm>>, %arg5: memref<640x128xf32, #tpu.memory_space<hbm>>, %arg6: memref<2x10240x128xf32, #tpu.memory_space<hbm>>, %arg7: memref<96xi32, #tpu.memory_space<vmem>>, %arg8: memref<96xi32, #tpu.memory_space<vmem>>, %arg9: memref<96xi32, #tpu.memory_space<vmem>>, %arg10: memref<96xi32, #tpu.memory_space<vmem>>, %arg11: memref<96xi32, #tpu.memory_space<vmem>>, %arg12: memref<96xi32, #tpu.memory_space<vmem>>, %arg13: memref<96x128xf32, #tpu.memory_space<vmem>>, %arg14: memref<96x128xf32, #tpu.memory_space<vmem>>, %arg15: memref<10240x128xf32, #tpu.memory_space<vmem_shared>>, %arg16: memref<!tpu.dma_semaphore, #tpu.memory_space<semaphore_mem>>, %arg17: memref<!tpu.dma_semaphore, #tpu.memory_space<semaphore_mem>>, %arg18: memref<!tpu.dma_semaphore, #tpu.memory_space<semaphore_mem>>, %arg19: memref<!tpu.dma_semaphore, #tpu.memory_space<semaphore_mem>>, %arg20: memref<!tpu.dma_semaphore, #tpu.memory_space<semaphore_mem>>) attributes {dimension_semantics = [#tpu.dimension_semantics<core_parallel>, #tpu.dimension_semantics<subcore_parallel>], iteration_bounds = array<i64: 2, 16>, scalar_prefetch = 0 : i64, scratch_operands = 14 : i64, tpu.core_type = #tpu.core_type<sc_vector_subcore>, window_params = [{transform_indices = #map}, {transform_indices = #map1}, {transform_indices = #map1}, {transform_indices = #map}, {transform_indices = #map2}]} {
    %mul3A = arith.constant 16 : i32
    %mul3A_0 = arith.muli %arg0, %mul3A : i32
    %add3A = arith.addi %mul3A_0, %arg1 : i32
    %mul3A_1 = arith.constant 640 : i32
    %mul3A_2 = arith.muli %arg1, %mul3A_1 : i32
    "tpu.region"() ({
      %run_scoped3A = tpu.sem_alloc : memref<!tpu.dma_semaphore, #tpu.memory_space<semaphore_mem>>
      %dma_start3A_39 = arith.constant 0 : i32
      %dma_start3A_40 = tpu.memref_slice %arg15[%mul3A_2, %dma_start3A_39] : memref<10240x128xf32, #tpu.memory_space<vmem_shared>> -> memref<640x128xf32, #tpu.memory_space<vmem_shared>>
      tpu.enqueue_dma source(%arg5 : memref<640x128xf32, #tpu.memory_space<hbm>>) target(%dma_start3A_40 : memref<640x128xf32, #tpu.memory_space<vmem_shared>>) target_semaphore(%run_scoped3A : memref<!tpu.dma_semaphore, #tpu.memory_space<semaphore_mem>>)
      %dma_wait3A_41 = arith.constant 0 : i32
      %dma_wait3A_42 = tpu.memref_slice %arg15[%mul3A_2, %dma_wait3A_41] : memref<10240x128xf32, #tpu.memory_space<vmem_shared>> -> memref<640x128xf32, #tpu.memory_space<vmem_shared>>
      tpu.wait_dma2 semaphore(%run_scoped3A : memref<!tpu.dma_semaphore, #tpu.memory_space<semaphore_mem>>) src(%arg5 : memref<640x128xf32, #tpu.memory_space<hbm>>) dst(%dma_wait3A_42 : memref<640x128xf32, #tpu.memory_space<vmem_shared>>)
      tpu.yield
    }) : () -> ()
    %barrier3A = arith.constant 0 : index
    tpu.barrier barrier_id(%barrier3A)
    %mul3A_3 = arith.constant 10368 : i32
    %mul3A_4 = arith.muli %add3A, %mul3A_3 : i32
    %add3A_5 = arith.constant 0 : i32
    %add3A_6 = arith.addi %mul3A_4, %add3A_5 : i32
    %multiple_of3A = tpu.assume_multiple %add3A_6, 8 : i32
    %dma_start3A = tpu.memref_slice %arg3[%multiple_of3A] : memref<331776xi32, #tpu.memory_space<hbm>> -> memref<96xi32, #tpu.memory_space<hbm>>
    %dma_start3A_7 = tpu.memref_slice %arg3[%multiple_of3A] : memref<331776xi32, #tpu.memory_space<hbm>> -> memref<96xi32, #tpu.memory_space<hbm>>
    tpu.enqueue_dma source(%dma_start3A_7 : memref<96xi32, #tpu.memory_space<hbm>>) target(%arg7 : memref<96xi32, #tpu.memory_space<vmem>>) target_semaphore(%arg16 : memref<!tpu.dma_semaphore, #tpu.memory_space<semaphore_mem>>)
    %dma_start3A_8 = tpu.memref_slice %arg4[%multiple_of3A] : memref<331776xi32, #tpu.memory_space<hbm>> -> memref<96xi32, #tpu.memory_space<hbm>>
    %dma_start3A_9 = tpu.memref_slice %arg4[%multiple_of3A] : memref<331776xi32, #tpu.memory_space<hbm>> -> memref<96xi32, #tpu.memory_space<hbm>>
    tpu.enqueue_dma source(%dma_start3A_9 : memref<96xi32, #tpu.memory_space<hbm>>) target(%arg10 : memref<96xi32, #tpu.memory_space<vmem>>) target_semaphore(%arg16 : memref<!tpu.dma_semaphore, #tpu.memory_space<semaphore_mem>>)
    %mul3A_10 = arith.constant 10368 : i32
    %mul3A_11 = arith.muli %add3A, %mul3A_10 : i32
    %add3A_12 = arith.constant 96 : i32
    %add3A_13 = arith.addi %mul3A_11, %add3A_12 : i32
    %multiple_of3A_14 = tpu.assume_multiple %add3A_13, 8 : i32
    %dma_start3A_15 = tpu.memref_slice %arg3[%multiple_of3A_14] : memref<331776xi32, #tpu.memory_space<hbm>> -> memref<96xi32, #tpu.memory_space<hbm>>
    %dma_start3A_16 = tpu.memref_slice %arg3[%multiple_of3A_14] : memref<331776xi32, #tpu.memory_space<hbm>> -> memref<96xi32, #tpu.memory_space<hbm>>
    tpu.enqueue_dma source(%dma_start3A_16 : memref<96xi32, #tpu.memory_space<hbm>>) target(%arg8 : memref<96xi32, #tpu.memory_space<vmem>>) target_semaphore(%arg17 : memref<!tpu.dma_semaphore, #tpu.memory_space<semaphore_mem>>)
    %dma_start3A_17 = tpu.memref_slice %arg4[%multiple_of3A_14] : memref<331776xi32, #tpu.memory_space<hbm>> -> memref<96xi32, #tpu.memory_space<hbm>>
    %dma_start3A_18 = tpu.memref_slice %arg4[%multiple_of3A_14] : memref<331776xi32, #tpu.memory_space<hbm>> -> memref<96xi32, #tpu.memory_space<hbm>>
    tpu.enqueue_dma source(%dma_start3A_18 : memref<96xi32, #tpu.memory_space<hbm>>) target(%arg11 : memref<96xi32, #tpu.memory_space<vmem>>) target_semaphore(%arg17 : memref<!tpu.dma_semaphore, #tpu.memory_space<semaphore_mem>>)
    %dma_wait3A = arith.constant 0 : i32
    %dma_wait3A_19 = tpu.memref_slice %arg3[%dma_wait3A] : memref<331776xi32, #tpu.memory_space<hbm>> -> memref<96xi32, #tpu.memory_space<hbm>>
    %dma_wait3A_20 = arith.constant 0 : i32
    %dma_wait3A_21 = tpu.memref_slice %arg3[%dma_wait3A_20] : memref<331776xi32, #tpu.memory_space<hbm>> -> memref<96xi32, #tpu.memory_space<hbm>>
    tpu.wait_dma2 semaphore(%arg16 : memref<!tpu.dma_semaphore, #tpu.memory_space<semaphore_mem>>) src(%dma_wait3A_21 : memref<96xi32, #tpu.memory_space<hbm>>) dst(%arg7 : memref<96xi32, #tpu.memory_space<vmem>>)
    %dma_wait3A_22 = arith.constant 0 : i32
    %dma_wait3A_23 = tpu.memref_slice %arg4[%dma_wait3A_22] : memref<331776xi32, #tpu.memory_space<hbm>> -> memref<96xi32, #tpu.memory_space<hbm>>
    %dma_wait3A_24 = arith.constant 0 : i32
    %dma_wait3A_25 = tpu.memref_slice %arg4[%dma_wait3A_24] : memref<331776xi32, #tpu.memory_space<hbm>> -> memref<96xi32, #tpu.memory_space<hbm>>
    tpu.wait_dma2 semaphore(%arg16 : memref<!tpu.dma_semaphore, #tpu.memory_space<semaphore_mem>>) src(%dma_wait3A_25 : memref<96xi32, #tpu.memory_space<hbm>>) dst(%arg10 : memref<96xi32, #tpu.memory_space<vmem>>)
    %dma_start3A_26 = arith.constant 0 : i32
    %dma_start3A_27 = arith.constant 0 : i32
    %dma_start3A_28 = tpu.memref_slice %arg2[%dma_start3A_26, %dma_start3A_27] : memref<10240x128xf32, #tpu.memory_space<hbm>> -> memref<10240x128xf32, #tpu.memory_space<hbm>>
    tpu.enqueue_indirect_dma source(%dma_start3A_28 : memref<10240x128xf32, #tpu.memory_space<hbm>>) target(%arg13 : memref<96x128xf32, #tpu.memory_space<vmem>>) offsets(%arg7 : memref<96xi32, #tpu.memory_space<vmem>>) semaphore(%arg19 : memref<!tpu.dma_semaphore, #tpu.memory_space<semaphore_mem>>)
    %scan3A = arith.constant 0 : i32
    %scan3A_29 = arith.constant 0 : i32
    %scan3A_30 = arith.constant 18 : i32
    %scan3A_31 = arith.addi %scan3A_29, %scan3A_30 : i32
    %scan3A_32 = arith.constant 1 : i32
    scf.for %scan3A_39 = %scan3A_29 to %scan3A_31 step %scan3A_32  : i32 {
      %mul3A_40 = arith.constant 6 : i32
      %mul3A_41 = arith.muli %scan3A_39, %mul3A_40 : i32
      %add3A_42 = arith.constant 0 : i32
      %add3A_43 = arith.addi %mul3A_41, %add3A_42 : i32
      %add3A_44 = arith.constant 1 : i32
      %add3A_45 = arith.addi %add3A_43, %add3A_44 : i32
      %lt3A = arith.constant 108 : i32
      %lt3A_46 = arith.cmpi slt, %add3A_45, %lt3A : i32
      %convert_element_type3A = arith.extui %lt3A_46 : i1 to i32
      %cond3A = arith.constant 0 : i32
      %cond3A_47 = arith.cmpi ne, %convert_element_type3A, %cond3A : i32
      scf.if %cond3A_47 {
        %dma_wait3A_153 = arith.constant 0 : i32
        %dma_wait3A_154 = tpu.memref_slice %arg3[%dma_wait3A_153] : memref<331776xi32, #tpu.memory_space<hbm>> -> memref<96xi32, #tpu.memory_space<hbm>>
        %dma_wait3A_155 = arith.constant 0 : i32
        %dma_wait3A_156 = tpu.memref_slice %arg3[%dma_wait3A_155] : memref<331776xi32, #tpu.memory_space<hbm>> -> memref<96xi32, #tpu.memory_space<hbm>>
        tpu.wait_dma2 semaphore(%arg17 : memref<!tpu.dma_semaphore, #tpu.memory_space<semaphore_mem>>) src(%dma_wait3A_156 : memref<96xi32, #tpu.memory_space<hbm>>) dst(%arg8 : memref<96xi32, #tpu.memory_space<vmem>>)
        %dma_wait3A_157 = arith.constant 0 : i32
        %dma_wait3A_158 = tpu.memref_slice %arg4[%dma_wait3A_157] : memref<331776xi32, #tpu.memory_space<hbm>> -> memref<96xi32, #tpu.memory_space<hbm>>
        %dma_wait3A_159 = arith.constant 0 : i32
        %dma_wait3A_160 = tpu.memref_slice %arg4[%dma_wait3A_159] : memref<331776xi32, #tpu.memory_space<hbm>> -> memref<96xi32, #tpu.memory_space<hbm>>
        tpu.wait_dma2 semaphore(%arg17 : memref<!tpu.dma_semaphore, #tpu.memory_space<semaphore_mem>>) src(%dma_wait3A_160 : memref<96xi32, #tpu.memory_space<hbm>>) dst(%arg11 : memref<96xi32, #tpu.memory_space<vmem>>)
        %dma_start3A_161 = arith.constant 0 : i32
        %dma_start3A_162 = arith.constant 0 : i32
        %dma_start3A_163 = tpu.memref_slice %arg2[%dma_start3A_161, %dma_start3A_162] : memref<10240x128xf32, #tpu.memory_space<hbm>> -> memref<10240x128xf32, #tpu.memory_space<hbm>>
        tpu.enqueue_indirect_dma source(%dma_start3A_163 : memref<10240x128xf32, #tpu.memory_space<hbm>>) target(%arg14 : memref<96x128xf32, #tpu.memory_space<vmem>>) offsets(%arg8 : memref<96xi32, #tpu.memory_space<vmem>>) semaphore(%arg20 : memref<!tpu.dma_semaphore, #tpu.memory_space<semaphore_mem>>)
      } else {
      }
      %add3A_48 = arith.constant 2 : i32
      %add3A_49 = arith.addi %add3A_43, %add3A_48 : i32
      %lt3A_50 = arith.constant 108 : i32
      %lt3A_51 = arith.cmpi slt, %add3A_49, %lt3A_50 : i32
      %convert_element_type3A_52 = arith.extui %lt3A_51 : i1 to i32
      %cond3A_53 = arith.constant 0 : i32
      %cond3A_54 = arith.cmpi ne, %convert_element_type3A_52, %cond3A_53 : i32
      scf.if %cond3A_54 {
        %add3A_153 = arith.constant 2 : i32
        %add3A_154 = arith.addi %add3A_43, %add3A_153 : i32
        %mul3A_155 = arith.constant 10368 : i32
        %mul3A_156 = arith.muli %add3A, %mul3A_155 : i32
        %mul3A_157 = arith.constant 96 : i32
        %mul3A_158 = arith.muli %add3A_154, %mul3A_157 : i32
        %add3A_159 = arith.addi %mul3A_156, %mul3A_158 : i32
        %multiple_of3A_160 = tpu.assume_multiple %add3A_159, 8 : i32
        %dma_start3A_161 = tpu.memref_slice %arg3[%multiple_of3A_160] : memref<331776xi32, #tpu.memory_space<hbm>> -> memref<96xi32, #tpu.memory_space<hbm>>
        %dma_start3A_162 = tpu.memref_slice %arg3[%multiple_of3A_160] : memref<331776xi32, #tpu.memory_space<hbm>> -> memref<96xi32, #tpu.memory_space<hbm>>
        tpu.enqueue_dma source(%dma_start3A_162 : memref<96xi32, #tpu.memory_space<hbm>>) target(%arg9 : memref<96xi32, #tpu.memory_space<vmem>>) target_semaphore(%arg18 : memref<!tpu.dma_semaphore, #tpu.memory_space<semaphore_mem>>)
        %dma_start3A_163 = tpu.memref_slice %arg4[%multiple_of3A_160] : memref<331776xi32, #tpu.memory_space<hbm>> -> memref<96xi32, #tpu.memory_space<hbm>>
        %dma_start3A_164 = tpu.memref_slice %arg4[%multiple_of3A_160] : memref<331776xi32, #tpu.memory_space<hbm>> -> memref<96xi32, #tpu.memory_space<hbm>>
        tpu.enqueue_dma source(%dma_start3A_164 : memref<96xi32, #tpu.memory_space<hbm>>) target(%arg12 : memref<96xi32, #tpu.memory_space<vmem>>) target_semaphore(%arg18 : memref<!tpu.dma_semaphore, #tpu.memory_space<semaphore_mem>>)
      } else {
      }
      %dma_wait3A_55 = arith.constant 0 : i32
      %dma_wait3A_56 = arith.constant 0 : i32
      %dma_wait3A_57 = tpu.memref_slice %arg2[%dma_wait3A_55, %dma_wait3A_56] : memref<10240x128xf32, #tpu.memory_space<hbm>> -> memref<10240x128xf32, #tpu.memory_space<hbm>>
      tpu.wait_indirect_dma semaphore(%arg19 : memref<!tpu.dma_semaphore, #tpu.memory_space<semaphore_mem>>) src(%dma_wait3A_57 : memref<10240x128xf32, #tpu.memory_space<hbm>>) dst(%arg13 : memref<96x128xf32, #tpu.memory_space<vmem>>)
      "tpu.region"() ({
        %run_scoped3A = tpu.sem_alloc : memref<!tpu.dma_semaphore, #tpu.memory_space<semaphore_mem>>
        %dma_start3A_153 = arith.constant 0 : i32
        %dma_start3A_154 = arith.constant 0 : i32
        %dma_start3A_155 = tpu.memref_slice %arg15[%dma_start3A_153, %dma_start3A_154] : memref<10240x128xf32, #tpu.memory_space<vmem_shared>> -> memref<10240x128xf32, #tpu.memory_space<vmem_shared>>
        tpu.enqueue_indirect_dma source(%arg13 : memref<96x128xf32, #tpu.memory_space<vmem>>) target(%dma_start3A_155 : memref<10240x128xf32, #tpu.memory_space<vmem_shared>>) offsets(%arg10 : memref<96xi32, #tpu.memory_space<vmem>>) semaphore(%run_scoped3A : memref<!tpu.dma_semaphore, #tpu.memory_space<semaphore_mem>>) {add = true}
        %dma_wait3A_156 = arith.constant 0 : i32
        %dma_wait3A_157 = arith.constant 0 : i32
        %dma_wait3A_158 = tpu.memref_slice %arg15[%dma_wait3A_156, %dma_wait3A_157] : memref<10240x128xf32, #tpu.memory_space<vmem_shared>> -> memref<10240x128xf32, #tpu.memory_space<vmem_shared>>
        tpu.wait_indirect_dma semaphore(%run_scoped3A : memref<!tpu.dma_semaphore, #tpu.memory_space<semaphore_mem>>) src(%arg13 : memref<96x128xf32, #tpu.memory_space<vmem>>) dst(%dma_wait3A_158 : memref<10240x128xf32, #tpu.memory_space<vmem_shared>>)
        tpu.yield
      }) : () -> ()
      %add3A_58 = arith.constant 1 : i32
      %add3A_59 = arith.addi %mul3A_41, %add3A_58 : i32
      %add3A_60 = arith.constant 1 : i32
      %add3A_61 = arith.addi %add3A_59, %add3A_60 : i32
      %lt3A_62 = arith.constant 108 : i32
      %lt3A_63 = arith.cmpi slt, %add3A_61, %lt3A_62 : i32
      %convert_element_type3A_64 = arith.extui %lt3A_63 : i1 to i32
      %cond3A_65 = arith.constant 0 : i32
      %cond3A_66 = arith.cmpi ne, %convert_element_type3A_64, %cond3A_65 : i32
      scf.if %cond3A_66 {
        %dma_wait3A_153 = arith.constant 0 : i32
        %dma_wait3A_154 = tpu.memref_slice %arg3[%dma_wait3A_153] : memref<331776xi32, #tpu.memory_space<hbm>> -> memref<96xi32, #tpu.memory_space<hbm>>
        %dma_wait3A_155 = arith.constant 0 : i32
        %dma_wait3A_156 = tpu.memref_slice %arg3[%dma_wait3A_155] : memref<331776xi32, #tpu.memory_space<hbm>> -> memref<96xi32, #tpu.memory_space<hbm>>
        tpu.wait_dma2 semaphore(%arg18 : memref<!tpu.dma_semaphore, #tpu.memory_space<semaphore_mem>>) src(%dma_wait3A_156 : memref<96xi32, #tpu.memory_space<hbm>>) dst(%arg9 : memref<96xi32, #tpu.memory_space<vmem>>)
        %dma_wait3A_157 = arith.constant 0 : i32
        %dma_wait3A_158 = tpu.memref_slice %arg4[%dma_wait3A_157] : memref<331776xi32, #tpu.memory_space<hbm>> -> memref<96xi32, #tpu.memory_space<hbm>>
        %dma_wait3A_159 = arith.constant 0 : i32
        %dma_wait3A_160 = tpu.memref_slice %arg4[%dma_wait3A_159] : memref<331776xi32, #tpu.memory_space<hbm>> -> memref<96xi32, #tpu.memory_space<hbm>>
        tpu.wait_dma2 semaphore(%arg18 : memref<!tpu.dma_semaphore, #tpu.memory_space<semaphore_mem>>) src(%dma_wait3A_160 : memref<96xi32, #tpu.memory_space<hbm>>) dst(%arg12 : memref<96xi32, #tpu.memory_space<vmem>>)
        %dma_start3A_161 = arith.constant 0 : i32
        %dma_start3A_162 = arith.constant 0 : i32
        %dma_start3A_163 = tpu.memref_slice %arg2[%dma_start3A_161, %dma_start3A_162] : memref<10240x128xf32, #tpu.memory_space<hbm>> -> memref<10240x128xf32, #tpu.memory_space<hbm>>
        tpu.enqueue_indirect_dma source(%dma_start3A_163 : memref<10240x128xf32, #tpu.memory_space<hbm>>) target(%arg13 : memref<96x128xf32, #tpu.memory_space<vmem>>) offsets(%arg9 : memref<96xi32, #tpu.memory_space<vmem>>) semaphore(%arg19 : memref<!tpu.dma_semaphore, #tpu.memory_space<semaphore_mem>>)
      } else {
      }
      %add3A_67 = arith.constant 2 : i32
      %add3A_68 = arith.addi %add3A_59, %add3A_67 : i32
      %lt3A_69 = arith.constant 108 : i32
      %lt3A_70 = arith.cmpi slt, %add3A_68, %lt3A_69 : i32
      %convert_element_type3A_71 = arith.extui %lt3A_70 : i1 to i32
      %cond3A_72 = arith.constant 0 : i32
      %cond3A_73 = arith.cmpi ne, %convert_element_type3A_71, %cond3A_72 : i32
      scf.if %cond3A_73 {
        %add3A_153 = arith.constant 2 : i32
        %add3A_154 = arith.addi %add3A_59, %add3A_153 : i32
        %mul3A_155 = arith.constant 10368 : i32
        %mul3A_156 = arith.muli %add3A, %mul3A_155 : i32
        %mul3A_157 = arith.constant 96 : i32
        %mul3A_158 = arith.muli %add3A_154, %mul3A_157 : i32
        %add3A_159 = arith.addi %mul3A_156, %mul3A_158 : i32
        %multiple_of3A_160 = tpu.assume_multiple %add3A_159, 8 : i32
        %dma_start3A_161 = tpu.memref_slice %arg3[%multiple_of3A_160] : memref<331776xi32, #tpu.memory_space<hbm>> -> memref<96xi32, #tpu.memory_space<hbm>>
        %dma_start3A_162 = tpu.memref_slice %arg3[%multiple_of3A_160] : memref<331776xi32, #tpu.memory_space<hbm>> -> memref<96xi32, #tpu.memory_space<hbm>>
        tpu.enqueue_dma source(%dma_start3A_162 : memref<96xi32, #tpu.memory_space<hbm>>) target(%arg7 : memref<96xi32, #tpu.memory_space<vmem>>) target_semaphore(%arg16 : memref<!tpu.dma_semaphore, #tpu.memory_space<semaphore_mem>>)
        %dma_start3A_163 = tpu.memref_slice %arg4[%multiple_of3A_160] : memref<331776xi32, #tpu.memory_space<hbm>> -> memref<96xi32, #tpu.memory_space<hbm>>
        %dma_start3A_164 = tpu.memref_slice %arg4[%multiple_of3A_160] : memref<331776xi32, #tpu.memory_space<hbm>> -> memref<96xi32, #tpu.memory_space<hbm>>
        tpu.enqueue_dma source(%dma_start3A_164 : memref<96xi32, #tpu.memory_space<hbm>>) target(%arg10 : memref<96xi32, #tpu.memory_space<vmem>>) target_semaphore(%arg16 : memref<!tpu.dma_semaphore, #tpu.memory_space<semaphore_mem>>)
      } else {
      }
      %dma_wait3A_74 = arith.constant 0 : i32
      %dma_wait3A_75 = arith.constant 0 : i32
      %dma_wait3A_76 = tpu.memref_slice %arg2[%dma_wait3A_74, %dma_wait3A_75] : memref<10240x128xf32, #tpu.memory_space<hbm>> -> memref<10240x128xf32, #tpu.memory_space<hbm>>
      tpu.wait_indirect_dma semaphore(%arg20 : memref<!tpu.dma_semaphore, #tpu.memory_space<semaphore_mem>>) src(%dma_wait3A_76 : memref<10240x128xf32, #tpu.memory_space<hbm>>) dst(%arg14 : memref<96x128xf32, #tpu.memory_space<vmem>>)
      "tpu.region"() ({
        %run_scoped3A = tpu.sem_alloc : memref<!tpu.dma_semaphore, #tpu.memory_space<semaphore_mem>>
        %dma_start3A_153 = arith.constant 0 : i32
        %dma_start3A_154 = arith.constant 0 : i32
        %dma_start3A_155 = tpu.memref_slice %arg15[%dma_start3A_153, %dma_start3A_154] : memref<10240x128xf32, #tpu.memory_space<vmem_shared>> -> memref<10240x128xf32, #tpu.memory_space<vmem_shared>>
        tpu.enqueue_indirect_dma source(%arg14 : memref<96x128xf32, #tpu.memory_space<vmem>>) target(%dma_start3A_155 : memref<10240x128xf32, #tpu.memory_space<vmem_shared>>) offsets(%arg11 : memref<96xi32, #tpu.memory_space<vmem>>) semaphore(%run_scoped3A : memref<!tpu.dma_semaphore, #tpu.memory_space<semaphore_mem>>) {add = true}
        %dma_wait3A_156 = arith.constant 0 : i32
        %dma_wait3A_157 = arith.constant 0 : i32
        %dma_wait3A_158 = tpu.memref_slice %arg15[%dma_wait3A_156, %dma_wait3A_157] : memref<10240x128xf32, #tpu.memory_space<vmem_shared>> -> memref<10240x128xf32, #tpu.memory_space<vmem_shared>>
        tpu.wait_indirect_dma semaphore(%run_scoped3A : memref<!tpu.dma_semaphore, #tpu.memory_space<semaphore_mem>>) src(%arg14 : memref<96x128xf32, #tpu.memory_space<vmem>>) dst(%dma_wait3A_158 : memref<10240x128xf32, #tpu.memory_space<vmem_shared>>)
        tpu.yield
      }) : () -> ()
      %add3A_77 = arith.constant 2 : i32
      %add3A_78 = arith.addi %mul3A_41, %add3A_77 : i32
      %add3A_79 = arith.constant 1 : i32
      %add3A_80 = arith.addi %add3A_78, %add3A_79 : i32
      %lt3A_81 = arith.constant 108 : i32
      %lt3A_82 = arith.cmpi slt, %add3A_80, %lt3A_81 : i32
      %convert_element_type3A_83 = arith.extui %lt3A_82 : i1 to i32
      %cond3A_84 = arith.constant 0 : i32
      %cond3A_85 = arith.cmpi ne, %convert_element_type3A_83, %cond3A_84 : i32
      scf.if %cond3A_85 {
        %dma_wait3A_153 = arith.constant 0 : i32
        %dma_wait3A_154 = tpu.memref_slice %arg3[%dma_wait3A_153] : memref<331776xi32, #tpu.memory_space<hbm>> -> memref<96xi32, #tpu.memory_space<hbm>>
        %dma_wait3A_155 = arith.constant 0 : i32
        %dma_wait3A_156 = tpu.memref_slice %arg3[%dma_wait3A_155] : memref<331776xi32, #tpu.memory_space<hbm>> -> memref<96xi32, #tpu.memory_space<hbm>>
        tpu.wait_dma2 semaphore(%arg16 : memref<!tpu.dma_semaphore, #tpu.memory_space<semaphore_mem>>) src(%dma_wait3A_156 : memref<96xi32, #tpu.memory_space<hbm>>) dst(%arg7 : memref<96xi32, #tpu.memory_space<vmem>>)
        %dma_wait3A_157 = arith.constant 0 : i32
        %dma_wait3A_158 = tpu.memref_slice %arg4[%dma_wait3A_157] : memref<331776xi32, #tpu.memory_space<hbm>> -> memref<96xi32, #tpu.memory_space<hbm>>
        %dma_wait3A_159 = arith.constant 0 : i32
        %dma_wait3A_160 = tpu.memref_slice %arg4[%dma_wait3A_159] : memref<331776xi32, #tpu.memory_space<hbm>> -> memref<96xi32, #tpu.memory_space<hbm>>
        tpu.wait_dma2 semaphore(%arg16 : memref<!tpu.dma_semaphore, #tpu.memory_space<semaphore_mem>>) src(%dma_wait3A_160 : memref<96xi32, #tpu.memory_space<hbm>>) dst(%arg10 : memref<96xi32, #tpu.memory_space<vmem>>)
        %dma_start3A_161 = arith.constant 0 : i32
        %dma_start3A_162 = arith.constant 0 : i32
        %dma_start3A_163 = tpu.memref_slice %arg2[%dma_start3A_161, %dma_start3A_162] : memref<10240x128xf32, #tpu.memory_space<hbm>> -> memref<10240x128xf32, #tpu.memory_space<hbm>>
        tpu.enqueue_indirect_dma source(%dma_start3A_163 : memref<10240x128xf32, #tpu.memory_space<hbm>>) target(%arg14 : memref<96x128xf32, #tpu.memory_space<vmem>>) offsets(%arg7 : memref<96xi32, #tpu.memory_space<vmem>>) semaphore(%arg20 : memref<!tpu.dma_semaphore, #tpu.memory_space<semaphore_mem>>)
      } else {
      }
      %add3A_86 = arith.constant 2 : i32
      %add3A_87 = arith.addi %add3A_78, %add3A_86 : i32
      %lt3A_88 = arith.constant 108 : i32
      %lt3A_89 = arith.cmpi slt, %add3A_87, %lt3A_88 : i32
      %convert_element_type3A_90 = arith.extui %lt3A_89 : i1 to i32
      %cond3A_91 = arith.constant 0 : i32
      %cond3A_92 = arith.cmpi ne, %convert_element_type3A_90, %cond3A_91 : i32
      scf.if %cond3A_92 {
        %add3A_153 = arith.constant 2 : i32
        %add3A_154 = arith.addi %add3A_78, %add3A_153 : i32
        %mul3A_155 = arith.constant 10368 : i32
        %mul3A_156 = arith.muli %add3A, %mul3A_155 : i32
        %mul3A_157 = arith.constant 96 : i32
        %mul3A_158 = arith.muli %add3A_154, %mul3A_157 : i32
        %add3A_159 = arith.addi %mul3A_156, %mul3A_158 : i32
        %multiple_of3A_160 = tpu.assume_multiple %add3A_159, 8 : i32
        %dma_start3A_161 = tpu.memref_slice %arg3[%multiple_of3A_160] : memref<331776xi32, #tpu.memory_space<hbm>> -> memref<96xi32, #tpu.memory_space<hbm>>
        %dma_start3A_162 = tpu.memref_slice %arg3[%multiple_of3A_160] : memref<331776xi32, #tpu.memory_space<hbm>> -> memref<96xi32, #tpu.memory_space<hbm>>
        tpu.enqueue_dma source(%dma_start3A_162 : memref<96xi32, #tpu.memory_space<hbm>>) target(%arg8 : memref<96xi32, #tpu.memory_space<vmem>>) target_semaphore(%arg17 : memref<!tpu.dma_semaphore, #tpu.memory_space<semaphore_mem>>)
        %dma_start3A_163 = tpu.memref_slice %arg4[%multiple_of3A_160] : memref<331776xi32, #tpu.memory_space<hbm>> -> memref<96xi32, #tpu.memory_space<hbm>>
        %dma_start3A_164 = tpu.memref_slice %arg4[%multiple_of3A_160] : memref<331776xi32, #tpu.memory_space<hbm>> -> memref<96xi32, #tpu.memory_space<hbm>>
        tpu.enqueue_dma source(%dma_start3A_164 : memref<96xi32, #tpu.memory_space<hbm>>) target(%arg11 : memref<96xi32, #tpu.memory_space<vmem>>) target_semaphore(%arg17 : memref<!tpu.dma_semaphore, #tpu.memory_space<semaphore_mem>>)
      } else {
      }
      %dma_wait3A_93 = arith.constant 0 : i32
      %dma_wait3A_94 = arith.constant 0 : i32
      %dma_wait3A_95 = tpu.memref_slice %arg2[%dma_wait3A_93, %dma_wait3A_94] : memref<10240x128xf32, #tpu.memory_space<hbm>> -> memref<10240x128xf32, #tpu.memory_space<hbm>>
      tpu.wait_indirect_dma semaphore(%arg19 : memref<!tpu.dma_semaphore, #tpu.memory_space<semaphore_mem>>) src(%dma_wait3A_95 : memref<10240x128xf32, #tpu.memory_space<hbm>>) dst(%arg13 : memref<96x128xf32, #tpu.memory_space<vmem>>)
      "tpu.region"() ({
        %run_scoped3A = tpu.sem_alloc : memref<!tpu.dma_semaphore, #tpu.memory_space<semaphore_mem>>
        %dma_start3A_153 = arith.constant 0 : i32
        %dma_start3A_154 = arith.constant 0 : i32
        %dma_start3A_155 = tpu.memref_slice %arg15[%dma_start3A_153, %dma_start3A_154] : memref<10240x128xf32, #tpu.memory_space<vmem_shared>> -> memref<10240x128xf32, #tpu.memory_space<vmem_shared>>
        tpu.enqueue_indirect_dma source(%arg13 : memref<96x128xf32, #tpu.memory_space<vmem>>) target(%dma_start3A_155 : memref<10240x128xf32, #tpu.memory_space<vmem_shared>>) offsets(%arg12 : memref<96xi32, #tpu.memory_space<vmem>>) semaphore(%run_scoped3A : memref<!tpu.dma_semaphore, #tpu.memory_space<semaphore_mem>>) {add = true}
        %dma_wait3A_156 = arith.constant 0 : i32
        %dma_wait3A_157 = arith.constant 0 : i32
        %dma_wait3A_158 = tpu.memref_slice %arg15[%dma_wait3A_156, %dma_wait3A_157] : memref<10240x128xf32, #tpu.memory_space<vmem_shared>> -> memref<10240x128xf32, #tpu.memory_space<vmem_shared>>
        tpu.wait_indirect_dma semaphore(%run_scoped3A : memref<!tpu.dma_semaphore, #tpu.memory_space<semaphore_mem>>) src(%arg13 : memref<96x128xf32, #tpu.memory_space<vmem>>) dst(%dma_wait3A_158 : memref<10240x128xf32, #tpu.memory_space<vmem_shared>>)
        tpu.yield
      }) : () -> ()
      %add3A_96 = arith.constant 3 : i32
      %add3A_97 = arith.addi %mul3A_41, %add3A_96 : i32
      %add3A_98 = arith.constant 1 : i32
      %add3A_99 = arith.addi %add3A_97, %add3A_98 : i32
      %lt3A_100 = arith.constant 108 : i32
      %lt3A_101 = arith.cmpi slt, %add3A_99, %lt3A_100 : i32
      %convert_element_type3A_102 = arith.extui %lt3A_101 : i1 to i32
      %cond3A_103 = arith.constant 0 : i32
      %cond3A_104 = arith.cmpi ne, %convert_element_type3A_102, %cond3A_103 : i32
      scf.if %cond3A_104 {
        %dma_wait3A_153 = arith.constant 0 : i32
        %dma_wait3A_154 = tpu.memref_slice %arg3[%dma_wait3A_153] : memref<331776xi32, #tpu.memory_space<hbm>> -> memref<96xi32, #tpu.memory_space<hbm>>
        %dma_wait3A_155 = arith.constant 0 : i32
        %dma_wait3A_156 = tpu.memref_slice %arg3[%dma_wait3A_155] : memref<331776xi32, #tpu.memory_space<hbm>> -> memref<96xi32, #tpu.memory_space<hbm>>
        tpu.wait_dma2 semaphore(%arg17 : memref<!tpu.dma_semaphore, #tpu.memory_space<semaphore_mem>>) src(%dma_wait3A_156 : memref<96xi32, #tpu.memory_space<hbm>>) dst(%arg8 : memref<96xi32, #tpu.memory_space<vmem>>)
        %dma_wait3A_157 = arith.constant 0 : i32
        %dma_wait3A_158 = tpu.memref_slice %arg4[%dma_wait3A_157] : memref<331776xi32, #tpu.memory_space<hbm>> -> memref<96xi32, #tpu.memory_space<hbm>>
        %dma_wait3A_159 = arith.constant 0 : i32
        %dma_wait3A_160 = tpu.memref_slice %arg4[%dma_wait3A_159] : memref<331776xi32, #tpu.memory_space<hbm>> -> memref<96xi32, #tpu.memory_space<hbm>>
        tpu.wait_dma2 semaphore(%arg17 : memref<!tpu.dma_semaphore, #tpu.memory_space<semaphore_mem>>) src(%dma_wait3A_160 : memref<96xi32, #tpu.memory_space<hbm>>) dst(%arg11 : memref<96xi32, #tpu.memory_space<vmem>>)
        %dma_start3A_161 = arith.constant 0 : i32
        %dma_start3A_162 = arith.constant 0 : i32
        %dma_start3A_163 = tpu.memref_slice %arg2[%dma_start3A_161, %dma_start3A_162] : memref<10240x128xf32, #tpu.memory_space<hbm>> -> memref<10240x128xf32, #tpu.memory_space<hbm>>
        tpu.enqueue_indirect_dma source(%dma_start3A_163 : memref<10240x128xf32, #tpu.memory_space<hbm>>) target(%arg13 : memref<96x128xf32, #tpu.memory_space<vmem>>) offsets(%arg8 : memref<96xi32, #tpu.memory_space<vmem>>) semaphore(%arg19 : memref<!tpu.dma_semaphore, #tpu.memory_space<semaphore_mem>>)
      } else {
      }
      %add3A_105 = arith.constant 2 : i32
      %add3A_106 = arith.addi %add3A_97, %add3A_105 : i32
      %lt3A_107 = arith.constant 108 : i32
      %lt3A_108 = arith.cmpi slt, %add3A_106, %lt3A_107 : i32
      %convert_element_type3A_109 = arith.extui %lt3A_108 : i1 to i32
      %cond3A_110 = arith.constant 0 : i32
      %cond3A_111 = arith.cmpi ne, %convert_element_type3A_109, %cond3A_110 : i32
      scf.if %cond3A_111 {
        %add3A_153 = arith.constant 2 : i32
        %add3A_154 = arith.addi %add3A_97, %add3A_153 : i32
        %mul3A_155 = arith.constant 10368 : i32
        %mul3A_156 = arith.muli %add3A, %mul3A_155 : i32
        %mul3A_157 = arith.constant 96 : i32
        %mul3A_158 = arith.muli %add3A_154, %mul3A_157 : i32
        %add3A_159 = arith.addi %mul3A_156, %mul3A_158 : i32
        %multiple_of3A_160 = tpu.assume_multiple %add3A_159, 8 : i32
        %dma_start3A_161 = tpu.memref_slice %arg3[%multiple_of3A_160] : memref<331776xi32, #tpu.memory_space<hbm>> -> memref<96xi32, #tpu.memory_space<hbm>>
        %dma_start3A_162 = tpu.memref_slice %arg3[%multiple_of3A_160] : memref<331776xi32, #tpu.memory_space<hbm>> -> memref<96xi32, #tpu.memory_space<hbm>>
        tpu.enqueue_dma source(%dma_start3A_162 : memref<96xi32, #tpu.memory_space<hbm>>) target(%arg9 : memref<96xi32, #tpu.memory_space<vmem>>) target_semaphore(%arg18 : memref<!tpu.dma_semaphore, #tpu.memory_space<semaphore_mem>>)
        %dma_start3A_163 = tpu.memref_slice %arg4[%multiple_of3A_160] : memref<331776xi32, #tpu.memory_space<hbm>> -> memref<96xi32, #tpu.memory_space<hbm>>
        %dma_start3A_164 = tpu.memref_slice %arg4[%multiple_of3A_160] : memref<331776xi32, #tpu.memory_space<hbm>> -> memref<96xi32, #tpu.memory_space<hbm>>
        tpu.enqueue_dma source(%dma_start3A_164 : memref<96xi32, #tpu.memory_space<hbm>>) target(%arg12 : memref<96xi32, #tpu.memory_space<vmem>>) target_semaphore(%arg18 : memref<!tpu.dma_semaphore, #tpu.memory_space<semaphore_mem>>)
      } else {
      }
      %dma_wait3A_112 = arith.constant 0 : i32
      %dma_wait3A_113 = arith.constant 0 : i32
      %dma_wait3A_114 = tpu.memref_slice %arg2[%dma_wait3A_112, %dma_wait3A_113] : memref<10240x128xf32, #tpu.memory_space<hbm>> -> memref<10240x128xf32, #tpu.memory_space<hbm>>
      tpu.wait_indirect_dma semaphore(%arg20 : memref<!tpu.dma_semaphore, #tpu.memory_space<semaphore_mem>>) src(%dma_wait3A_114 : memref<10240x128xf32, #tpu.memory_space<hbm>>) dst(%arg14 : memref<96x128xf32, #tpu.memory_space<vmem>>)
      "tpu.region"() ({
        %run_scoped3A = tpu.sem_alloc : memref<!tpu.dma_semaphore, #tpu.memory_space<semaphore_mem>>
        %dma_start3A_153 = arith.constant 0 : i32
        %dma_start3A_154 = arith.constant 0 : i32
        %dma_start3A_155 = tpu.memref_slice %arg15[%dma_start3A_153, %dma_start3A_154] : memref<10240x128xf32, #tpu.memory_space<vmem_shared>> -> memref<10240x128xf32, #tpu.memory_space<vmem_shared>>
        tpu.enqueue_indirect_dma source(%arg14 : memref<96x128xf32, #tpu.memory_space<vmem>>) target(%dma_start3A_155 : memref<10240x128xf32, #tpu.memory_space<vmem_shared>>) offsets(%arg10 : memref<96xi32, #tpu.memory_space<vmem>>) semaphore(%run_scoped3A : memref<!tpu.dma_semaphore, #tpu.memory_space<semaphore_mem>>) {add = true}
        %dma_wait3A_156 = arith.constant 0 : i32
        %dma_wait3A_157 = arith.constant 0 : i32
        %dma_wait3A_158 = tpu.memref_slice %arg15[%dma_wait3A_156, %dma_wait3A_157] : memref<10240x128xf32, #tpu.memory_space<vmem_shared>> -> memref<10240x128xf32, #tpu.memory_space<vmem_shared>>
        tpu.wait_indirect_dma semaphore(%run_scoped3A : memref<!tpu.dma_semaphore, #tpu.memory_space<semaphore_mem>>) src(%arg14 : memref<96x128xf32, #tpu.memory_space<vmem>>) dst(%dma_wait3A_158 : memref<10240x128xf32, #tpu.memory_space<vmem_shared>>)
        tpu.yield
      }) : () -> ()
      %add3A_115 = arith.constant 4 : i32
      %add3A_116 = arith.addi %mul3A_41, %add3A_115 : i32
      %add3A_117 = arith.constant 1 : i32
      %add3A_118 = arith.addi %add3A_116, %add3A_117 : i32
      %lt3A_119 = arith.constant 108 : i32
      %lt3A_120 = arith.cmpi slt, %add3A_118, %lt3A_119 : i32
      %convert_element_type3A_121 = arith.extui %lt3A_120 : i1 to i32
      %cond3A_122 = arith.constant 0 : i32
      %cond3A_123 = arith.cmpi ne, %convert_element_type3A_121, %cond3A_122 : i32
      scf.if %cond3A_123 {
        %dma_wait3A_153 = arith.constant 0 : i32
        %dma_wait3A_154 = tpu.memref_slice %arg3[%dma_wait3A_153] : memref<331776xi32, #tpu.memory_space<hbm>> -> memref<96xi32, #tpu.memory_space<hbm>>
        %dma_wait3A_155 = arith.constant 0 : i32
        %dma_wait3A_156 = tpu.memref_slice %arg3[%dma_wait3A_155] : memref<331776xi32, #tpu.memory_space<hbm>> -> memref<96xi32, #tpu.memory_space<hbm>>
        tpu.wait_dma2 semaphore(%arg18 : memref<!tpu.dma_semaphore, #tpu.memory_space<semaphore_mem>>) src(%dma_wait3A_156 : memref<96xi32, #tpu.memory_space<hbm>>) dst(%arg9 : memref<96xi32, #tpu.memory_space<vmem>>)
        %dma_wait3A_157 = arith.constant 0 : i32
        %dma_wait3A_158 = tpu.memref_slice %arg4[%dma_wait3A_157] : memref<331776xi32, #tpu.memory_space<hbm>> -> memref<96xi32, #tpu.memory_space<hbm>>
        %dma_wait3A_159 = arith.constant 0 : i32
        %dma_wait3A_160 = tpu.memref_slice %arg4[%dma_wait3A_159] : memref<331776xi32, #tpu.memory_space<hbm>> -> memref<96xi32, #tpu.memory_space<hbm>>
        tpu.wait_dma2 semaphore(%arg18 : memref<!tpu.dma_semaphore, #tpu.memory_space<semaphore_mem>>) src(%dma_wait3A_160 : memref<96xi32, #tpu.memory_space<hbm>>) dst(%arg12 : memref<96xi32, #tpu.memory_space<vmem>>)
        %dma_start3A_161 = arith.constant 0 : i32
        %dma_start3A_162 = arith.constant 0 : i32
        %dma_start3A_163 = tpu.memref_slice %arg2[%dma_start3A_161, %dma_start3A_162] : memref<10240x128xf32, #tpu.memory_space<hbm>> -> memref<10240x128xf32, #tpu.memory_space<hbm>>
        tpu.enqueue_indirect_dma source(%dma_start3A_163 : memref<10240x128xf32, #tpu.memory_space<hbm>>) target(%arg14 : memref<96x128xf32, #tpu.memory_space<vmem>>) offsets(%arg9 : memref<96xi32, #tpu.memory_space<vmem>>) semaphore(%arg20 : memref<!tpu.dma_semaphore, #tpu.memory_space<semaphore_mem>>)
      } else {
      }
      %add3A_124 = arith.constant 2 : i32
      %add3A_125 = arith.addi %add3A_116, %add3A_124 : i32
      %lt3A_126 = arith.constant 108 : i32
      %lt3A_127 = arith.cmpi slt, %add3A_125, %lt3A_126 : i32
      %convert_element_type3A_128 = arith.extui %lt3A_127 : i1 to i32
      %cond3A_129 = arith.constant 0 : i32
      %cond3A_130 = arith.cmpi ne, %convert_element_type3A_128, %cond3A_129 : i32
      scf.if %cond3A_130 {
        %add3A_153 = arith.constant 2 : i32
        %add3A_154 = arith.addi %add3A_116, %add3A_153 : i32
        %mul3A_155 = arith.constant 10368 : i32
        %mul3A_156 = arith.muli %add3A, %mul3A_155 : i32
        %mul3A_157 = arith.constant 96 : i32
        %mul3A_158 = arith.muli %add3A_154, %mul3A_157 : i32
        %add3A_159 = arith.addi %mul3A_156, %mul3A_158 : i32
        %multiple_of3A_160 = tpu.assume_multiple %add3A_159, 8 : i32
        %dma_start3A_161 = tpu.memref_slice %arg3[%multiple_of3A_160] : memref<331776xi32, #tpu.memory_space<hbm>> -> memref<96xi32, #tpu.memory_space<hbm>>
        %dma_start3A_162 = tpu.memref_slice %arg3[%multiple_of3A_160] : memref<331776xi32, #tpu.memory_space<hbm>> -> memref<96xi32, #tpu.memory_space<hbm>>
        tpu.enqueue_dma source(%dma_start3A_162 : memref<96xi32, #tpu.memory_space<hbm>>) target(%arg7 : memref<96xi32, #tpu.memory_space<vmem>>) target_semaphore(%arg16 : memref<!tpu.dma_semaphore, #tpu.memory_space<semaphore_mem>>)
        %dma_start3A_163 = tpu.memref_slice %arg4[%multiple_of3A_160] : memref<331776xi32, #tpu.memory_space<hbm>> -> memref<96xi32, #tpu.memory_space<hbm>>
        %dma_start3A_164 = tpu.memref_slice %arg4[%multiple_of3A_160] : memref<331776xi32, #tpu.memory_space<hbm>> -> memref<96xi32, #tpu.memory_space<hbm>>
        tpu.enqueue_dma source(%dma_start3A_164 : memref<96xi32, #tpu.memory_space<hbm>>) target(%arg10 : memref<96xi32, #tpu.memory_space<vmem>>) target_semaphore(%arg16 : memref<!tpu.dma_semaphore, #tpu.memory_space<semaphore_mem>>)
      } else {
      }
      %dma_wait3A_131 = arith.constant 0 : i32
      %dma_wait3A_132 = arith.constant 0 : i32
      %dma_wait3A_133 = tpu.memref_slice %arg2[%dma_wait3A_131, %dma_wait3A_132] : memref<10240x128xf32, #tpu.memory_space<hbm>> -> memref<10240x128xf32, #tpu.memory_space<hbm>>
      tpu.wait_indirect_dma semaphore(%arg19 : memref<!tpu.dma_semaphore, #tpu.memory_space<semaphore_mem>>) src(%dma_wait3A_133 : memref<10240x128xf32, #tpu.memory_space<hbm>>) dst(%arg13 : memref<96x128xf32, #tpu.memory_space<vmem>>)
      "tpu.region"() ({
        %run_scoped3A = tpu.sem_alloc : memref<!tpu.dma_semaphore, #tpu.memory_space<semaphore_mem>>
        %dma_start3A_153 = arith.constant 0 : i32
        %dma_start3A_154 = arith.constant 0 : i32
        %dma_start3A_155 = tpu.memref_slice %arg15[%dma_start3A_153, %dma_start3A_154] : memref<10240x128xf32, #tpu.memory_space<vmem_shared>> -> memref<10240x128xf32, #tpu.memory_space<vmem_shared>>
        tpu.enqueue_indirect_dma source(%arg13 : memref<96x128xf32, #tpu.memory_space<vmem>>) target(%dma_start3A_155 : memref<10240x128xf32, #tpu.memory_space<vmem_shared>>) offsets(%arg11 : memref<96xi32, #tpu.memory_space<vmem>>) semaphore(%run_scoped3A : memref<!tpu.dma_semaphore, #tpu.memory_space<semaphore_mem>>) {add = true}
        %dma_wait3A_156 = arith.constant 0 : i32
        %dma_wait3A_157 = arith.constant 0 : i32
        %dma_wait3A_158 = tpu.memref_slice %arg15[%dma_wait3A_156, %dma_wait3A_157] : memref<10240x128xf32, #tpu.memory_space<vmem_shared>> -> memref<10240x128xf32, #tpu.memory_space<vmem_shared>>
        tpu.wait_indirect_dma semaphore(%run_scoped3A : memref<!tpu.dma_semaphore, #tpu.memory_space<semaphore_mem>>) src(%arg13 : memref<96x128xf32, #tpu.memory_space<vmem>>) dst(%dma_wait3A_158 : memref<10240x128xf32, #tpu.memory_space<vmem_shared>>)
        tpu.yield
      }) : () -> ()
      %add3A_134 = arith.constant 5 : i32
      %add3A_135 = arith.addi %mul3A_41, %add3A_134 : i32
      %add3A_136 = arith.constant 1 : i32
      %add3A_137 = arith.addi %add3A_135, %add3A_136 : i32
      %lt3A_138 = arith.constant 108 : i32
      %lt3A_139 = arith.cmpi slt, %add3A_137, %lt3A_138 : i32
      %convert_element_type3A_140 = arith.extui %lt3A_139 : i1 to i32
      %cond3A_141 = arith.constant 0 : i32
      %cond3A_142 = arith.cmpi ne, %convert_element_type3A_140, %cond3A_141 : i32
      scf.if %cond3A_142 {
        %dma_wait3A_153 = arith.constant 0 : i32
        %dma_wait3A_154 = tpu.memref_slice %arg3[%dma_wait3A_153] : memref<331776xi32, #tpu.memory_space<hbm>> -> memref<96xi32, #tpu.memory_space<hbm>>
        %dma_wait3A_155 = arith.constant 0 : i32
        %dma_wait3A_156 = tpu.memref_slice %arg3[%dma_wait3A_155] : memref<331776xi32, #tpu.memory_space<hbm>> -> memref<96xi32, #tpu.memory_space<hbm>>
        tpu.wait_dma2 semaphore(%arg16 : memref<!tpu.dma_semaphore, #tpu.memory_space<semaphore_mem>>) src(%dma_wait3A_156 : memref<96xi32, #tpu.memory_space<hbm>>) dst(%arg7 : memref<96xi32, #tpu.memory_space<vmem>>)
        %dma_wait3A_157 = arith.constant 0 : i32
        %dma_wait3A_158 = tpu.memref_slice %arg4[%dma_wait3A_157] : memref<331776xi32, #tpu.memory_space<hbm>> -> memref<96xi32, #tpu.memory_space<hbm>>
        %dma_wait3A_159 = arith.constant 0 : i32
        %dma_wait3A_160 = tpu.memref_slice %arg4[%dma_wait3A_159] : memref<331776xi32, #tpu.memory_space<hbm>> -> memref<96xi32, #tpu.memory_space<hbm>>
        tpu.wait_dma2 semaphore(%arg16 : memref<!tpu.dma_semaphore, #tpu.memory_space<semaphore_mem>>) src(%dma_wait3A_160 : memref<96xi32, #tpu.memory_space<hbm>>) dst(%arg10 : memref<96xi32, #tpu.memory_space<vmem>>)
        %dma_start3A_161 = arith.constant 0 : i32
        %dma_start3A_162 = arith.constant 0 : i32
        %dma_start3A_163 = tpu.memref_slice %arg2[%dma_start3A_161, %dma_start3A_162] : memref<10240x128xf32, #tpu.memory_space<hbm>> -> memref<10240x128xf32, #tpu.memory_space<hbm>>
        tpu.enqueue_indirect_dma source(%dma_start3A_163 : memref<10240x128xf32, #tpu.memory_space<hbm>>) target(%arg13 : memref<96x128xf32, #tpu.memory_space<vmem>>) offsets(%arg7 : memref<96xi32, #tpu.memory_space<vmem>>) semaphore(%arg19 : memref<!tpu.dma_semaphore, #tpu.memory_space<semaphore_mem>>)
      } else {
      }
      %add3A_143 = arith.constant 2 : i32
      %add3A_144 = arith.addi %add3A_135, %add3A_143 : i32
      %lt3A_145 = arith.constant 108 : i32
      %lt3A_146 = arith.cmpi slt, %add3A_144, %lt3A_145 : i32
      %convert_element_type3A_147 = arith.extui %lt3A_146 : i1 to i32
      %cond3A_148 = arith.constant 0 : i32
      %cond3A_149 = arith.cmpi ne, %convert_element_type3A_147, %cond3A_148 : i32
      scf.if %cond3A_149 {
        %add3A_153 = arith.constant 2 : i32
        %add3A_154 = arith.addi %add3A_135, %add3A_153 : i32
        %mul3A_155 = arith.constant 10368 : i32
        %mul3A_156 = arith.muli %add3A, %mul3A_155 : i32
        %mul3A_157 = arith.constant 96 : i32
        %mul3A_158 = arith.muli %add3A_154, %mul3A_157 : i32
        %add3A_159 = arith.addi %mul3A_156, %mul3A_158 : i32
        %multiple_of3A_160 = tpu.assume_multiple %add3A_159, 8 : i32
        %dma_start3A_161 = tpu.memref_slice %arg3[%multiple_of3A_160] : memref<331776xi32, #tpu.memory_space<hbm>> -> memref<96xi32, #tpu.memory_space<hbm>>
        %dma_start3A_162 = tpu.memref_slice %arg3[%multiple_of3A_160] : memref<331776xi32, #tpu.memory_space<hbm>> -> memref<96xi32, #tpu.memory_space<hbm>>
        tpu.enqueue_dma source(%dma_start3A_162 : memref<96xi32, #tpu.memory_space<hbm>>) target(%arg8 : memref<96xi32, #tpu.memory_space<vmem>>) target_semaphore(%arg17 : memref<!tpu.dma_semaphore, #tpu.memory_space<semaphore_mem>>)
        %dma_start3A_163 = tpu.memref_slice %arg4[%multiple_of3A_160] : memref<331776xi32, #tpu.memory_space<hbm>> -> memref<96xi32, #tpu.memory_space<hbm>>
        %dma_start3A_164 = tpu.memref_slice %arg4[%multiple_of3A_160] : memref<331776xi32, #tpu.memory_space<hbm>> -> memref<96xi32, #tpu.memory_space<hbm>>
        tpu.enqueue_dma source(%dma_start3A_164 : memref<96xi32, #tpu.memory_space<hbm>>) target(%arg11 : memref<96xi32, #tpu.memory_space<vmem>>) target_semaphore(%arg17 : memref<!tpu.dma_semaphore, #tpu.memory_space<semaphore_mem>>)
      } else {
      }
      %dma_wait3A_150 = arith.constant 0 : i32
      %dma_wait3A_151 = arith.constant 0 : i32
      %dma_wait3A_152 = tpu.memref_slice %arg2[%dma_wait3A_150, %dma_wait3A_151] : memref<10240x128xf32, #tpu.memory_space<hbm>> -> memref<10240x128xf32, #tpu.memory_space<hbm>>
      tpu.wait_indirect_dma semaphore(%arg20 : memref<!tpu.dma_semaphore, #tpu.memory_space<semaphore_mem>>) src(%dma_wait3A_152 : memref<10240x128xf32, #tpu.memory_space<hbm>>) dst(%arg14 : memref<96x128xf32, #tpu.memory_space<vmem>>)
      "tpu.region"() ({
        %run_scoped3A = tpu.sem_alloc : memref<!tpu.dma_semaphore, #tpu.memory_space<semaphore_mem>>
        %dma_start3A_153 = arith.constant 0 : i32
        %dma_start3A_154 = arith.constant 0 : i32
        %dma_start3A_155 = tpu.memref_slice %arg15[%dma_start3A_153, %dma_start3A_154] : memref<10240x128xf32, #tpu.memory_space<vmem_shared>> -> memref<10240x128xf32, #tpu.memory_space<vmem_shared>>
        tpu.enqueue_indirect_dma source(%arg14 : memref<96x128xf32, #tpu.memory_space<vmem>>) target(%dma_start3A_155 : memref<10240x128xf32, #tpu.memory_space<vmem_shared>>) offsets(%arg12 : memref<96xi32, #tpu.memory_space<vmem>>) semaphore(%run_scoped3A : memref<!tpu.dma_semaphore, #tpu.memory_space<semaphore_mem>>) {add = true}
        %dma_wait3A_156 = arith.constant 0 : i32
        %dma_wait3A_157 = arith.constant 0 : i32
        %dma_wait3A_158 = tpu.memref_slice %arg15[%dma_wait3A_156, %dma_wait3A_157] : memref<10240x128xf32, #tpu.memory_space<vmem_shared>> -> memref<10240x128xf32, #tpu.memory_space<vmem_shared>>
        tpu.wait_indirect_dma semaphore(%run_scoped3A : memref<!tpu.dma_semaphore, #tpu.memory_space<semaphore_mem>>) src(%arg14 : memref<96x128xf32, #tpu.memory_space<vmem>>) dst(%dma_wait3A_158 : memref<10240x128xf32, #tpu.memory_space<vmem_shared>>)
        tpu.yield
      }) : () -> ()
    }
    %scan3A_33 = arith.constant 18 : i32
    %barrier3A_34 = arith.constant 0 : index
    tpu.barrier barrier_id(%barrier3A_34)
    %mul3A_35 = arith.constant 640 : i32
    %mul3A_36 = arith.muli %arg1, %mul3A_35 : i32
    %mul3A_37 = arith.constant 640 : i32
    %mul3A_38 = arith.muli %arg1, %mul3A_37 : i32
    "tpu.region"() ({
      %run_scoped3A = tpu.sem_alloc : memref<!tpu.dma_semaphore, #tpu.memory_space<semaphore_mem>>
      %dma_start3A_39 = arith.constant 0 : i32
      %dma_start3A_40 = tpu.memref_slice %arg6[%arg0, %mul3A_38, %dma_start3A_39] : memref<2x10240x128xf32, #tpu.memory_space<hbm>> -> memref<1x640x128xf32, #tpu.memory_space<hbm>>
      %dma_start3A_41 = tpu.memref_squeeze %dma_start3A_40 : memref<1x640x128xf32, #tpu.memory_space<hbm>> -> memref<640x128xf32, #tpu.memory_space<hbm>>
      %dma_start3A_42 = arith.constant 0 : i32
      %dma_start3A_43 = tpu.memref_slice %arg15[%mul3A_36, %dma_start3A_42] : memref<10240x128xf32, #tpu.memory_space<vmem_shared>> -> memref<640x128xf32, #tpu.memory_space<vmem_shared>>
      tpu.enqueue_dma source(%dma_start3A_43 : memref<640x128xf32, #tpu.memory_space<vmem_shared>>) target(%dma_start3A_41 : memref<640x128xf32, #tpu.memory_space<hbm>>) target_semaphore(%run_scoped3A : memref<!tpu.dma_semaphore, #tpu.memory_space<semaphore_mem>>)
      %dma_wait3A_44 = arith.constant 0 : i32
      %dma_wait3A_45 = tpu.memref_slice %arg6[%arg0, %mul3A_38, %dma_wait3A_44] : memref<2x10240x128xf32, #tpu.memory_space<hbm>> -> memref<1x640x128xf32, #tpu.memory_space<hbm>>
      %dma_wait3A_46 = tpu.memref_squeeze %dma_wait3A_45 : memref<1x640x128xf32, #tpu.memory_space<hbm>> -> memref<640x128xf32, #tpu.memory_space<hbm>>
      %dma_wait3A_47 = arith.constant 0 : i32
      %dma_wait3A_48 = tpu.memref_slice %arg15[%mul3A_36, %dma_wait3A_47] : memref<10240x128xf32, #tpu.memory_space<vmem_shared>> -> memref<640x128xf32, #tpu.memory_space<vmem_shared>>
      tpu.wait_dma2 semaphore(%run_scoped3A : memref<!tpu.dma_semaphore, #tpu.memory_space<semaphore_mem>>) src(%dma_wait3A_48 : memref<640x128xf32, #tpu.memory_space<vmem_shared>>) dst(%dma_wait3A_46 : memref<640x128xf32, #tpu.memory_space<hbm>>)
      tpu.yield
    }) : () -> ()
    return
  }
}

module attributes {stable_mosaic.version = 14 : i64} {
  func.func @_tc_layer_body(%arg0: memref<10240x128xf32, #tpu.memory_space<vmem>>, %arg1: memref<2x10240x128xf32, #tpu.memory_space<vmem>>, %arg2: memref<128x128xf32, #tpu.memory_space<vmem>>, %arg3: memref<1x128xf32, #tpu.memory_space<vmem>>, %arg4: memref<128x128xf32, #tpu.memory_space<vmem>>, %arg5: memref<1x128xf32, #tpu.memory_space<vmem>>, %arg6: memref<1x128xf32, #tpu.memory_space<vmem>>, %arg7: memref<1x128xf32, #tpu.memory_space<vmem>>, %arg8: memref<10000x128xf32, #tpu.memory_space<vmem>>) attributes {dimension_semantics = [], scalar_prefetch = 0 : i64, scratch_operands = 0 : i64, tpu.core_type = #tpu.core_type<tc>} {
    %get3A = arith.constant 0 : index
    %get3A_0 = arith.constant 0 : index
    %get3A_1 = vector.load %arg0[%get3A, %get3A_0] : memref<10240x128xf32, #tpu.memory_space<vmem>>, vector<10000x128xf32>
    %get3A_2 = arith.constant 0 : index
    %get3A_3 = arith.constant 0 : index
    %get3A_4 = arith.constant 0 : index
    %get3A_5 = vector.load %arg1[%get3A_2, %get3A_3, %get3A_4] : memref<2x10240x128xf32, #tpu.memory_space<vmem>>, vector<1x10000x128xf32>
    %get3A_6 = vector.shape_cast %get3A_5 : vector<1x10000x128xf32> to vector<10000x128xf32>
    %add3A = arith.addf %get3A_1, %get3A_6 : vector<10000x128xf32>
    %get3A_7 = arith.constant 1 : index
    %get3A_8 = arith.constant 0 : index
    %get3A_9 = arith.constant 0 : index
    %get3A_10 = vector.load %arg1[%get3A_7, %get3A_8, %get3A_9] : memref<2x10240x128xf32, #tpu.memory_space<vmem>>, vector<1x10000x128xf32>
    %get3A_11 = vector.shape_cast %get3A_10 : vector<1x10000x128xf32> to vector<10000x128xf32>
    %add3A_12 = arith.addf %add3A, %get3A_11 : vector<10000x128xf32>
    %get3A_13 = arith.constant 0 : index
    %get3A_14 = arith.constant 0 : index
    %get3A_15 = vector.load %arg2[%get3A_13, %get3A_14] : memref<128x128xf32, #tpu.memory_space<vmem>>, vector<128x128xf32>
    %dot_general3A = arith.constant dense<0.000000e+00> : vector<10000x128xf32>
    %dot_general3A_16 = tpu.matmul %add3A_12, %get3A_15, %dot_general3A {dimension_numbers = #tpu.dot_dimension_numbers<[1], [0], [0], [1], [0, 0, 1, 1], [], []>, transpose_lhs_hint = false} : vector<10000x128xf32>, vector<128x128xf32>, vector<10000x128xf32> -> vector<10000x128xf32>
    %get3A_17 = arith.constant 0 : index
    %get3A_18 = arith.constant 0 : index
    %get3A_19 = vector.load %arg3[%get3A_17, %get3A_18] : memref<1x128xf32, #tpu.memory_space<vmem>>, vector<1x128xf32>
    %add3A_20 = vector.broadcast %get3A_19 : vector<1x128xf32> to vector<10000x128xf32>
    %add3A_21 = arith.addf %dot_general3A_16, %add3A_20 : vector<10000x128xf32>
    %max3A = arith.constant 0.000000e+00 : f32
    %max3A_22 = vector.broadcast %max3A : f32 to vector<10000x128xf32>
    %max3A_23 = arith.maximumf %add3A_21, %max3A_22 : vector<10000x128xf32>
    %get3A_24 = arith.constant 0 : index
    %get3A_25 = arith.constant 0 : index
    %get3A_26 = vector.load %arg4[%get3A_24, %get3A_25] : memref<128x128xf32, #tpu.memory_space<vmem>>, vector<128x128xf32>
    %dot_general3A_27 = arith.constant dense<0.000000e+00> : vector<10000x128xf32>
    %dot_general3A_28 = tpu.matmul %max3A_23, %get3A_26, %dot_general3A_27 {dimension_numbers = #tpu.dot_dimension_numbers<[1], [0], [0], [1], [0, 0, 1, 1], [], []>, transpose_lhs_hint = false} : vector<10000x128xf32>, vector<128x128xf32>, vector<10000x128xf32> -> vector<10000x128xf32>
    %get3A_29 = arith.constant 0 : index
    %get3A_30 = arith.constant 0 : index
    %get3A_31 = vector.load %arg5[%get3A_29, %get3A_30] : memref<1x128xf32, #tpu.memory_space<vmem>>, vector<1x128xf32>
    %add3A_32 = vector.broadcast %get3A_31 : vector<1x128xf32> to vector<10000x128xf32>
    %add3A_33 = arith.addf %dot_general3A_28, %add3A_32 : vector<10000x128xf32>
    %reduce_sum3A = arith.constant dense<0.000000e+00> : vector<128xf32>
    %reduce_sum3A_34 = vector.multi_reduction <add>, %add3A_33, %reduce_sum3A [0] : vector<10000x128xf32> to vector<128xf32>
    %broadcast_in_dim3A = vector.shape_cast %reduce_sum3A_34 : vector<128xf32> to vector<1x128xf32>
    %div3A = arith.constant 1.000000e+04 : f32
    %div3A_35 = vector.broadcast %div3A : f32 to vector<1x128xf32>
    %div3A_36 = arith.divf %broadcast_in_dim3A, %div3A_35 : vector<1x128xf32>
    %sub3A = vector.broadcast %div3A_36 : vector<1x128xf32> to vector<10000x128xf32>
    %sub3A_37 = arith.subf %add3A_33, %sub3A : vector<10000x128xf32>
    %integer_pow3A = arith.mulf %sub3A_37, %sub3A_37 : vector<10000x128xf32>
    %reduce_sum3A_38 = arith.constant dense<0.000000e+00> : vector<128xf32>
    %reduce_sum3A_39 = vector.multi_reduction <add>, %integer_pow3A, %reduce_sum3A_38 [0] : vector<10000x128xf32> to vector<128xf32>
    %broadcast_in_dim3A_40 = vector.shape_cast %reduce_sum3A_39 : vector<128xf32> to vector<1x128xf32>
    %div3A_41 = arith.constant 1.000000e+04 : f32
    %div3A_42 = vector.broadcast %div3A_41 : f32 to vector<1x128xf32>
    %div3A_43 = arith.divf %broadcast_in_dim3A_40, %div3A_42 : vector<1x128xf32>
    %get3A_44 = arith.constant 0 : index
    %get3A_45 = arith.constant 0 : index
    %get3A_46 = vector.load %arg6[%get3A_44, %get3A_45] : memref<1x128xf32, #tpu.memory_space<vmem>>, vector<1x128xf32>
    %sub3A_47 = vector.broadcast %div3A_36 : vector<1x128xf32> to vector<10000x128xf32>
    %sub3A_48 = arith.subf %add3A_33, %sub3A_47 : vector<10000x128xf32>
    %mul3A = vector.broadcast %get3A_46 : vector<1x128xf32> to vector<10000x128xf32>
    %mul3A_49 = arith.mulf %mul3A, %sub3A_48 : vector<10000x128xf32>
    %add3A_50 = arith.constant 9.99999974E-6 : f32
    %add3A_51 = vector.broadcast %add3A_50 : f32 to vector<1x128xf32>
    %add3A_52 = arith.addf %div3A_43, %add3A_51 : vector<1x128xf32>
    %sqrt3A = math.sqrt %add3A_52 : vector<1x128xf32>
    %div3A_53 = vector.broadcast %sqrt3A : vector<1x128xf32> to vector<10000x128xf32>
    %div3A_54 = arith.divf %mul3A_49, %div3A_53 : vector<10000x128xf32>
    %get3A_55 = arith.constant 0 : index
    %get3A_56 = arith.constant 0 : index
    %get3A_57 = vector.load %arg7[%get3A_55, %get3A_56] : memref<1x128xf32, #tpu.memory_space<vmem>>, vector<1x128xf32>
    %add3A_58 = vector.broadcast %get3A_57 : vector<1x128xf32> to vector<10000x128xf32>
    %add3A_59 = arith.addf %div3A_54, %add3A_58 : vector<10000x128xf32>
    %max3A_60 = arith.constant 0.000000e+00 : f32
    %max3A_61 = vector.broadcast %max3A_60 : f32 to vector<10000x128xf32>
    %max3A_62 = arith.maximumf %add3A_59, %max3A_61 : vector<10000x128xf32>
    %swap3A = arith.constant 0 : index
    %swap3A_63 = arith.constant 0 : index
    %swap3A_64 = vector.load %arg8[%swap3A, %swap3A_63] : memref<10000x128xf32, #tpu.memory_space<vmem>>, vector<10000x128xf32>
    tpu.vector_store %arg8[%swap3A, %swap3A_63], %max3A_62 {strides = array<i32>} : memref<10000x128xf32, #tpu.memory_space<vmem>>, vector<10000x128xf32>,
    return
  }
}

module attributes {stable_mosaic.version = 14 : i64} {
  func.func @_tc_layer_out_body(%arg0: memref<10000x128xf32, #tpu.memory_space<vmem>>, %arg1: memref<2x10240x128xf32, #tpu.memory_space<vmem>>, %arg2: memref<128x128xf32, #tpu.memory_space<vmem>>, %arg3: memref<1x128xf32, #tpu.memory_space<vmem>>, %arg4: memref<128x128xf32, #tpu.memory_space<vmem>>, %arg5: memref<1x128xf32, #tpu.memory_space<vmem>>, %arg6: memref<1x128xf32, #tpu.memory_space<vmem>>, %arg7: memref<1x128xf32, #tpu.memory_space<vmem>>, %arg8: memref<128x120xf32, #tpu.memory_space<vmem>>, %arg9: memref<1x120xf32, #tpu.memory_space<vmem>>, %arg10: memref<10000x120xf32, #tpu.memory_space<vmem>>) attributes {dimension_semantics = [], scalar_prefetch = 0 : i64, scratch_operands = 0 : i64, tpu.core_type = #tpu.core_type<tc>} {
    %get3A = arith.constant 0 : index
    %get3A_0 = arith.constant 0 : index
    %get3A_1 = vector.load %arg0[%get3A, %get3A_0] : memref<10000x128xf32, #tpu.memory_space<vmem>>, vector<10000x128xf32>
    %get3A_2 = arith.constant 0 : index
    %get3A_3 = arith.constant 0 : index
    %get3A_4 = arith.constant 0 : index
    %get3A_5 = vector.load %arg1[%get3A_2, %get3A_3, %get3A_4] : memref<2x10240x128xf32, #tpu.memory_space<vmem>>, vector<1x10000x128xf32>
    %get3A_6 = vector.shape_cast %get3A_5 : vector<1x10000x128xf32> to vector<10000x128xf32>
    %add3A = arith.addf %get3A_1, %get3A_6 : vector<10000x128xf32>
    %get3A_7 = arith.constant 1 : index
    %get3A_8 = arith.constant 0 : index
    %get3A_9 = arith.constant 0 : index
    %get3A_10 = vector.load %arg1[%get3A_7, %get3A_8, %get3A_9] : memref<2x10240x128xf32, #tpu.memory_space<vmem>>, vector<1x10000x128xf32>
    %get3A_11 = vector.shape_cast %get3A_10 : vector<1x10000x128xf32> to vector<10000x128xf32>
    %add3A_12 = arith.addf %add3A, %get3A_11 : vector<10000x128xf32>
    %get3A_13 = arith.constant 0 : index
    %get3A_14 = arith.constant 0 : index
    %get3A_15 = vector.load %arg2[%get3A_13, %get3A_14] : memref<128x128xf32, #tpu.memory_space<vmem>>, vector<128x128xf32>
    %dot_general3A = arith.constant dense<0.000000e+00> : vector<10000x128xf32>
    %dot_general3A_16 = tpu.matmul %add3A_12, %get3A_15, %dot_general3A {dimension_numbers = #tpu.dot_dimension_numbers<[1], [0], [0], [1], [0, 0, 1, 1], [], []>, transpose_lhs_hint = false} : vector<10000x128xf32>, vector<128x128xf32>, vector<10000x128xf32> -> vector<10000x128xf32>
    %get3A_17 = arith.constant 0 : index
    %get3A_18 = arith.constant 0 : index
    %get3A_19 = vector.load %arg3[%get3A_17, %get3A_18] : memref<1x128xf32, #tpu.memory_space<vmem>>, vector<1x128xf32>
    %add3A_20 = vector.broadcast %get3A_19 : vector<1x128xf32> to vector<10000x128xf32>
    %add3A_21 = arith.addf %dot_general3A_16, %add3A_20 : vector<10000x128xf32>
    %max3A = arith.constant 0.000000e+00 : f32
    %max3A_22 = vector.broadcast %max3A : f32 to vector<10000x128xf32>
    %max3A_23 = arith.maximumf %add3A_21, %max3A_22 : vector<10000x128xf32>
    %get3A_24 = arith.constant 0 : index
    %get3A_25 = arith.constant 0 : index
    %get3A_26 = vector.load %arg4[%get3A_24, %get3A_25] : memref<128x128xf32, #tpu.memory_space<vmem>>, vector<128x128xf32>
    %dot_general3A_27 = arith.constant dense<0.000000e+00> : vector<10000x128xf32>
    %dot_general3A_28 = tpu.matmul %max3A_23, %get3A_26, %dot_general3A_27 {dimension_numbers = #tpu.dot_dimension_numbers<[1], [0], [0], [1], [0, 0, 1, 1], [], []>, transpose_lhs_hint = false} : vector<10000x128xf32>, vector<128x128xf32>, vector<10000x128xf32> -> vector<10000x128xf32>
    %get3A_29 = arith.constant 0 : index
    %get3A_30 = arith.constant 0 : index
    %get3A_31 = vector.load %arg5[%get3A_29, %get3A_30] : memref<1x128xf32, #tpu.memory_space<vmem>>, vector<1x128xf32>
    %add3A_32 = vector.broadcast %get3A_31 : vector<1x128xf32> to vector<10000x128xf32>
    %add3A_33 = arith.addf %dot_general3A_28, %add3A_32 : vector<10000x128xf32>
    %reduce_sum3A = arith.constant dense<0.000000e+00> : vector<128xf32>
    %reduce_sum3A_34 = vector.multi_reduction <add>, %add3A_33, %reduce_sum3A [0] : vector<10000x128xf32> to vector<128xf32>
    %broadcast_in_dim3A = vector.shape_cast %reduce_sum3A_34 : vector<128xf32> to vector<1x128xf32>
    %div3A = arith.constant 1.000000e+04 : f32
    %div3A_35 = vector.broadcast %div3A : f32 to vector<1x128xf32>
    %div3A_36 = arith.divf %broadcast_in_dim3A, %div3A_35 : vector<1x128xf32>
    %sub3A = vector.broadcast %div3A_36 : vector<1x128xf32> to vector<10000x128xf32>
    %sub3A_37 = arith.subf %add3A_33, %sub3A : vector<10000x128xf32>
    %integer_pow3A = arith.mulf %sub3A_37, %sub3A_37 : vector<10000x128xf32>
    %reduce_sum3A_38 = arith.constant dense<0.000000e+00> : vector<128xf32>
    %reduce_sum3A_39 = vector.multi_reduction <add>, %integer_pow3A, %reduce_sum3A_38 [0] : vector<10000x128xf32> to vector<128xf32>
    %broadcast_in_dim3A_40 = vector.shape_cast %reduce_sum3A_39 : vector<128xf32> to vector<1x128xf32>
    %div3A_41 = arith.constant 1.000000e+04 : f32
    %div3A_42 = vector.broadcast %div3A_41 : f32 to vector<1x128xf32>
    %div3A_43 = arith.divf %broadcast_in_dim3A_40, %div3A_42 : vector<1x128xf32>
    %get3A_44 = arith.constant 0 : index
    %get3A_45 = arith.constant 0 : index
    %get3A_46 = vector.load %arg6[%get3A_44, %get3A_45] : memref<1x128xf32, #tpu.memory_space<vmem>>, vector<1x128xf32>
    %sub3A_47 = vector.broadcast %div3A_36 : vector<1x128xf32> to vector<10000x128xf32>
    %sub3A_48 = arith.subf %add3A_33, %sub3A_47 : vector<10000x128xf32>
    %mul3A = vector.broadcast %get3A_46 : vector<1x128xf32> to vector<10000x128xf32>
    %mul3A_49 = arith.mulf %mul3A, %sub3A_48 : vector<10000x128xf32>
    %add3A_50 = arith.constant 9.99999974E-6 : f32
    %add3A_51 = vector.broadcast %add3A_50 : f32 to vector<1x128xf32>
    %add3A_52 = arith.addf %div3A_43, %add3A_51 : vector<1x128xf32>
    %sqrt3A = math.sqrt %add3A_52 : vector<1x128xf32>
    %div3A_53 = vector.broadcast %sqrt3A : vector<1x128xf32> to vector<10000x128xf32>
    %div3A_54 = arith.divf %mul3A_49, %div3A_53 : vector<10000x128xf32>
    %get3A_55 = arith.constant 0 : index
    %get3A_56 = arith.constant 0 : index
    %get3A_57 = vector.load %arg7[%get3A_55, %get3A_56] : memref<1x128xf32, #tpu.memory_space<vmem>>, vector<1x128xf32>
    %add3A_58 = vector.broadcast %get3A_57 : vector<1x128xf32> to vector<10000x128xf32>
    %add3A_59 = arith.addf %div3A_54, %add3A_58 : vector<10000x128xf32>
    %max3A_60 = arith.constant 0.000000e+00 : f32
    %max3A_61 = vector.broadcast %max3A_60 : f32 to vector<10000x128xf32>
    %max3A_62 = arith.maximumf %add3A_59, %max3A_61 : vector<10000x128xf32>
    %get3A_63 = arith.constant 0 : index
    %get3A_64 = arith.constant 0 : index
    %get3A_65 = vector.load %arg8[%get3A_63, %get3A_64] : memref<128x120xf32, #tpu.memory_space<vmem>>, vector<128x120xf32>
    %dot_general3A_66 = arith.constant dense<0.000000e+00> : vector<10000x120xf32>
    %dot_general3A_67 = tpu.matmul %max3A_62, %get3A_65, %dot_general3A_66 {dimension_numbers = #tpu.dot_dimension_numbers<[1], [0], [0], [1], [0, 0, 1, 1], [], []>, transpose_lhs_hint = false} : vector<10000x128xf32>, vector<128x120xf32>, vector<10000x120xf32> -> vector<10000x120xf32>
    %get3A_68 = arith.constant 0 : index
    %get3A_69 = arith.constant 0 : index
    %get3A_70 = vector.load %arg9[%get3A_68, %get3A_69] : memref<1x120xf32, #tpu.memory_space<vmem>>, vector<1x120xf32>
    %add3A_71 = vector.broadcast %get3A_70 : vector<1x120xf32> to vector<10000x120xf32>
    %add3A_72 = arith.addf %dot_general3A_67, %add3A_71 : vector<10000x120xf32>
    %swap3A = arith.constant 0 : index
    %swap3A_73 = arith.constant 0 : index
    %swap3A_74 = vector.load %arg10[%swap3A, %swap3A_73] : memref<10000x120xf32, #tpu.memory_space<vmem>>, vector<10000x120xf32>
    tpu.vector_store %arg10[%swap3A, %swap3A_73], %add3A_72 {strides = array<i32>} : memref<10000x120xf32, #tpu.memory_space<vmem>>, vector<10000x120xf32>,
    return
  }
}

</mosaic_0001>

<sc_bundles>
// kernel: kernel.10.cloned.1.call-start
scs
__scs_entry_jumppad:
0x0: {  	(pc) =	sbr.rel $0x88, $3  }
0x1: {  	(tag) =	ssettag $0x0;
	lr =	simm.s32 $0x1  }
0x2: {  	[smem:$0x3F90] =	sst lr;
	_ =	strace $0xD0000000  }
0x3: {  	_ = 	snop  }
0x4: {  	_ = 	snop  }
0x5: {  	_ = 	snop  }
0x6: {  	_ = 	snop  }
0x7: {  	_ = 	snop  }
__scs_overlays_trampoline_lowered:
0x8: {  	[smem:$0x3F9F] =	sst s0  }
0x9: {  	[smem:$0x3FA0] =	sst s1  }
0xa: {  	[smem:$0x3FA1] =	sst s2  }
0xb: {  	[smem:$0x3FA2] =	sst s3  }
0xc: {  	[smem:$0x3FA3] =	sst s4  }
0xd: {  	[smem:$0x3FA4] =	sst s5  }
0xe: {  	[smem:$0x3FA5] =	sst s6  }
0xf: {  	[smem:$0x3FA6] =	sst s7  }
0x10: {  	[smem:$0x3FA7] =	sst s8  }
0x11: {  	[smem:$0x3FA8] =	sst s9;
	s0 =	simm.s32 @!p0 $0x0  }
0x12: {  	s1 =	sld [smem:$0x3F8E];
	s0 =	simm.s32 @p0 $0x1  }
0x13: {  	[smem:$0x3FA9] =	sst s0;
	s0 =	simm.s32 @!p1 $0x0  }
0x14: {  	s2 =	sld [smem:$0x3F8D];
	s0 =	simm.s32 @p1 $0x1  }
0x15: {  	[smem:$0x3FAA] =	sst s0;
	s0 =	simm.s32 @!p2 $0x0  }
0x16: {  	s3 =	sld [smem:$0x3FDB];
	s0 =	simm.s32 @p2 $0x1  }
0x17: {  	s4 =	simm.s32 $0x1BF5;
	[smem:$0x3FAC] =	sst s0  }
0x18: {  	s0 =	sld [smem:$0x3F8F];
	_ =	swait.ge [sflag:s4], $0x0  }
0x19: {  	s7 =	sld [smem:$0x3F90]  }
0x1a: {  	s8 =	sadd.s32 $0xFFFFE003, lr  }
0x1b: {  	s9 =	sadd.s32 $0xFFFFFEF7, lr;
	s5 =	simm.s32 $0xFFFFFFFF;
	p2 =	slt.u32 s8, $0xFFFFF086  }
0x1c: {  	p1 =	slt.u32 s9, $0xF7A;
	s5 =	simm.s32 @!p2 $0x0  }
0x1d: {  	s5 =	simm.s32 @p1 $0x1;
	p0 =	seq.s32 s7, s2  }
0x1e: {  	s7 =	smul.u32 @!p0 $0xF7A, s2;
	p2 =	seq.s32 @!p0 s5, $0x0  }
0x1f: {  	s9 =	smul.u32 $0xF7A, s1;
	s8 =	simm.s32 @!p0 $0x1BF5;
	p2 =	por !p2, p0  }
0x20: {  	[sflag:s8] =	ssyncset.s32 @!p0 $0xFFFFF086;
	s6 =	sadd.s32 @!p0 s3, s7;
	s7 =	simm.s32 @!p0 $0x108  }
0x21: {  	s3 =	sadd.s32 s3, s9;
	s6 =	sadd.s32 @!p0 $0x88, s6;
	s7 =	simm.s32 @p2 $0x1082  }
0x22: {  	[simem:s7], [sflag:s8] =	dma.local @!p0 [hbm:s6], $0xF7A  }
0x23: {  	s9 =	sor.u32 $0xD0000000, s2;
	s6 =	simm.s32 $0x108;
	_ =	swait.ge @!p0 [sflag:s8], $0x0  }
0x24: {  	s3 =	sadd.s32 $0x88, s3;
	s6 =	simm.s32 @!p1 $0x1082;
	[sflag:s4] =	ssyncset.s32 $0xFFFFF086  }
0x25: {  	[simem:s6], [sflag:s4] =	dma.local [hbm:s3], $0xF7A  }
0x26: {  	[smem:$0x3F90] =	sst s1;
	(tag) =	ssettag s2;
	_ =	strace s9  }
0x27: {  	s1 =	sld [smem:$0x3FA0]  }
0x28: {  	s2 =	sld [smem:$0x3FA1]  }
0x29: {  	s4 =	sld [smem:$0x3FA3]  }
0x2a: {  	p0 =	seq.s32 s5, $0x0;
	s5 =	sld [smem:$0x3FA4]  }
0x2b: {  	s6 =	sld [smem:$0x3FA5]  }
0x2c: {  	s7 =	sld [smem:$0x3FA6]  }
0x2d: {  	s3 =	simm.s32 $0x108;
	s8 =	sld [smem:$0x3FA7]  }
0x2e: {  	s3 =	simm.s32 @!p0 $0x1082;
	s9 =	sld [smem:$0x3FA8]  }
0x2f: {  	lr =	sadd.s32 s0, s3;
	s0 =	sld [smem:$0x3F9F]  }
0x30: {  	s3 =	sld [smem:$0x3FA2]  }
0x31: {  	[smem:$0x3FAB] =	sst s10  }
0x32: {  	s10 =	sld [smem:$0x3FA9];
	_ =	sdelay $0x3  }
0x33: {  	p0 =	seq.s32 s10, $0x1;
	s10 =	sld [smem:$0x3FAB];
	_ =	sdelay $0x3  }
0x34: {  	[smem:$0x3FAB] =	sst s10  }
0x35: {  	s10 =	sld [smem:$0x3FAA];
	_ =	sdelay $0x3  }
0x36: {  	p1 =	seq.s32 s10, $0x1;
	s10 =	sld [smem:$0x3FAB];
	_ =	sdelay $0x3  }
0x37: {  	[smem:$0x3FAB] =	sst s10  }
0x38: {  	s10 =	sld [smem:$0x3FAC]  }
0x39: {  	_ = 	snop;
	(pc) =	sbr.ind lr, $3  }
0x3a: {  	_ = 	snop  }
0x3b: {  	_ = 	snop  }
0x3c: {  	p2 =	seq.s32 s10, $0x1;
	s10 =	sld [smem:$0x3FAB]  }
0x3d: {  	_ =	shalt  }
0x3e: {  	_ =	shalt  }
0x3f: {  	_ =	shalt  }
0x40: {  	_ =	shalt  }
0x41: {  	_ =	shalt  }
0x42: {  	_ =	shalt  }
0x43: {  	_ =	shalt  }
0x44: {  	_ =	shalt  }
0x45: {  	_ =	shalt  }
0x46: {  	_ =	shalt  }
0x47: {  	_ =	shalt  }
0x48: {  	_ =	shalt  }
0x49: {  	_ =	shalt  }
0x4a: {  	_ =	shalt  }
0x4b: {  	_ =	shalt  }
0x4c: {  	_ =	shalt  }
0x4d: {  	_ =	shalt  }
0x4e: {  	_ =	shalt  }
0x4f: {  	_ =	shalt  }
0x50: {  	_ =	shalt  }
0x51: {  	_ =	shalt  }
0x52: {  	_ =	shalt  }
0x53: {  	_ =	shalt  }
0x54: {  	_ =	shalt  }
0x55: {  	_ =	shalt  }
0x56: {  	_ =	shalt  }
0x57: {  	_ =	shalt  }
0x58: {  	_ =	shalt  }
0x59: {  	_ =	shalt  }
0x5a: {  	_ =	shalt  }
0x5b: {  	_ =	shalt  }
0x5c: {  	_ =	shalt  }
0x5d: {  	_ =	shalt  }
0x5e: {  	_ =	shalt  }
0x5f: {  	_ =	shalt  }
0x60: {  	_ =	shalt  }
0x61: {  	_ =	shalt  }
0x62: {  	_ =	shalt  }
0x63: {  	_ =	shalt  }
0x64: {  	_ =	shalt  }
0x65: {  	_ =	shalt  }
0x66: {  	_ =	shalt  }
0x67: {  	_ =	shalt  }
0x68: {  	_ =	shalt  }
0x69: {  	_ =	shalt  }
0x6a: {  	_ =	shalt  }
0x6b: {  	_ =	shalt  }
0x6c: {  	_ =	shalt  }
0x6d: {  	_ =	shalt  }
0x6e: {  	_ =	shalt  }
0x6f: {  	_ =	shalt  }
0x70: {  	_ =	shalt  }
0x71: {  	_ =	shalt  }
0x72: {  	_ =	shalt  }
0x73: {  	_ =	shalt  }
0x74: {  	_ =	shalt  }
0x75: {  	_ =	shalt  }
0x76: {  	_ =	shalt  }
0x77: {  	_ =	shalt  }
0x78: {  	_ =	shalt  }
0x79: {  	_ =	shalt  }
0x7a: {  	_ =	shalt  }
0x7b: {  	_ =	shalt  }
0x7c: {  	_ =	shalt  }
0x7d: {  	_ =	shalt  }
0x7e: {  	_ =	shalt  }
0x7f: {  	_ =	shalt  }
0x80: {  	_ =	shalt  }
0x81: {  	_ =	shalt  }
0x82: {  	_ =	shalt  }
0x83: {  	_ =	shalt  }
0x84: {  	_ =	shalt  }
0x85: {  	_ =	shalt  }
0x86: {  	_ =	shalt  }
0x87: {  	_ =	shalt  }
.Lfunc_end0:
.L_simem_size_0:
called_computation.1_lowered:
.L_overlay_start_0:
0x88: {  	s2 =	sld [smem:$0x3FD9]  }
0x89: {  	s3 =	sld [smem:$0x3FFE];
	_ =	sdelay $0x1  }
0x8a: {  	s1 =	srdreg.scid  }
0x8b: {  	s0 =	sand.u32 $0x1, s1  }
0x8c: {  	s17 =	sshll.u32 s0, $0xA;
	s2 =	sadd.s32 s3, s2  }
0x8d: {  	s2 =	sadd.s32 s2, s17  }
0x8e: {  	[smem:$0x3FB7] =	sst s2  }
0x8f: {  	_ = 	snop  }
0x90: {  	s2 =	sld [smem:$0x3FD0];
	(tm) =	ssettm $0x1  }
0x91: {  	s18 =	sld [smem:$0x3FFB];
	_ =	sdelay $0x3  }
0x92: {  	_ =	strace s18  }
0x93: {  	s3 =	sld [smem:$0x3FFC];
	_ =	sdelay $0x3  }
0x94: {  	_ =	strace s3  }
0x95: {  	s3 =	sld [smem:$0x3FFD];
	_ =	sdelay $0x3  }
0x96: {  	_ =	strace s3  }
0x97: {  	_ =	strace $0x8FFFFFFF  }
0x98: {  	s19 =	sld [smem:$0x3FDB];
	_ =	sdelay $0x1  }
0x99: {  	s4 =	simm.s32 $_scs_section_size  }
0x9a: {  	s5 =	simm.s32 $_size__tile_overlayer_lowered;
	s6 =	simm.s32 $_tile_overlayer_lowered  }
0x9b: {  	s22 =	simm.s32 $0x1BFF;
	s21 =	sshll.u32 s6, $0x1;
	s3 =	sadd.s32 s4, s19  }
0x9c: {  	s7 =	simm.s32 $0x0;
	s20 =	sshll.u32 s5, $0x1;
	s5 =	sadd.s32 s21, s3  }
0x9d: {  	[timem:s7], [sflag:s22] =	dma.local [hbm:s5], s20  }
0x9e: {  	_ =	swait.ge [sflag:s22], s20  }
0x9f: {  	s4 =	ssub.s32 $0x0, s20;
	[sflag:s22] =	ssyncset.done $0x0  }
0xa0: {  	[sflag:s22] =	ssyncadd.s32 s4;
	_ =	sdelay $0x1  }
0xa1: {  	s23 =	simm.s32 $0x1B8B  }
0xa2: {  	_ =	swait.ge [sflag:s23], $0x1  }
0xa3: {  	[sflag:s23] =	ssyncset.done $0x0  }
0xa4: {  	s25 =	simm.s32 $0x1B8E;
	s24 =	sld [smem:$0x3FFE];
	[sflag:s23] =	ssyncadd.s32 $0xFFFFFFFF  }
0xa5: {  	s26 =	simm.s32 $execute0_lowered;
	[smem:$0x3FD2] =	sst s25  }
0xa6: {  	s5 =	sshll.u32 s26, $0x1;
	_ =	strace $0x80000049;
	[dreg:$0x1] =	wrdreg $0xFFFFFFFF  }
0xa7: {  	s28 =	simm.s32 $_size_execute0_lowered;
	s3 =	sadd.s32 s3, s5;
	[dreg:$0x0] =	wrdreg $0x0  }
0xa8: {  	s5 =	sshll.u32 s28, $0x1;
	[dreg:$0x2] =	wrdreg s3  }
0xa9: {  	[dreg:$0x3] =	wrdreg s5  }
0xaa: {  	[dreg:$0x4] =	wrdreg $0xC0  }
0xab: {  	_ =	task [dreg:s7], $0x5FFFF  }
0xac: {  	[dreg:$0x1] =	wrdreg $0xFFFFFFFF  }
0xad: {  	[dreg:$0x0] =	wrdreg $0x60  }
0xae: {  	[dreg:$0x2] =	wrdreg s24  }
0xaf: {  	[dreg:$0x3] =	wrdreg s2  }
0xb0: {  	[dreg:$0x4] =	wrdreg $0x63000  }
0xb1: {  	[dreg:$0x5] =	wrdreg $0x9  }
0xb2: {  	_ =	task.clear_ibuf [dreg:s7], $0x6FFFF;
	_ =	strace $0x90000049  }
0xb3: {  	s29 =	simm.s32 $0x9;
	_ =	strace $0x8000004B  }
0xb4: {  	_ =	swait.ge [sflag:s29], $0x1  }
0xb5: {  	[sflag:s29] =	ssyncadd.s32 $0xFFFFFFFF  }
0xb6: {  	_ =	strace $0x9000004B  }
0xb7: {  	_ =	sfence  }
0xb8: {  	s30 =	sld [smem:$0x0];
	_ =	sdelay $0x2  }
0xb9: {  	s31 =	sshll.u32 s1, $0xD;
	s1 =	sshrl.u32 s1, $0x2  }
0xba: {  	s3 =	sand.u32 $0x4000, s31;
	s1 =	sadd.s32 s1, s30  }
0xbb: {  	s0 =	sor.u32 s3, s0;
	s1 =	sshll.u32 s1, $0x11  }
0xbc: {  	s0 =	sor.u32 s1, s0  }
0xbd: {  	s0 =	sadd.s32 $0x8F2B, s0  }
0xbe: {  	[sflag:s0] =	ssyncadd.remote.s32 $0x1  }
0xbf: {  	_ =	sfence.sel $0xFFFF  }
0xc0: {  	[dreg:$0x0] =	wrdreg $0xFFFFFFFF;
	(pc) =	sbr.abs _section_cstart, $3  }
0xc1: {  	[dreg:$0x1] =	wrdreg $0xFFFFFFFF  }
0xc2: {  	_ =	task.clear_ibuf [dreg:s7], $0x2FFFF;
	_ =	strace $0x9FFFFFFF  }
0xc3: {  	(tm) =	ssettm $0x7FFFFFFF  }
tec
execute0_lowered:
.L_overlay_start_1:
0x0: {  	(tag) =	ssettag $0x1  }
0x1: {  	s0 =	rddreg [dreg:$0x0]  }
0x2: {  	s1 =	rddreg [dreg:$0x1]  }
0x3: {  	s2 =	rddreg [dreg:$0x2];
	s3 =	simm.s32 $0x0  }
0x4: {  	s4 =	srdreg.scid;
	s13 =	stileid.u32;
	s28 =	simm.s32 $0x280  }
0x5: {  	s29 =	simm.s32 $0x4;
	s30 =	simm.s32 $0x3;
	s31 =	simm.s32 $0x5  }
0x6: {  	[smem:$0x7FF] =	sst s3;
	s4 =	sand.u32 $0x1, s4;
	s8 =	smul.u32 $0x14000, s13  }
0x7: {  	s5 =	sadd.s32 $0x3800, s0;
	s6 =	sadd.s32 $0x2B800, s0;
	s10 =	smul.u32 $0x50000, s13  }
0x8: {  	s11 =	sadd.s32 $0x35A00, s0;
	s12 =	smul.u32 $0x2880, s13;
	s22 =	sshll.u32 s13, $0x6  }
0x9: {  	_ =	strace $0x8000004A;
	s7 =	smul.u32 $0x140000, s4;
	s9 =	sshll.u32 s4, $0x4  }
0xa: {  	[dreg:$0xe] =	wrdreg s11;
	s19 =	ssub.s32 $0x2, s4;
	s4 =	smul.u32 $0x28800, s4  }
0xb: {  	s9 =	sor.u32 s13, s9;
	s20 =	sshrl.u32 s19, $0x1;
	s10 =	sshrl.u32 s10, $0x2  }
0xc: {  	s7 =	sadd.s32 s8, s7;
	s18 =	smul.u32 $0x2880, s9;
	s21 =	sadd.s32 s10, s2  }
0xd: {  	s4 =	sadd.s32 s12, s4;
	s9 =	sor.u32 $0x1C06, s22;
	s7 =	sshrl.u32 s7, $0x3  }
0xe: {  	[dreg:$0xf] =	wrdreg s21;
	s24 =	sadd.s32 $0x2A0, s4;
	s8 =	sshrl.u32 s18, $0x3  }
0xf: {  	s14 =	sadd.s32 $0x1E0, s4;
	s15 =	sadd.s32 $0x180, s4;
	s23 =	sadd.s32 s1, s8  }
0x10: {  	s10 =	sshrl.u32 s24, $0x3;
	s25 =	sadd.s32 s6, s8;
	[dreg:$0x10] =	wrdreg s23  }
0x11: {  	s0 =	sadd.s32 s7, s0;
	s11 =	sadd.s32 s10, s6;
	[dreg:$0x11] =	wrdreg s25  }
0x12: {  	s12 =	sshrl.u32 s14, $0x3;
	s10 =	sadd.s32 s10, s1;
	[dreg:$0x4] =	wrdreg s11  }
0x13: {  	s7 =	ssub.s32 s19, s20;
	s14 =	sadd.s32 s12, s6;
	[dreg:$0x5] =	wrdreg s10  }
0x14: {  	s17 =	sshrl.u32 s15, $0x3;
	s16 =	sadd.s32 s12, s1;
	[dreg:$0x6] =	wrdreg s14  }
0x15: {  	s19 =	sadd.s32 $0x120, s4;
	s18 =	sadd.s32 s17, s6;
	[dreg:$0x7] =	wrdreg s16  }
0x16: {  	s8 =	sor.u32 $0xC, s8;
	s20 =	sadd.s32 s17, s1;
	[dreg:$0x8] =	wrdreg s18  }
0x17: {  	s21 =	sshrl.u32 s19, $0x3;
	s0 =	sadd.s32 $0x38200, s0;
	[dreg:$0x9] =	wrdreg s20  }
0x18: {  	s7 =	smax.u32 s7, $0x1;
	s17 =	simm.s32 $0x6;
	[dreg:$0x14] =	wrdreg s0  }
0x19: {  	s19 =	simm.s32 $0x80;
	s26 =	sadd.s32 s1, s8;
	[dreg:$0x15] =	wrdreg s7  }
0x1a: {  	s22 =	sadd.s32 s21, s6;
	s23 =	sadd.s32 $0xC0, s4;
	[dreg:$0x12] =	wrdreg s26  }
0x1b: {  	s24 =	sadd.s32 s21, s1;
	s8 =	sadd.s32 s6, s8;
	[dreg:$0xa] =	wrdreg s22  }
0x1c: {  	s4 =	sadd.s32 $0x240, s4;
	s18 =	simm.s32 $0x180;
	[dreg:$0x13] =	wrdreg s8  }
0x1d: {  	s20 =	simm.s32 $0x200;
	s21 =	simm.s32 $0x1;
	[dreg:$0xb] =	wrdreg s24  }
0x1e: {  	s0 =	simm.s32 $0x0;
	s15 =	sshrl.u32 s23, $0x3;
	[dreg:$0x16] =	wrdreg s4  }
0x1f: {  	s22 =	simm.s32 $0x60;
	s23 =	simm.s32 $0x300;
	s25 =	sadd.s32 s15, s6  }
0x20: {  	s24 =	simm.s32 $0x2;
	s26 =	sadd.s32 s15, s1;
	[dreg:$0xc] =	wrdreg s25  }
0x21: {  	[dreg:$0xd] =	wrdreg s26;
	s25 =	simm.s32 $0x3300;
	s26 =	simm.s32 $0x100  }
.LBB2_1:
0x22: {  	s4 =	rddreg [dreg:$0xf]  }
0x23: {  	s7 =	rddreg [dreg:$0xe];
	s4 =	sshrl.u32 s4, $0x3  }
0x24: {  	[spmem:s4], [sflag:s9] =	dma.local [hbm:s7], $0x2800  }
0x25: {  	_ =	swait.ge [sflag:s17], $0x2800  }
0x26: {  	[sflag:s17] =	ssyncset.done $0x0  }
0x27: {  	[sflag:s17] =	ssyncadd.s32 $0xFFFFD800  }
0x28: {  	[bflag:$0x0] =	sbarrier.arrive $0xFFFF  }
0x29: {  	s10 =	rddreg [dreg:$0x10]  }
0x2a: {  	[tilespmem:s3], [sflag:$0x1] =	stream.linear.gather [hbm4b:s10+s3], $0x60, $0x38;
	[tilespmem:$0x1A300] =	vst v63  }
0x2b: {  	s11 =	rddreg [dreg:$0x11]  }
0x2c: {  	[tilespmem:s18], [sflag:$0x1] =	stream.linear.gather [hbm4b:s11+s3], $0x60, $0x38;
	[tilespmem:$0x1A300] =	vst v63  }
0x2d: {  	s12 =	rddreg [dreg:$0x12]  }
0x2e: {  	[tilespmem:s19], [sflag:$0x2] =	stream.linear.gather [hbm4b:s12+s3], $0x60, $0x38;
	[tilespmem:$0x1A300] =	vst v63  }
0x2f: {  	s13 =	rddreg [dreg:$0x13]  }
0x30: {  	[tilespmem:s20], [sflag:$0x2] =	stream.linear.gather [hbm4b:s13+s3], $0x60, $0x38;
	[tilespmem:$0x1A300] =	vst v63  }
0x31: {  	_ =	swait.ge [sflag:s21], $0x60  }
0x32: {  	[sflag:s21] =	ssyncset.done $0x0  }
0x33: {  	[sflag:s21] =	ssyncadd.s32 $0xFFFFFFA0  }
0x34: {  	_ =	swait.ge [sflag:s21], $0x60  }
0x35: {  	[sflag:s21] =	ssyncset.done $0x0  }
0x36: {  	[sflag:s21] =	ssyncadd.s32 $0xFFFFFFA0  }
0x37: {  	[tilespmem:s23], [sflag:$0x4] =	stream.indirect.gather [hbm4b:s5+s22], $0x80, s3, s22, $0xb8;
	[tilespmem:$0x1A300] =	vst v63  }
0x38: {  	_ =	swait.ge [sflag:s24], $0x60  }
0x39: {  	[sflag:s24] =	ssyncset.done $0x0  }
0x3a: {  	[sflag:s24] =	ssyncadd.s32 $0xFFFFFFA0  }
0x3b: {  	_ =	swait.ge [sflag:s24], $0x60  }
0x3c: {  	[sflag:s24] =	ssyncset.done $0x0  }
0x3d: {  	s14 =	rddreg [dreg:$0xd];
	[sflag:s24] =	ssyncadd.s32 $0xFFFFFFA0  }
0x3e: {  	[tilespmem:s25], [sflag:$0x5] =	stream.indirect.gather [hbm4b:s5+s22], $0x80, s19, s22, $0xb8;
	[tilespmem:$0x1A300] =	vst v63  }
0x3f: {  	s10 =	rddreg [dreg:$0xc];
	s7 =	sadd.s32 $0x0, s14  }
0x40: {  	[tilespmem:s26], [sflag:$0x3] =	stream.linear.gather [hbm4b:s7+s3], $0x60, $0x38;
	[tilespmem:$0x1A300] =	vst v63  }
0x41: {  	s15 =	sadd.s32 $0x0, s10  }
0x42: {  	[tilespmem:s28], [sflag:$0x3] =	stream.linear.gather [hbm4b:s15+s3], $0x60, $0x38;
	[tilespmem:$0x1A300] =	vst v63  }
0x43: {  	_ =	swait.ge [sflag:s29], $0x3000  }
0x44: {  	[sflag:s29] =	ssyncset.done $0x0  }
0x45: {  	[sflag:s29] =	ssyncadd.s32 $0xFFFFD000  }
0x46: {  	[spmem:s2] =	stream.indirect.scatter.add.f32 [tilespmem:s23], [sflag:$0x6], $0x80, s18, s22, $0xb8;
	[tilespmem:$0x1A300] =	vst v63  }
0x47: {  	_ =	swait.ge [sflag:s17], $0x3000  }
0x48: {  	[sflag:s17] =	ssyncset.done $0x0  }
0x49: {  	[sflag:s17] =	ssyncadd.s32 $0xFFFFD000  }
0x4a: {  	_ =	swait.ge [sflag:s30], $0x60  }
0x4b: {  	[sflag:s30] =	ssyncset.done $0x0  }
0x4c: {  	[sflag:s30] =	ssyncadd.s32 $0xFFFFFFA0  }
0x4d: {  	_ =	swait.ge [sflag:s30], $0x60  }
0x4e: {  	[sflag:s30] =	ssyncset.done $0x0  }
0x4f: {  	s16 =	rddreg [dreg:$0xb];
	[sflag:s30] =	ssyncadd.s32 $0xFFFFFFA0  }
0x50: {  	[tilespmem:s23], [sflag:$0x4] =	stream.indirect.gather [hbm4b:s5+s22], $0x80, s26, s22, $0xb8;
	[tilespmem:$0x1A300] =	vst v63  }
0x51: {  	s8 =	smov.u32 s9;
	s9 =	rddreg [dreg:$0xa];
	s7 =	sadd.s32 $0x0, s16  }
0x52: {  	[tilespmem:s3], [sflag:$0x1] =	stream.linear.gather [hbm4b:s7+s3], $0x60, $0x38;
	[tilespmem:$0x1A300] =	vst v63  }
0x53: {  	s10 =	sadd.s32 $0x0, s9  }
0x54: {  	[tilespmem:s18], [sflag:$0x1] =	stream.linear.gather [hbm4b:s10+s3], $0x60, $0x38;
	[tilespmem:$0x1A300] =	vst v63  }
0x55: {  	_ =	swait.ge [sflag:s31], $0x3000  }
0x56: {  	[sflag:s31] =	ssyncset.done $0x0  }
0x57: {  	[sflag:s31] =	ssyncadd.s32 $0xFFFFD000  }
0x58: {  	[spmem:s2] =	stream.indirect.scatter.add.f32 [tilespmem:s25], [sflag:$0x6], $0x80, s20, s22, $0xb8;
	[tilespmem:$0x1A300] =	vst v63  }
0x59: {  	_ =	swait.ge [sflag:s17], $0x3000  }
0x5a: {  	[sflag:s17] =	ssyncset.done $0x0  }
0x5b: {  	[sflag:s17] =	ssyncadd.s32 $0xFFFFD000  }
0x5c: {  	_ =	swait.ge [sflag:s21], $0x60  }
0x5d: {  	[sflag:s21] =	ssyncset.done $0x0  }
0x5e: {  	[sflag:s21] =	ssyncadd.s32 $0xFFFFFFA0  }
0x5f: {  	_ =	swait.ge [sflag:s21], $0x60  }
0x60: {  	[sflag:s21] =	ssyncset.done $0x0  }
0x61: {  	s11 =	rddreg [dreg:$0x9];
	[sflag:s21] =	ssyncadd.s32 $0xFFFFFFA0  }
0x62: {  	[tilespmem:s25], [sflag:$0x5] =	stream.indirect.gather [hbm4b:s5+s22], $0x80, s3, s22, $0xb8;
	[tilespmem:$0x1A300] =	vst v63  }
0x63: {  	s12 =	rddreg [dreg:$0x8];
	s7 =	sadd.s32 $0x0, s11  }
0x64: {  	[tilespmem:s19], [sflag:$0x2] =	stream.linear.gather [hbm4b:s7+s3], $0x60, $0x38;
	[tilespmem:$0x1A300] =	vst v63  }
0x65: {  	s13 =	sadd.s32 $0x0, s12  }
0x66: {  	[tilespmem:s20], [sflag:$0x2] =	stream.linear.gather [hbm4b:s13+s3], $0x60, $0x38;
	[tilespmem:$0x1A300] =	vst v63  }
0x67: {  	_ =	swait.ge [sflag:s29], $0x3000  }
0x68: {  	[sflag:s29] =	ssyncset.done $0x0  }
0x69: {  	[sflag:s29] =	ssyncadd.s32 $0xFFFFD000  }
0x6a: {  	[spmem:s2] =	stream.indirect.scatter.add.f32 [tilespmem:s23], [sflag:$0x6], $0x80, s28, s22, $0xb8;
	[tilespmem:$0x1A300] =	vst v63  }
0x6b: {  	_ =	swait.ge [sflag:s17], $0x3000  }
0x6c: {  	[sflag:s17] =	ssyncset.done $0x0  }
0x6d: {  	[sflag:s17] =	ssyncadd.s32 $0xFFFFD000  }
0x6e: {  	_ =	swait.ge [sflag:s24], $0x60  }
0x6f: {  	[sflag:s24] =	ssyncset.done $0x0  }
0x70: {  	[sflag:s24] =	ssyncadd.s32 $0xFFFFFFA0  }
0x71: {  	_ =	swait.ge [sflag:s24], $0x60  }
0x72: {  	[sflag:s24] =	ssyncset.done $0x0  }
0x73: {  	s14 =	rddreg [dreg:$0x7];
	[sflag:s24] =	ssyncadd.s32 $0xFFFFFFA0  }
0x74: {  	[tilespmem:s23], [sflag:$0x4] =	stream.indirect.gather [hbm4b:s5+s22], $0x80, s19, s22, $0xb8;
	[tilespmem:$0x1A300] =	vst v63  }
0x75: {  	s15 =	rddreg [dreg:$0x6];
	s7 =	sadd.s32 $0x0, s14  }
0x76: {  	[tilespmem:s26], [sflag:$0x3] =	stream.linear.gather [hbm4b:s7+s3], $0x60, $0x38;
	[tilespmem:$0x1A300] =	vst v63  }
0x77: {  	s16 =	sadd.s32 $0x0, s15  }
0x78: {  	[tilespmem:s28], [sflag:$0x3] =	stream.linear.gather [hbm4b:s16+s3], $0x60, $0x38;
	[tilespmem:$0x1A300] =	vst v63  }
0x79: {  	_ =	swait.ge [sflag:s31], $0x3000  }
0x7a: {  	[sflag:s31] =	ssyncset.done $0x0  }
0x7b: {  	[sflag:s31] =	ssyncadd.s32 $0xFFFFD000  }
0x7c: {  	[spmem:s2] =	stream.indirect.scatter.add.f32 [tilespmem:s25], [sflag:$0x6], $0x80, s18, s22, $0xb8;
	[tilespmem:$0x1A300] =	vst v63  }
0x7d: {  	_ =	swait.ge [sflag:s17], $0x3000  }
0x7e: {  	[sflag:s17] =	ssyncset.done $0x0  }
0x7f: {  	[sflag:s17] =	ssyncadd.s32 $0xFFFFD000  }
0x80: {  	_ =	swait.ge [sflag:s30], $0x60  }
0x81: {  	[sflag:s30] =	ssyncset.done $0x0  }
0x82: {  	[sflag:s30] =	ssyncadd.s32 $0xFFFFFFA0  }
0x83: {  	_ =	swait.ge [sflag:s30], $0x60  }
0x84: {  	p0 =	por $0x1, $0x1;
	[sflag:s30] =	ssyncset.done $0x0;
	s9 =	rddreg [dreg:$0x16]  }
0x85: {  	[sflag:s30] =	ssyncadd.s32 $0xFFFFFFA0;
	s7 =	sshrl.u32 @p0 s9, $0x3  }
0x86: {  	[tilespmem:s25], [sflag:$0x5] =	stream.indirect.gather [hbm4b:s5+s22], $0x80, s26, s22, $0xb8;
	[tilespmem:$0x1A300] =	vst v63  }
0x87: {  	s10 =	simm.s32 @p0 $0x0;
	s16 =	sadd.s32 @p0 s1, s7  }
0x88: {  	[tilespmem:s10], [sflag:$0x1] =	stream.linear.gather @p0 [hbm4b:s16+s10], $0x60, $0x38;
	[tilespmem:$0x1A300] =	vst v63  }
0x89: {  	s11 =	simm.s32 @p0 $0x4;
	s7 =	sadd.s32 @p0 s6, s7;
	s16 =	simm.s32 @p0 $0x180  }
0x8a: {  	[tilespmem:s16], [sflag:$0x1] =	stream.linear.gather @p0 [hbm4b:s7+s10], $0x60, $0x38;
	[tilespmem:$0x1A300] =	vst v63  }
0x8b: {  	_ =	swait.ge @p0 [sflag:s11], $0x3000  }
0x8c: {  	s12 =	simm.s32 @p0 $0x200;
	s7 =	simm.s32 @p0 $0x300;
	[sflag:s11] =	ssyncset.done @p0 $0x0  }
0x8d: {  	s16 =	simm.s32 @p0 $0x60;
	[sflag:s11] =	ssyncadd.s32 @p0 $0xFFFFD000;
	s11 =	simm.s32 @p0 $0x6  }
0x8e: {  	[spmem:s2] =	stream.indirect.scatter.add.f32 @p0 [tilespmem:s7], [sflag:$0x6], $0x80, s12, s16, $0xb8;
	[tilespmem:$0x1A300] =	vst v63  }
0x8f: {  	_ =	swait.ge @p0 [sflag:s11], $0x3000  }
0x90: {  	[sflag:s11] =	ssyncset.done @p0 $0x0  }
0x91: {  	[sflag:s11] =	ssyncadd.s32 @p0 $0xFFFFD000;
	s11 =	simm.s32 @p0 $0x1  }
0x92: {  	_ =	swait.ge @p0 [sflag:s11], $0x60  }
0x93: {  	[sflag:s11] =	ssyncset.done @p0 $0x0  }
0x94: {  	[sflag:s11] =	ssyncadd.s32 @p0 $0xFFFFFFA0  }
0x95: {  	_ =	swait.ge @p0 [sflag:s11], $0x60  }
0x96: {  	[sflag:s11] =	ssyncset.done @p0 $0x0  }
0x97: {  	[sflag:s11] =	ssyncadd.s32 @p0 $0xFFFFFFA0;
	s11 =	rddreg [dreg:$0x5]  }
0x98: {  	[tilespmem:s7], [sflag:$0x4] =	stream.indirect.gather @p0 [hbm4b:s5+s16], $0x80, s10, s16, $0xb8;
	[tilespmem:$0x1A300] =	vst v63  }
0x99: {  	s7 =	rddreg [dreg:$0x4];
	s11 =	sadd.s32 @p0 $0x0, s11;
	s16 =	simm.s32 @p0 $0x80  }
0x9a: {  	[tilespmem:s16], [sflag:$0x2] =	stream.linear.gather @p0 [hbm4b:s11+s10], $0x60, $0x38;
	[tilespmem:$0x1A300] =	vst v63  }
0x9b: {  	s7 =	sadd.s32 @p0 $0x0, s7  }
0x9c: {  	[tilespmem:s12], [sflag:$0x2] =	stream.linear.gather @p0 [hbm4b:s7+s10], $0x60, $0x38;
	[tilespmem:$0x1A300] =	vst v63  }
0x9d: {  	s7 =	simm.s32 @!p0 $0x4  }
0x9e: {  	_ =	swait.ge @!p0 [sflag:s7], $0x3000  }
0x9f: {  	s11 =	simm.s32 @!p0 $0x60;
	[sflag:s7] =	ssyncset.done @!p0 $0x0  }
0xa0: {  	s10 =	simm.s32 @!p0 $0x300;
	[sflag:s7] =	ssyncadd.s32 @!p0 $0xFFFFD000;
	s7 =	simm.s32 @!p0 $0x200  }
0xa1: {  	[spmem:s2] =	stream.indirect.scatter.add.f32 @!p0 [tilespmem:s10], [sflag:$0x6], $0x80, s7, s11, $0xb8;
	[tilespmem:$0x1A300] =	vst v63  }
0xa2: {  	s7 =	simm.s32 @!p0 $0x6  }
0xa3: {  	_ =	swait.ge @!p0 [sflag:s7], $0x3000  }
0xa4: {  	[sflag:s7] =	ssyncset.done @!p0 $0x0  }
0xa5: {  	[sflag:s7] =	ssyncadd.s32 @!p0 $0xFFFFD000  }
0xa6: {  	_ =	swait.ge [sflag:s31], $0x3000  }
0xa7: {  	[sflag:s31] =	ssyncset.done $0x0  }
0xa8: {  	[sflag:s31] =	ssyncadd.s32 $0xFFFFD000  }
0xa9: {  	[spmem:s2] =	stream.indirect.scatter.add.f32 [tilespmem:s25], [sflag:$0x6], $0x80, s28, s22, $0xb8;
	[tilespmem:$0x1A300] =	vst v63  }
0xaa: {  	s16 =	smov.u32 s9;
	s7 =	simm.s32 $0x48;
	_ =	swait.ge [sflag:s17], $0x3000  }
.LBB2_2:
0xab: {  	[sflag:s17] =	ssyncset.done $0x0  }
0xac: {  	[sflag:s17] =	ssyncadd.s32 $0xFFFFD000  }
0xad: {  	_ =	swait.ge [sflag:s24], $0x60  }
0xae: {  	[sflag:s24] =	ssyncset.done $0x0  }
0xaf: {  	[sflag:s24] =	ssyncadd.s32 $0xFFFFFFA0  }
0xb0: {  	_ =	swait.ge [sflag:s24], $0x60  }
0xb1: {  	[sflag:s24] =	ssyncset.done $0x0  }
0xb2: {  	s10 =	smov.u32 s7;
	s11 =	rddreg [dreg:$0xd];
	[sflag:s24] =	ssyncadd.s32 $0xFFFFFFA0  }
0xb3: {  	[tilespmem:s25], [sflag:$0x5] =	stream.indirect.gather [hbm4b:s5+s22], $0x80, s19, s22, $0xb8;
	[tilespmem:$0x1A300] =	vst v63  }
0xb4: {  	s12 =	rddreg [dreg:$0xc];
	s11 =	sadd.s32 s10, s11  }
0xb5: {  	[tilespmem:s26], [sflag:$0x3] =	stream.linear.gather [hbm4b:s11+s3], $0x60, $0x38;
	[tilespmem:$0x1A300] =	vst v63  }
0xb6: {  	s9 =	sadd.s32 s10, s12  }
0xb7: {  	[tilespmem:s28], [sflag:$0x3] =	stream.linear.gather [hbm4b:s9+s3], $0x60, $0x38;
	[tilespmem:$0x1A300] =	vst v63  }
0xb8: {  	_ =	swait.ge [sflag:s29], $0x3000  }
0xb9: {  	[sflag:s29] =	ssyncset.done $0x0  }
0xba: {  	[sflag:s29] =	ssyncadd.s32 $0xFFFFD000  }
0xbb: {  	[spmem:s2] =	stream.indirect.scatter.add.f32 [tilespmem:s23], [sflag:$0x6], $0x80, s18, s22, $0xb8;
	[tilespmem:$0x1A300] =	vst v63  }
0xbc: {  	_ =	swait.ge [sflag:s17], $0x3000  }
0xbd: {  	[sflag:s17] =	ssyncset.done $0x0  }
0xbe: {  	[sflag:s17] =	ssyncadd.s32 $0xFFFFD000  }
0xbf: {  	_ =	swait.ge [sflag:s30], $0x60  }
0xc0: {  	[sflag:s30] =	ssyncset.done $0x0  }
0xc1: {  	[sflag:s30] =	ssyncadd.s32 $0xFFFFFFA0  }
0xc2: {  	_ =	swait.ge [sflag:s30], $0x60  }
0xc3: {  	[sflag:s30] =	ssyncset.done $0x0  }
0xc4: {  	s12 =	rddreg [dreg:$0xb];
	[sflag:s30] =	ssyncadd.s32 $0xFFFFFFA0  }
0xc5: {  	[tilespmem:s23], [sflag:$0x4] =	stream.indirect.gather [hbm4b:s5+s22], $0x80, s26, s22, $0xb8;
	[tilespmem:$0x1A300] =	vst v63  }
0xc6: {  	s13 =	rddreg [dreg:$0xa];
	s11 =	sadd.s32 s10, s12  }
0xc7: {  	[tilespmem:s3], [sflag:$0x1] =	stream.linear.gather [hbm4b:s11+s3], $0x60, $0x38;
	[tilespmem:$0x1A300] =	vst v63  }
0xc8: {  	s14 =	sadd.s32 s10, s13  }
0xc9: {  	[tilespmem:s18], [sflag:$0x1] =	stream.linear.gather [hbm4b:s14+s3], $0x60, $0x38;
	[tilespmem:$0x1A300] =	vst v63  }
0xca: {  	_ =	swait.ge [sflag:s31], $0x3000  }
0xcb: {  	[sflag:s31] =	ssyncset.done $0x0  }
0xcc: {  	[sflag:s31] =	ssyncadd.s32 $0xFFFFD000  }
0xcd: {  	[spmem:s2] =	stream.indirect.scatter.add.f32 [tilespmem:s25], [sflag:$0x6], $0x80, s20, s22, $0xb8;
	[tilespmem:$0x1A300] =	vst v63  }
0xce: {  	_ =	swait.ge [sflag:s17], $0x3000  }
0xcf: {  	[sflag:s17] =	ssyncset.done $0x0  }
0xd0: {  	[sflag:s17] =	ssyncadd.s32 $0xFFFFD000  }
0xd1: {  	_ =	swait.ge [sflag:s21], $0x60  }
0xd2: {  	[sflag:s21] =	ssyncset.done $0x0  }
0xd3: {  	[sflag:s21] =	ssyncadd.s32 $0xFFFFFFA0  }
0xd4: {  	_ =	swait.ge [sflag:s21], $0x60  }
0xd5: {  	[sflag:s21] =	ssyncset.done $0x0  }
0xd6: {  	s15 =	rddreg [dreg:$0x9];
	[sflag:s21] =	ssyncadd.s32 $0xFFFFFFA0  }
0xd7: {  	[tilespmem:s25], [sflag:$0x5] =	stream.indirect.gather [hbm4b:s5+s22], $0x80, s3, s22, $0xb8;
	[tilespmem:$0x1A300] =	vst v63  }
0xd8: {  	s9 =	rddreg [dreg:$0x8];
	s11 =	sadd.s32 s10, s15  }
0xd9: {  	[tilespmem:s19], [sflag:$0x2] =	stream.linear.gather [hbm4b:s11+s3], $0x60, $0x38;
	[tilespmem:$0x1A300] =	vst v63  }
0xda: {  	s12 =	sadd.s32 s10, s9  }
0xdb: {  	[tilespmem:s20], [sflag:$0x2] =	stream.linear.gather [hbm4b:s12+s3], $0x60, $0x38;
	[tilespmem:$0x1A300] =	vst v63  }
0xdc: {  	_ =	swait.ge [sflag:s29], $0x3000  }
0xdd: {  	[sflag:s29] =	ssyncset.done $0x0  }
0xde: {  	[sflag:s29] =	ssyncadd.s32 $0xFFFFD000  }
0xdf: {  	[spmem:s2] =	stream.indirect.scatter.add.f32 [tilespmem:s23], [sflag:$0x6], $0x80, s28, s22, $0xb8;
	[tilespmem:$0x1A300] =	vst v63  }
0xe0: {  	_ =	swait.ge [sflag:s17], $0x3000  }
0xe1: {  	[sflag:s17] =	ssyncset.done $0x0  }
0xe2: {  	[sflag:s17] =	ssyncadd.s32 $0xFFFFD000  }
0xe3: {  	_ =	swait.ge [sflag:s24], $0x60  }
0xe4: {  	[sflag:s24] =	ssyncset.done $0x0  }
0xe5: {  	[sflag:s24] =	ssyncadd.s32 $0xFFFFFFA0  }
0xe6: {  	_ =	swait.ge [sflag:s24], $0x60  }
0xe7: {  	[sflag:s24] =	ssyncset.done $0x0  }
0xe8: {  	s13 =	rddreg [dreg:$0x7];
	[sflag:s24] =	ssyncadd.s32 $0xFFFFFFA0  }
0xe9: {  	[tilespmem:s23], [sflag:$0x4] =	stream.indirect.gather [hbm4b:s5+s22], $0x80, s19, s22, $0xb8;
	[tilespmem:$0x1A300] =	vst v63  }
0xea: {  	s14 =	rddreg [dreg:$0x6];
	s11 =	sadd.s32 s10, s13  }
0xeb: {  	[tilespmem:s26], [sflag:$0x3] =	stream.linear.gather [hbm4b:s11+s3], $0x60, $0x38;
	[tilespmem:$0x1A300] =	vst v63  }
0xec: {  	s15 =	sadd.s32 s10, s14  }
0xed: {  	[tilespmem:s28], [sflag:$0x3] =	stream.linear.gather [hbm4b:s15+s3], $0x60, $0x38;
	[tilespmem:$0x1A300] =	vst v63  }
0xee: {  	_ =	swait.ge [sflag:s31], $0x3000  }
0xef: {  	[sflag:s31] =	ssyncset.done $0x0  }
0xf0: {  	[sflag:s31] =	ssyncadd.s32 $0xFFFFD000  }
0xf1: {  	[spmem:s2] =	stream.indirect.scatter.add.f32 [tilespmem:s25], [sflag:$0x6], $0x80, s18, s22, $0xb8;
	[tilespmem:$0x1A300] =	vst v63  }
0xf2: {  	_ =	swait.ge [sflag:s17], $0x3000  }
0xf3: {  	[sflag:s17] =	ssyncset.done $0x0  }
0xf4: {  	[sflag:s17] =	ssyncadd.s32 $0xFFFFD000  }
0xf5: {  	_ =	swait.ge [sflag:s30], $0x60  }
0xf6: {  	[sflag:s30] =	ssyncset.done $0x0  }
0xf7: {  	[sflag:s30] =	ssyncadd.s32 $0xFFFFFFA0  }
0xf8: {  	_ =	swait.ge [sflag:s30], $0x60  }
0xf9: {  	s16 =	sadd.s32 $0x240, s16;
	p1 =	sne.s32 s10, $0x4C8;
	[sflag:s30] =	ssyncset.done $0x0  }
0xfa: {  	s11 =	sshrl.u32 @p1 s16, $0x3;
	[sflag:s30] =	ssyncadd.s32 $0xFFFFFFA0  }
0xfb: {  	[tilespmem:s25], [sflag:$0x5] =	stream.indirect.gather [hbm4b:s5+s22], $0x80, s26, s22, $0xb8;
	[tilespmem:$0x1A300] =	vst v63  }
0xfc: {  	s12 =	simm.s32 @p1 $0x0;
	s13 =	sadd.s32 @p1 s1, s11  }
0xfd: {  	[tilespmem:s12], [sflag:$0x1] =	stream.linear.gather @p1 [hbm4b:s13+s12], $0x60, $0x38;
	[tilespmem:$0x1A300] =	vst v63  }
0xfe: {  	s14 =	simm.s32 @p1 $0x180;
	s11 =	sadd.s32 @p1 s6, s11;
	s13 =	simm.s32 @p1 $0x4  }
0xff: {  	[tilespmem:s14], [sflag:$0x1] =	stream.linear.gather @p1 [hbm4b:s11+s12], $0x60, $0x38;
	[tilespmem:$0x1A300] =	vst v63  }
0x100: {  	_ =	swait.ge @p1 [sflag:s13], $0x3000  }
0x101: {  	s15 =	simm.s32 @p1 $0x200;
	s11 =	simm.s32 @p1 $0x300;
	[sflag:s13] =	ssyncset.done @p1 $0x0  }
0x102: {  	s14 =	simm.s32 @p1 $0x60;
	[sflag:s13] =	ssyncadd.s32 @p1 $0xFFFFD000;
	s13 =	simm.s32 @p1 $0x6  }
0x103: {  	[spmem:s2] =	stream.indirect.scatter.add.f32 @p1 [tilespmem:s11], [sflag:$0x6], $0x80, s15, s14, $0xb8;
	[tilespmem:$0x1A300] =	vst v63  }
0x104: {  	_ =	swait.ge @p1 [sflag:s13], $0x3000  }
0x105: {  	[sflag:s13] =	ssyncset.done @p1 $0x0  }
0x106: {  	s9 =	simm.s32 @p1 $0x1;
	[sflag:s13] =	ssyncadd.s32 @p1 $0xFFFFD000  }
0x107: {  	_ =	swait.ge @p1 [sflag:s9], $0x60  }
0x108: {  	[sflag:s9] =	ssyncset.done @p1 $0x0  }
0x109: {  	[sflag:s9] =	ssyncadd.s32 @p1 $0xFFFFFFA0  }
0x10a: {  	_ =	swait.ge @p1 [sflag:s9], $0x60  }
0x10b: {  	[sflag:s9] =	ssyncset.done @p1 $0x0  }
0x10c: {  	s13 =	rddreg [dreg:$0x5];
	[sflag:s9] =	ssyncadd.s32 @p1 $0xFFFFFFA0  }
0x10d: {  	[tilespmem:s11], [sflag:$0x4] =	stream.indirect.gather @p1 [hbm4b:s5+s14], $0x80, s12, s14, $0xb8;
	[tilespmem:$0x1A300] =	vst v63  }
0x10e: {  	s9 =	rddreg [dreg:$0x4];
	s11 =	sadd.s32 @p1 s10, s13;
	s13 =	simm.s32 @p1 $0x80  }
0x10f: {  	[tilespmem:s13], [sflag:$0x2] =	stream.linear.gather @p1 [hbm4b:s11+s12], $0x60, $0x38;
	[tilespmem:$0x1A300] =	vst v63  }
0x110: {  	s9 =	sadd.s32 @p1 s10, s9;
	s10 =	simm.s32 @!p1 $0x4  }
0x111: {  	[tilespmem:s15], [sflag:$0x2] =	stream.linear.gather @p1 [hbm4b:s9+s12], $0x60, $0x38;
	[tilespmem:$0x1A300] =	vst v63  }
0x112: {  	_ =	swait.ge @!p1 [sflag:s10], $0x3000  }
0x113: {  	s11 =	simm.s32 @!p1 $0x60;
	s9 =	simm.s32 @!p1 $0x300;
	[sflag:s10] =	ssyncset.done @!p1 $0x0  }
0x114: {  	s12 =	simm.s32 @!p1 $0x200;
	[sflag:s10] =	ssyncadd.s32 @!p1 $0xFFFFD000;
	s10 =	simm.s32 @!p1 $0x6  }
0x115: {  	[spmem:s2] =	stream.indirect.scatter.add.f32 @!p1 [tilespmem:s9], [sflag:$0x6], $0x80, s12, s11, $0xb8;
	[tilespmem:$0x1A300] =	vst v63  }
0x116: {  	_ =	swait.ge @!p1 [sflag:s10], $0x3000  }
0x117: {  	s7 =	sadd.s32 $0x48, s7;
	[sflag:s10] =	ssyncset.done @!p1 $0x0  }
0x118: {  	p0 =	sne.s32 s7, $0x510;
	[sflag:s10] =	ssyncadd.s32 @!p1 $0xFFFFD000  }
.Ltmp0:
0x119: {  	_ =	swait.ge [sflag:s31], $0x3000;
	(pc) =	sbr.rel @p0 .LBB2_2-.Ltmp0, $4  }
0x11a: {  	[sflag:s31] =	ssyncset.done $0x0  }
0x11b: {  	[sflag:s31] =	ssyncadd.s32 $0xFFFFD000  }
0x11c: {  	[spmem:s2] =	stream.indirect.scatter.add.f32 [tilespmem:s25], [sflag:$0x6], $0x80, s28, s22, $0xb8;
	[tilespmem:$0x1A300] =	vst v63  }
0x11d: {  	_ =	swait.ge [sflag:s17], $0x3000  }
0x11e: {  	[sflag:s17] =	ssyncset.done $0x0  }
0x11f: {  	[sflag:s17] =	ssyncadd.s32 $0xFFFFD000  }
0x120: {  	[bflag:$0x0] =	sbarrier.arrive $0xFFFF  }
0x121: {  	s7 =	rddreg [dreg:$0x14]  }
0x122: {  	[hbm:s7], [sflag:s8] =	dma.local [spmem:s4], $0x2800  }
0x123: {  	_ =	swait.ge [sflag:s17], $0x2800  }
0x124: {  	s0 =	sadd.s32 $0x1, s0;
	s16 =	rddreg [dreg:$0x15]  }
0x125: {  	p0 =	sne.s32 s0, s16  }
.Ltmp1:
0x126: {  	_ = 	snop;
	(pc) =	sbr.rel @p0 .LBB2_1-.Ltmp1, $3  }
0x127: {  	_ =	sdelay $0x1  }
0x128: {  	[sflag:s17] =	ssyncset.done $0x0  }
0x129: {  	s9 =	smov.u32 s8;
	[sflag:s17] =	ssyncadd.s32 $0xFFFFD800  }
0x12a: {  	_ =	sfence.sel $0x180000  }
0x12b: {  	[bflag:$0x0] =	sbarrier.arrive $0xFFFF  }
0x12c: {  	_ =	strace $0x9000004A  }
0x12d: {  	s0 =	stileid.u32;
	[bflag:$0x2] =	sbarrier.arrive $0xFFFF  }
0x12e: {  	p0 =	sne.s32 s0, $0x0;
	s0 =	rddreg [dreg:$0x3]  }
0x12f: {  	s0 =	sadd.s32 @!p0 $0x100000, s0  }
0x130: {  	[sflag:s0] =	ssyncadd.tile.s32 @!p0 $0x1;
	_ =	shalt  }
.Lfunc_end2:
_tile_overlayer_lowered:
.L_overlay_start_2:
0x131: {  	(tag) =	ssettag $0x2  }
0x132: {  	s0 =	rddreg [dreg:$0x0];
	s2 =	stileid.u32  }
0x133: {  	s1 =	rddreg [dreg:$0x1];
	p0 =	sne.s32 s2, $0x0  }
0x134: {  	s3 =	rddreg [dreg:$0x2];
	[bflag:$0x3] =	sbarrier.arrive $0xFFFF;
	s2 =	simm.s32 @!p0 $0x1C06  }
0x135: {  	[timem:s3], [sflag:s2] =	dma.local @!p0 [hbm:s0], s1  }
0x136: {  	s0 =	simm.s32 @!p0 $0x6  }
0x137: {  	_ =	swait.ge @!p0 [sflag:s0], s1  }
0x138: {  	s1 =	ssub.s32 @!p0 $0x0, s1;
	[sflag:s0] =	ssyncset.done @!p0 $0x0  }
0x139: {  	[sflag:s0] =	ssyncadd.s32 @!p0 s1  }
0x13a: {  	[bflag:$0x3] =	sbarrier.arrive $0xFFFF  }
0x13b: {  	_ =	shalt  }

// kernel: kernel.13.cloned.1.call-start
scs
__scs_entry_jumppad:
0x0: {  	(pc) =	sbr.rel $0x88, $3  }
0x1: {  	(tag) =	ssettag $0x0;
	lr =	simm.s32 $0x1  }
0x2: {  	[smem:$0x3F90] =	sst lr;
	_ =	strace $0xD0000000  }
0x3: {  	_ = 	snop  }
0x4: {  	_ = 	snop  }
0x5: {  	_ = 	snop  }
0x6: {  	_ = 	snop  }
0x7: {  	_ = 	snop  }
__scs_overlays_trampoline_lowered:
0x8: {  	[smem:$0x3F9F] =	sst s0  }
0x9: {  	[smem:$0x3FA0] =	sst s1  }
0xa: {  	[smem:$0x3FA1] =	sst s2  }
0xb: {  	[smem:$0x3FA2] =	sst s3  }
0xc: {  	[smem:$0x3FA3] =	sst s4  }
0xd: {  	[smem:$0x3FA4] =	sst s5  }
0xe: {  	[smem:$0x3FA5] =	sst s6  }
0xf: {  	[smem:$0x3FA6] =	sst s7  }
0x10: {  	[smem:$0x3FA7] =	sst s8  }
0x11: {  	[smem:$0x3FA8] =	sst s9;
	s0 =	simm.s32 @!p0 $0x0  }
0x12: {  	s1 =	sld [smem:$0x3F8E];
	s0 =	simm.s32 @p0 $0x1  }
0x13: {  	[smem:$0x3FA9] =	sst s0;
	s0 =	simm.s32 @!p1 $0x0  }
0x14: {  	s2 =	sld [smem:$0x3F8D];
	s0 =	simm.s32 @p1 $0x1  }
0x15: {  	[smem:$0x3FAA] =	sst s0;
	s0 =	simm.s32 @!p2 $0x0  }
0x16: {  	s3 =	sld [smem:$0x3FDB];
	s0 =	simm.s32 @p2 $0x1  }
0x17: {  	s4 =	simm.s32 $0x1BF5;
	[smem:$0x3FAC] =	sst s0  }
0x18: {  	s0 =	sld [smem:$0x3F8F];
	_ =	swait.ge [sflag:s4], $0x0  }
0x19: {  	s7 =	sld [smem:$0x3F90]  }
0x1a: {  	s8 =	sadd.s32 $0xFFFFE003, lr  }
0x1b: {  	s9 =	sadd.s32 $0xFFFFFEF7, lr;
	s5 =	simm.s32 $0xFFFFFFFF;
	p2 =	slt.u32 s8, $0xFFFFF086  }
0x1c: {  	p1 =	slt.u32 s9, $0xF7A;
	s5 =	simm.s32 @!p2 $0x0  }
0x1d: {  	s5 =	simm.s32 @p1 $0x1;
	p0 =	seq.s32 s7, s2  }
0x1e: {  	s7 =	smul.u32 @!p0 $0xF7A, s2;
	p2 =	seq.s32 @!p0 s5, $0x0  }
0x1f: {  	s9 =	smul.u32 $0xF7A, s1;
	s8 =	simm.s32 @!p0 $0x1BF5;
	p2 =	por !p2, p0  }
0x20: {  	[sflag:s8] =	ssyncset.s32 @!p0 $0xFFFFF086;
	s6 =	sadd.s32 @!p0 s3, s7;
	s7 =	simm.s32 @!p0 $0x108  }
0x21: {  	s3 =	sadd.s32 s3, s9;
	s6 =	sadd.s32 @!p0 $0x88, s6;
	s7 =	simm.s32 @p2 $0x1082  }
0x22: {  	[simem:s7], [sflag:s8] =	dma.local @!p0 [hbm:s6], $0xF7A  }
0x23: {  	s9 =	sor.u32 $0xD0000000, s2;
	s6 =	simm.s32 $0x108;
	_ =	swait.ge @!p0 [sflag:s8], $0x0  }
0x24: {  	s3 =	sadd.s32 $0x88, s3;
	s6 =	simm.s32 @!p1 $0x1082;
	[sflag:s4] =	ssyncset.s32 $0xFFFFF086  }
0x25: {  	[simem:s6], [sflag:s4] =	dma.local [hbm:s3], $0xF7A  }
0x26: {  	[smem:$0x3F90] =	sst s1;
	(tag) =	ssettag s2;
	_ =	strace s9  }
0x27: {  	s1 =	sld [smem:$0x3FA0]  }
0x28: {  	s2 =	sld [smem:$0x3FA1]  }
0x29: {  	s4 =	sld [smem:$0x3FA3]  }
0x2a: {  	p0 =	seq.s32 s5, $0x0;
	s5 =	sld [smem:$0x3FA4]  }
0x2b: {  	s6 =	sld [smem:$0x3FA5]  }
0x2c: {  	s7 =	sld [smem:$0x3FA6]  }
0x2d: {  	s3 =	simm.s32 $0x108;
	s8 =	sld [smem:$0x3FA7]  }
0x2e: {  	s3 =	simm.s32 @!p0 $0x1082;
	s9 =	sld [smem:$0x3FA8]  }
0x2f: {  	lr =	sadd.s32 s0, s3;
	s0 =	sld [smem:$0x3F9F]  }
0x30: {  	s3 =	sld [smem:$0x3FA2]  }
0x31: {  	[smem:$0x3FAB] =	sst s10  }
0x32: {  	s10 =	sld [smem:$0x3FA9];
	_ =	sdelay $0x3  }
0x33: {  	p0 =	seq.s32 s10, $0x1;
	s10 =	sld [smem:$0x3FAB];
	_ =	sdelay $0x3  }
0x34: {  	[smem:$0x3FAB] =	sst s10  }
0x35: {  	s10 =	sld [smem:$0x3FAA];
	_ =	sdelay $0x3  }
0x36: {  	p1 =	seq.s32 s10, $0x1;
	s10 =	sld [smem:$0x3FAB];
	_ =	sdelay $0x3  }
0x37: {  	[smem:$0x3FAB] =	sst s10  }
0x38: {  	s10 =	sld [smem:$0x3FAC]  }
0x39: {  	_ = 	snop;
	(pc) =	sbr.ind lr, $3  }
0x3a: {  	_ = 	snop  }
0x3b: {  	_ = 	snop  }
0x3c: {  	p2 =	seq.s32 s10, $0x1;
	s10 =	sld [smem:$0x3FAB]  }
0x3d: {  	_ =	shalt  }
0x3e: {  	_ =	shalt  }
0x3f: {  	_ =	shalt  }
0x40: {  	_ =	shalt  }
0x41: {  	_ =	shalt  }
0x42: {  	_ =	shalt  }
0x43: {  	_ =	shalt  }
0x44: {  	_ =	shalt  }
0x45: {  	_ =	shalt  }
0x46: {  	_ =	shalt  }
0x47: {  	_ =	shalt  }
0x48: {  	_ =	shalt  }
0x49: {  	_ =	shalt  }
0x4a: {  	_ =	shalt  }
0x4b: {  	_ =	shalt  }
0x4c: {  	_ =	shalt  }
0x4d: {  	_ =	shalt  }
0x4e: {  	_ =	shalt  }
0x4f: {  	_ =	shalt  }
0x50: {  	_ =	shalt  }
0x51: {  	_ =	shalt  }
0x52: {  	_ =	shalt  }
0x53: {  	_ =	shalt  }
0x54: {  	_ =	shalt  }
0x55: {  	_ =	shalt  }
0x56: {  	_ =	shalt  }
0x57: {  	_ =	shalt  }
0x58: {  	_ =	shalt  }
0x59: {  	_ =	shalt  }
0x5a: {  	_ =	shalt  }
0x5b: {  	_ =	shalt  }
0x5c: {  	_ =	shalt  }
0x5d: {  	_ =	shalt  }
0x5e: {  	_ =	shalt  }
0x5f: {  	_ =	shalt  }
0x60: {  	_ =	shalt  }
0x61: {  	_ =	shalt  }
0x62: {  	_ =	shalt  }
0x63: {  	_ =	shalt  }
0x64: {  	_ =	shalt  }
0x65: {  	_ =	shalt  }
0x66: {  	_ =	shalt  }
0x67: {  	_ =	shalt  }
0x68: {  	_ =	shalt  }
0x69: {  	_ =	shalt  }
0x6a: {  	_ =	shalt  }
0x6b: {  	_ =	shalt  }
0x6c: {  	_ =	shalt  }
0x6d: {  	_ =	shalt  }
0x6e: {  	_ =	shalt  }
0x6f: {  	_ =	shalt  }
0x70: {  	_ =	shalt  }
0x71: {  	_ =	shalt  }
0x72: {  	_ =	shalt  }
0x73: {  	_ =	shalt  }
0x74: {  	_ =	shalt  }
0x75: {  	_ =	shalt  }
0x76: {  	_ =	shalt  }
0x77: {  	_ =	shalt  }
0x78: {  	_ =	shalt  }
0x79: {  	_ =	shalt  }
0x7a: {  	_ =	shalt  }
0x7b: {  	_ =	shalt  }
0x7c: {  	_ =	shalt  }
0x7d: {  	_ =	shalt  }
0x7e: {  	_ =	shalt  }
0x7f: {  	_ =	shalt  }
0x80: {  	_ =	shalt  }
0x81: {  	_ =	shalt  }
0x82: {  	_ =	shalt  }
0x83: {  	_ =	shalt  }
0x84: {  	_ =	shalt  }
0x85: {  	_ =	shalt  }
0x86: {  	_ =	shalt  }
0x87: {  	_ =	shalt  }
.Lfunc_end0:
.L_simem_size_0:
called_computation.2_lowered:
.L_overlay_start_0:
0x88: {  	s2 =	sld [smem:$0x3FD9]  }
0x89: {  	s3 =	sld [smem:$0x3FFE];
	_ =	sdelay $0x1  }
0x8a: {  	s1 =	srdreg.scid  }
0x8b: {  	s0 =	sand.u32 $0x1, s1  }
0x8c: {  	s17 =	sshll.u32 s0, $0xA;
	s2 =	sadd.s32 s3, s2  }
0x8d: {  	s2 =	sadd.s32 s2, s17  }
0x8e: {  	[smem:$0x3FB7] =	sst s2  }
0x8f: {  	_ = 	snop  }
0x90: {  	s2 =	sld [smem:$0x3FD0];
	(tm) =	ssettm $0x1  }
0x91: {  	s18 =	sld [smem:$0x3FFB];
	_ =	sdelay $0x3  }
0x92: {  	_ =	strace s18  }
0x93: {  	s3 =	sld [smem:$0x3FFC];
	_ =	sdelay $0x3  }
0x94: {  	_ =	strace s3  }
0x95: {  	s3 =	sld [smem:$0x3FFD];
	_ =	sdelay $0x3  }
0x96: {  	_ =	strace s3  }
0x97: {  	_ =	strace $0x8FFFFFFF  }
0x98: {  	s19 =	sld [smem:$0x3FDB];
	_ =	sdelay $0x1  }
0x99: {  	s4 =	simm.s32 $_scs_section_size  }
0x9a: {  	s5 =	simm.s32 $_size__tile_overlayer_lowered;
	s6 =	simm.s32 $_tile_overlayer_lowered  }
0x9b: {  	s22 =	simm.s32 $0x1BFF;
	s21 =	sshll.u32 s6, $0x1;
	s3 =	sadd.s32 s4, s19  }
0x9c: {  	s7 =	simm.s32 $0x0;
	s20 =	sshll.u32 s5, $0x1;
	s5 =	sadd.s32 s21, s3  }
0x9d: {  	[timem:s7], [sflag:s22] =	dma.local [hbm:s5], s20  }
0x9e: {  	_ =	swait.ge [sflag:s22], s20  }
0x9f: {  	s4 =	ssub.s32 $0x0, s20;
	[sflag:s22] =	ssyncset.done $0x0  }
0xa0: {  	[sflag:s22] =	ssyncadd.s32 s4;
	_ =	sdelay $0x1  }
0xa1: {  	s23 =	simm.s32 $0x1B8B  }
0xa2: {  	_ =	swait.ge [sflag:s23], $0x1  }
0xa3: {  	[sflag:s23] =	ssyncset.done $0x0  }
0xa4: {  	s25 =	simm.s32 $0x1B8E;
	s24 =	sld [smem:$0x3FFE];
	[sflag:s23] =	ssyncadd.s32 $0xFFFFFFFF  }
0xa5: {  	s26 =	simm.s32 $execute0_lowered;
	[smem:$0x3FD2] =	sst s25  }
0xa6: {  	s5 =	sshll.u32 s26, $0x1;
	_ =	strace $0x8000004C;
	[dreg:$0x1] =	wrdreg $0xFFFFFFFF  }
0xa7: {  	s28 =	simm.s32 $_size_execute0_lowered;
	s3 =	sadd.s32 s3, s5;
	[dreg:$0x0] =	wrdreg $0x0  }
0xa8: {  	s5 =	sshll.u32 s28, $0x1;
	[dreg:$0x2] =	wrdreg s3  }
0xa9: {  	[dreg:$0x3] =	wrdreg s5  }
0xaa: {  	[dreg:$0x4] =	wrdreg $0xC0  }
0xab: {  	_ =	task [dreg:s7], $0x5FFFF  }
0xac: {  	[dreg:$0x1] =	wrdreg $0xFFFFFFFF  }
0xad: {  	[dreg:$0x0] =	wrdreg $0x60  }
0xae: {  	[dreg:$0x2] =	wrdreg s24  }
0xaf: {  	[dreg:$0x3] =	wrdreg s2  }
0xb0: {  	[dreg:$0x4] =	wrdreg $0x63000  }
0xb1: {  	[dreg:$0x5] =	wrdreg $0x9  }
0xb2: {  	_ =	task.clear_ibuf [dreg:s7], $0x6FFFF;
	_ =	strace $0x9000004C  }
0xb3: {  	s29 =	simm.s32 $0x9;
	_ =	strace $0x8000004E  }
0xb4: {  	_ =	swait.ge [sflag:s29], $0x1  }
0xb5: {  	[sflag:s29] =	ssyncadd.s32 $0xFFFFFFFF  }
0xb6: {  	_ =	strace $0x9000004E  }
0xb7: {  	_ =	sfence  }
0xb8: {  	s30 =	sld [smem:$0x0];
	_ =	sdelay $0x2  }
0xb9: {  	s31 =	sshll.u32 s1, $0xD;
	s1 =	sshrl.u32 s1, $0x2  }
0xba: {  	s3 =	sand.u32 $0x4000, s31;
	s1 =	sadd.s32 s1, s30  }
0xbb: {  	s0 =	sor.u32 s3, s0;
	s1 =	sshll.u32 s1, $0x11  }
0xbc: {  	s0 =	sor.u32 s1, s0  }
0xbd: {  	s0 =	sadd.s32 $0x8F2B, s0  }
0xbe: {  	[sflag:s0] =	ssyncadd.remote.s32 $0x1  }
0xbf: {  	_ =	sfence.sel $0xFFFF  }
0xc0: {  	[dreg:$0x0] =	wrdreg $0xFFFFFFFF;
	(pc) =	sbr.abs _section_cstart, $3  }
0xc1: {  	[dreg:$0x1] =	wrdreg $0xFFFFFFFF  }
0xc2: {  	_ =	task.clear_ibuf [dreg:s7], $0x2FFFF;
	_ =	strace $0x9FFFFFFF  }
0xc3: {  	(tm) =	ssettm $0x7FFFFFFF  }
tec
execute0_lowered:
.L_overlay_start_1:
0x0: {  	(tag) =	ssettag $0x1  }
0x1: {  	s0 =	rddreg [dreg:$0x0]  }
0x2: {  	s1 =	rddreg [dreg:$0x1]  }
0x3: {  	s2 =	rddreg [dreg:$0x2];
	s3 =	simm.s32 $0x0  }
0x4: {  	s4 =	srdreg.scid;
	s13 =	stileid.u32;
	s28 =	simm.s32 $0x280  }
0x5: {  	s29 =	simm.s32 $0x4;
	s30 =	simm.s32 $0x3;
	s31 =	simm.s32 $0x5  }
0x6: {  	[smem:$0x7FF] =	sst s3;
	s4 =	sand.u32 $0x1, s4;
	s8 =	smul.u32 $0x14000, s13  }
0x7: {  	s5 =	sadd.s32 $0x3200, s0;
	s6 =	sadd.s32 $0x2B800, s0;
	s10 =	smul.u32 $0x50000, s13  }
0x8: {  	s11 =	sadd.s32 $0x35A00, s0;
	s12 =	smul.u32 $0x2880, s13;
	s22 =	sshll.u32 s13, $0x6  }
0x9: {  	_ =	strace $0x8000004D;
	s7 =	smul.u32 $0x140000, s4;
	s9 =	sshll.u32 s4, $0x4  }
0xa: {  	[dreg:$0xe] =	wrdreg s11;
	s19 =	ssub.s32 $0x2, s4;
	s4 =	smul.u32 $0x28800, s4  }
0xb: {  	s9 =	sor.u32 s13, s9;
	s20 =	sshrl.u32 s19, $0x1;
	s10 =	sshrl.u32 s10, $0x2  }
0xc: {  	s7 =	sadd.s32 s8, s7;
	s18 =	smul.u32 $0x2880, s9;
	s21 =	sadd.s32 s10, s2  }
0xd: {  	s4 =	sadd.s32 s12, s4;
	s9 =	sor.u32 $0x1C06, s22;
	s7 =	sshrl.u32 s7, $0x3  }
0xe: {  	[dreg:$0xf] =	wrdreg s21;
	s24 =	sadd.s32 $0x2A0, s4;
	s8 =	sshrl.u32 s18, $0x3  }
0xf: {  	s14 =	sadd.s32 $0x1E0, s4;
	s15 =	sadd.s32 $0x180, s4;
	s23 =	sadd.s32 s1, s8  }
0x10: {  	s10 =	sshrl.u32 s24, $0x3;
	s25 =	sadd.s32 s6, s8;
	[dreg:$0x10] =	wrdreg s23  }
0x11: {  	s0 =	sadd.s32 s7, s0;
	s11 =	sadd.s32 s10, s6;
	[dreg:$0x11] =	wrdreg s25  }
0x12: {  	s12 =	sshrl.u32 s14, $0x3;
	s10 =	sadd.s32 s10, s1;
	[dreg:$0x4] =	wrdreg s11  }
0x13: {  	s7 =	ssub.s32 s19, s20;
	s14 =	sadd.s32 s12, s6;
	[dreg:$0x5] =	wrdreg s10  }
0x14: {  	s17 =	sshrl.u32 s15, $0x3;
	s16 =	sadd.s32 s12, s1;
	[dreg:$0x6] =	wrdreg s14  }
0x15: {  	s19 =	sadd.s32 $0x120, s4;
	s18 =	sadd.s32 s17, s6;
	[dreg:$0x7] =	wrdreg s16  }
0x16: {  	s8 =	sor.u32 $0xC, s8;
	s20 =	sadd.s32 s17, s1;
	[dreg:$0x8] =	wrdreg s18  }
0x17: {  	s21 =	sshrl.u32 s19, $0x3;
	s0 =	sadd.s32 $0x38200, s0;
	[dreg:$0x9] =	wrdreg s20  }
0x18: {  	s7 =	smax.u32 s7, $0x1;
	s17 =	simm.s32 $0x6;
	[dreg:$0x14] =	wrdreg s0  }
0x19: {  	s19 =	simm.s32 $0x80;
	s26 =	sadd.s32 s1, s8;
	[dreg:$0x15] =	wrdreg s7  }
0x1a: {  	s22 =	sadd.s32 s21, s6;
	s23 =	sadd.s32 $0xC0, s4;
	[dreg:$0x12] =	wrdreg s26  }
0x1b: {  	s24 =	sadd.s32 s21, s1;
	s8 =	sadd.s32 s6, s8;
	[dreg:$0xa] =	wrdreg s22  }
0x1c: {  	s4 =	sadd.s32 $0x240, s4;
	s18 =	simm.s32 $0x180;
	[dreg:$0x13] =	wrdreg s8  }
0x1d: {  	s20 =	simm.s32 $0x200;
	s21 =	simm.s32 $0x1;
	[dreg:$0xb] =	wrdreg s24  }
0x1e: {  	s0 =	simm.s32 $0x0;
	s15 =	sshrl.u32 s23, $0x3;
	[dreg:$0x16] =	wrdreg s4  }
0x1f: {  	s22 =	simm.s32 $0x60;
	s23 =	simm.s32 $0x300;
	s25 =	sadd.s32 s15, s6  }
0x20: {  	s24 =	simm.s32 $0x2;
	s26 =	sadd.s32 s15, s1;
	[dreg:$0xc] =	wrdreg s25  }
0x21: {  	[dreg:$0xd] =	wrdreg s26;
	s25 =	simm.s32 $0x3300;
	s26 =	simm.s32 $0x100  }
.LBB2_1:
0x22: {  	s4 =	rddreg [dreg:$0xf]  }
0x23: {  	s7 =	rddreg [dreg:$0xe];
	s4 =	sshrl.u32 s4, $0x3  }
0x24: {  	[spmem:s4], [sflag:s9] =	dma.local [hbm:s7], $0x2800  }
0x25: {  	_ =	swait.ge [sflag:s17], $0x2800  }
0x26: {  	[sflag:s17] =	ssyncset.done $0x0  }
0x27: {  	[sflag:s17] =	ssyncadd.s32 $0xFFFFD800  }
0x28: {  	[bflag:$0x0] =	sbarrier.arrive $0xFFFF  }
0x29: {  	s10 =	rddreg [dreg:$0x10]  }
0x2a: {  	[tilespmem:s3], [sflag:$0x1] =	stream.linear.gather [hbm4b:s10+s3], $0x60, $0x38;
	[tilespmem:$0x1A300] =	vst v63  }
0x2b: {  	s11 =	rddreg [dreg:$0x11]  }
0x2c: {  	[tilespmem:s18], [sflag:$0x1] =	stream.linear.gather [hbm4b:s11+s3], $0x60, $0x38;
	[tilespmem:$0x1A300] =	vst v63  }
0x2d: {  	s12 =	rddreg [dreg:$0x12]  }
0x2e: {  	[tilespmem:s19], [sflag:$0x2] =	stream.linear.gather [hbm4b:s12+s3], $0x60, $0x38;
	[tilespmem:$0x1A300] =	vst v63  }
0x2f: {  	s13 =	rddreg [dreg:$0x13]  }
0x30: {  	[tilespmem:s20], [sflag:$0x2] =	stream.linear.gather [hbm4b:s13+s3], $0x60, $0x38;
	[tilespmem:$0x1A300] =	vst v63  }
0x31: {  	_ =	swait.ge [sflag:s21], $0x60  }
0x32: {  	[sflag:s21] =	ssyncset.done $0x0  }
0x33: {  	[sflag:s21] =	ssyncadd.s32 $0xFFFFFFA0  }
0x34: {  	_ =	swait.ge [sflag:s21], $0x60  }
0x35: {  	[sflag:s21] =	ssyncset.done $0x0  }
0x36: {  	[sflag:s21] =	ssyncadd.s32 $0xFFFFFFA0  }
0x37: {  	[tilespmem:s23], [sflag:$0x4] =	stream.indirect.gather [hbm4b:s5+s22], $0x80, s3, s22, $0xb8;
	[tilespmem:$0x1A300] =	vst v63  }
0x38: {  	_ =	swait.ge [sflag:s24], $0x60  }
0x39: {  	[sflag:s24] =	ssyncset.done $0x0  }
0x3a: {  	[sflag:s24] =	ssyncadd.s32 $0xFFFFFFA0  }
0x3b: {  	_ =	swait.ge [sflag:s24], $0x60  }
0x3c: {  	[sflag:s24] =	ssyncset.done $0x0  }
0x3d: {  	s14 =	rddreg [dreg:$0xd];
	[sflag:s24] =	ssyncadd.s32 $0xFFFFFFA0  }
0x3e: {  	[tilespmem:s25], [sflag:$0x5] =	stream.indirect.gather [hbm4b:s5+s22], $0x80, s19, s22, $0xb8;
	[tilespmem:$0x1A300] =	vst v63  }
0x3f: {  	s10 =	rddreg [dreg:$0xc];
	s7 =	sadd.s32 $0x0, s14  }
0x40: {  	[tilespmem:s26], [sflag:$0x3] =	stream.linear.gather [hbm4b:s7+s3], $0x60, $0x38;
	[tilespmem:$0x1A300] =	vst v63  }
0x41: {  	s15 =	sadd.s32 $0x0, s10  }
0x42: {  	[tilespmem:s28], [sflag:$0x3] =	stream.linear.gather [hbm4b:s15+s3], $0x60, $0x38;
	[tilespmem:$0x1A300] =	vst v63  }
0x43: {  	_ =	swait.ge [sflag:s29], $0x3000  }
0x44: {  	[sflag:s29] =	ssyncset.done $0x0  }
0x45: {  	[sflag:s29] =	ssyncadd.s32 $0xFFFFD000  }
0x46: {  	[spmem:s2] =	stream.indirect.scatter.add.f32 [tilespmem:s23], [sflag:$0x6], $0x80, s18, s22, $0xb8;
	[tilespmem:$0x1A300] =	vst v63  }
0x47: {  	_ =	swait.ge [sflag:s17], $0x3000  }
0x48: {  	[sflag:s17] =	ssyncset.done $0x0  }
0x49: {  	[sflag:s17] =	ssyncadd.s32 $0xFFFFD000  }
0x4a: {  	_ =	swait.ge [sflag:s30], $0x60  }
0x4b: {  	[sflag:s30] =	ssyncset.done $0x0  }
0x4c: {  	[sflag:s30] =	ssyncadd.s32 $0xFFFFFFA0  }
0x4d: {  	_ =	swait.ge [sflag:s30], $0x60  }
0x4e: {  	[sflag:s30] =	ssyncset.done $0x0  }
0x4f: {  	s16 =	rddreg [dreg:$0xb];
	[sflag:s30] =	ssyncadd.s32 $0xFFFFFFA0  }
0x50: {  	[tilespmem:s23], [sflag:$0x4] =	stream.indirect.gather [hbm4b:s5+s22], $0x80, s26, s22, $0xb8;
	[tilespmem:$0x1A300] =	vst v63  }
0x51: {  	s8 =	smov.u32 s9;
	s9 =	rddreg [dreg:$0xa];
	s7 =	sadd.s32 $0x0, s16  }
0x52: {  	[tilespmem:s3], [sflag:$0x1] =	stream.linear.gather [hbm4b:s7+s3], $0x60, $0x38;
	[tilespmem:$0x1A300] =	vst v63  }
0x53: {  	s10 =	sadd.s32 $0x0, s9  }
0x54: {  	[tilespmem:s18], [sflag:$0x1] =	stream.linear.gather [hbm4b:s10+s3], $0x60, $0x38;
	[tilespmem:$0x1A300] =	vst v63  }
0x55: {  	_ =	swait.ge [sflag:s31], $0x3000  }
0x56: {  	[sflag:s31] =	ssyncset.done $0x0  }
0x57: {  	[sflag:s31] =	ssyncadd.s32 $0xFFFFD000  }
0x58: {  	[spmem:s2] =	stream.indirect.scatter.add.f32 [tilespmem:s25], [sflag:$0x6], $0x80, s20, s22, $0xb8;
	[tilespmem:$0x1A300] =	vst v63  }
0x59: {  	_ =	swait.ge [sflag:s17], $0x3000  }
0x5a: {  	[sflag:s17] =	ssyncset.done $0x0  }
0x5b: {  	[sflag:s17] =	ssyncadd.s32 $0xFFFFD000  }
0x5c: {  	_ =	swait.ge [sflag:s21], $0x60  }
0x5d: {  	[sflag:s21] =	ssyncset.done $0x0  }
0x5e: {  	[sflag:s21] =	ssyncadd.s32 $0xFFFFFFA0  }
0x5f: {  	_ =	swait.ge [sflag:s21], $0x60  }
0x60: {  	[sflag:s21] =	ssyncset.done $0x0  }
0x61: {  	s11 =	rddreg [dreg:$0x9];
	[sflag:s21] =	ssyncadd.s32 $0xFFFFFFA0  }
0x62: {  	[tilespmem:s25], [sflag:$0x5] =	stream.indirect.gather [hbm4b:s5+s22], $0x80, s3, s22, $0xb8;
	[tilespmem:$0x1A300] =	vst v63  }
0x63: {  	s12 =	rddreg [dreg:$0x8];
	s7 =	sadd.s32 $0x0, s11  }
0x64: {  	[tilespmem:s19], [sflag:$0x2] =	stream.linear.gather [hbm4b:s7+s3], $0x60, $0x38;
	[tilespmem:$0x1A300] =	vst v63  }
0x65: {  	s13 =	sadd.s32 $0x0, s12  }
0x66: {  	[tilespmem:s20], [sflag:$0x2] =	stream.linear.gather [hbm4b:s13+s3], $0x60, $0x38;
	[tilespmem:$0x1A300] =	vst v63  }
0x67: {  	_ =	swait.ge [sflag:s29], $0x3000  }
0x68: {  	[sflag:s29] =	ssyncset.done $0x0  }
0x69: {  	[sflag:s29] =	ssyncadd.s32 $0xFFFFD000  }
0x6a: {  	[spmem:s2] =	stream.indirect.scatter.add.f32 [tilespmem:s23], [sflag:$0x6], $0x80, s28, s22, $0xb8;
	[tilespmem:$0x1A300] =	vst v63  }
0x6b: {  	_ =	swait.ge [sflag:s17], $0x3000  }
0x6c: {  	[sflag:s17] =	ssyncset.done $0x0  }
0x6d: {  	[sflag:s17] =	ssyncadd.s32 $0xFFFFD000  }
0x6e: {  	_ =	swait.ge [sflag:s24], $0x60  }
0x6f: {  	[sflag:s24] =	ssyncset.done $0x0  }
0x70: {  	[sflag:s24] =	ssyncadd.s32 $0xFFFFFFA0  }
0x71: {  	_ =	swait.ge [sflag:s24], $0x60  }
0x72: {  	[sflag:s24] =	ssyncset.done $0x0  }
0x73: {  	s14 =	rddreg [dreg:$0x7];
	[sflag:s24] =	ssyncadd.s32 $0xFFFFFFA0  }
0x74: {  	[tilespmem:s23], [sflag:$0x4] =	stream.indirect.gather [hbm4b:s5+s22], $0x80, s19, s22, $0xb8;
	[tilespmem:$0x1A300] =	vst v63  }
0x75: {  	s15 =	rddreg [dreg:$0x6];
	s7 =	sadd.s32 $0x0, s14  }
0x76: {  	[tilespmem:s26], [sflag:$0x3] =	stream.linear.gather [hbm4b:s7+s3], $0x60, $0x38;
	[tilespmem:$0x1A300] =	vst v63  }
0x77: {  	s16 =	sadd.s32 $0x0, s15  }
0x78: {  	[tilespmem:s28], [sflag:$0x3] =	stream.linear.gather [hbm4b:s16+s3], $0x60, $0x38;
	[tilespmem:$0x1A300] =	vst v63  }
0x79: {  	_ =	swait.ge [sflag:s31], $0x3000  }
0x7a: {  	[sflag:s31] =	ssyncset.done $0x0  }
0x7b: {  	[sflag:s31] =	ssyncadd.s32 $0xFFFFD000  }
0x7c: {  	[spmem:s2] =	stream.indirect.scatter.add.f32 [tilespmem:s25], [sflag:$0x6], $0x80, s18, s22, $0xb8;
	[tilespmem:$0x1A300] =	vst v63  }
0x7d: {  	_ =	swait.ge [sflag:s17], $0x3000  }
0x7e: {  	[sflag:s17] =	ssyncset.done $0x0  }
0x7f: {  	[sflag:s17] =	ssyncadd.s32 $0xFFFFD000  }
0x80: {  	_ =	swait.ge [sflag:s30], $0x60  }
0x81: {  	[sflag:s30] =	ssyncset.done $0x0  }
0x82: {  	[sflag:s30] =	ssyncadd.s32 $0xFFFFFFA0  }
0x83: {  	_ =	swait.ge [sflag:s30], $0x60  }
0x84: {  	p0 =	por $0x1, $0x1;
	[sflag:s30] =	ssyncset.done $0x0;
	s9 =	rddreg [dreg:$0x16]  }
0x85: {  	[sflag:s30] =	ssyncadd.s32 $0xFFFFFFA0;
	s7 =	sshrl.u32 @p0 s9, $0x3  }
0x86: {  	[tilespmem:s25], [sflag:$0x5] =	stream.indirect.gather [hbm4b:s5+s22], $0x80, s26, s22, $0xb8;
	[tilespmem:$0x1A300] =	vst v63  }
0x87: {  	s10 =	simm.s32 @p0 $0x0;
	s16 =	sadd.s32 @p0 s1, s7  }
0x88: {  	[tilespmem:s10], [sflag:$0x1] =	stream.linear.gather @p0 [hbm4b:s16+s10], $0x60, $0x38;
	[tilespmem:$0x1A300] =	vst v63  }
0x89: {  	s11 =	simm.s32 @p0 $0x4;
	s7 =	sadd.s32 @p0 s6, s7;
	s16 =	simm.s32 @p0 $0x180  }
0x8a: {  	[tilespmem:s16], [sflag:$0x1] =	stream.linear.gather @p0 [hbm4b:s7+s10], $0x60, $0x38;
	[tilespmem:$0x1A300] =	vst v63  }
0x8b: {  	_ =	swait.ge @p0 [sflag:s11], $0x3000  }
0x8c: {  	s12 =	simm.s32 @p0 $0x200;
	s7 =	simm.s32 @p0 $0x300;
	[sflag:s11] =	ssyncset.done @p0 $0x0  }
0x8d: {  	s16 =	simm.s32 @p0 $0x60;
	[sflag:s11] =	ssyncadd.s32 @p0 $0xFFFFD000;
	s11 =	simm.s32 @p0 $0x6  }
0x8e: {  	[spmem:s2] =	stream.indirect.scatter.add.f32 @p0 [tilespmem:s7], [sflag:$0x6], $0x80, s12, s16, $0xb8;
	[tilespmem:$0x1A300] =	vst v63  }
0x8f: {  	_ =	swait.ge @p0 [sflag:s11], $0x3000  }
0x90: {  	[sflag:s11] =	ssyncset.done @p0 $0x0  }
0x91: {  	[sflag:s11] =	ssyncadd.s32 @p0 $0xFFFFD000;
	s11 =	simm.s32 @p0 $0x1  }
0x92: {  	_ =	swait.ge @p0 [sflag:s11], $0x60  }
0x93: {  	[sflag:s11] =	ssyncset.done @p0 $0x0  }
0x94: {  	[sflag:s11] =	ssyncadd.s32 @p0 $0xFFFFFFA0  }
0x95: {  	_ =	swait.ge @p0 [sflag:s11], $0x60  }
0x96: {  	[sflag:s11] =	ssyncset.done @p0 $0x0  }
0x97: {  	[sflag:s11] =	ssyncadd.s32 @p0 $0xFFFFFFA0;
	s11 =	rddreg [dreg:$0x5]  }
0x98: {  	[tilespmem:s7], [sflag:$0x4] =	stream.indirect.gather @p0 [hbm4b:s5+s16], $0x80, s10, s16, $0xb8;
	[tilespmem:$0x1A300] =	vst v63  }
0x99: {  	s7 =	rddreg [dreg:$0x4];
	s11 =	sadd.s32 @p0 $0x0, s11;
	s16 =	simm.s32 @p0 $0x80  }
0x9a: {  	[tilespmem:s16], [sflag:$0x2] =	stream.linear.gather @p0 [hbm4b:s11+s10], $0x60, $0x38;
	[tilespmem:$0x1A300] =	vst v63  }
0x9b: {  	s7 =	sadd.s32 @p0 $0x0, s7  }
0x9c: {  	[tilespmem:s12], [sflag:$0x2] =	stream.linear.gather @p0 [hbm4b:s7+s10], $0x60, $0x38;
	[tilespmem:$0x1A300] =	vst v63  }
0x9d: {  	s7 =	simm.s32 @!p0 $0x4  }
0x9e: {  	_ =	swait.ge @!p0 [sflag:s7], $0x3000  }
0x9f: {  	s11 =	simm.s32 @!p0 $0x60;
	[sflag:s7] =	ssyncset.done @!p0 $0x0  }
0xa0: {  	s10 =	simm.s32 @!p0 $0x300;
	[sflag:s7] =	ssyncadd.s32 @!p0 $0xFFFFD000;
	s7 =	simm.s32 @!p0 $0x200  }
0xa1: {  	[spmem:s2] =	stream.indirect.scatter.add.f32 @!p0 [tilespmem:s10], [sflag:$0x6], $0x80, s7, s11, $0xb8;
	[tilespmem:$0x1A300] =	vst v63  }
0xa2: {  	s7 =	simm.s32 @!p0 $0x6  }
0xa3: {  	_ =	swait.ge @!p0 [sflag:s7], $0x3000  }
0xa4: {  	[sflag:s7] =	ssyncset.done @!p0 $0x0  }
0xa5: {  	[sflag:s7] =	ssyncadd.s32 @!p0 $0xFFFFD000  }
0xa6: {  	_ =	swait.ge [sflag:s31], $0x3000  }
0xa7: {  	[sflag:s31] =	ssyncset.done $0x0  }
0xa8: {  	[sflag:s31] =	ssyncadd.s32 $0xFFFFD000  }
0xa9: {  	[spmem:s2] =	stream.indirect.scatter.add.f32 [tilespmem:s25], [sflag:$0x6], $0x80, s28, s22, $0xb8;
	[tilespmem:$0x1A300] =	vst v63  }
0xaa: {  	s16 =	smov.u32 s9;
	s7 =	simm.s32 $0x48;
	_ =	swait.ge [sflag:s17], $0x3000  }
.LBB2_2:
0xab: {  	[sflag:s17] =	ssyncset.done $0x0  }
0xac: {  	[sflag:s17] =	ssyncadd.s32 $0xFFFFD000  }
0xad: {  	_ =	swait.ge [sflag:s24], $0x60  }
0xae: {  	[sflag:s24] =	ssyncset.done $0x0  }
0xaf: {  	[sflag:s24] =	ssyncadd.s32 $0xFFFFFFA0  }
0xb0: {  	_ =	swait.ge [sflag:s24], $0x60  }
0xb1: {  	[sflag:s24] =	ssyncset.done $0x0  }
0xb2: {  	s10 =	smov.u32 s7;
	s11 =	rddreg [dreg:$0xd];
	[sflag:s24] =	ssyncadd.s32 $0xFFFFFFA0  }
0xb3: {  	[tilespmem:s25], [sflag:$0x5] =	stream.indirect.gather [hbm4b:s5+s22], $0x80, s19, s22, $0xb8;
	[tilespmem:$0x1A300] =	vst v63  }
0xb4: {  	s12 =	rddreg [dreg:$0xc];
	s11 =	sadd.s32 s10, s11  }
0xb5: {  	[tilespmem:s26], [sflag:$0x3] =	stream.linear.gather [hbm4b:s11+s3], $0x60, $0x38;
	[tilespmem:$0x1A300] =	vst v63  }
0xb6: {  	s9 =	sadd.s32 s10, s12  }
0xb7: {  	[tilespmem:s28], [sflag:$0x3] =	stream.linear.gather [hbm4b:s9+s3], $0x60, $0x38;
	[tilespmem:$0x1A300] =	vst v63  }
0xb8: {  	_ =	swait.ge [sflag:s29], $0x3000  }
0xb9: {  	[sflag:s29] =	ssyncset.done $0x0  }
0xba: {  	[sflag:s29] =	ssyncadd.s32 $0xFFFFD000  }
0xbb: {  	[spmem:s2] =	stream.indirect.scatter.add.f32 [tilespmem:s23], [sflag:$0x6], $0x80, s18, s22, $0xb8;
	[tilespmem:$0x1A300] =	vst v63  }
0xbc: {  	_ =	swait.ge [sflag:s17], $0x3000  }
0xbd: {  	[sflag:s17] =	ssyncset.done $0x0  }
0xbe: {  	[sflag:s17] =	ssyncadd.s32 $0xFFFFD000  }
0xbf: {  	_ =	swait.ge [sflag:s30], $0x60  }
0xc0: {  	[sflag:s30] =	ssyncset.done $0x0  }
0xc1: {  	[sflag:s30] =	ssyncadd.s32 $0xFFFFFFA0  }
0xc2: {  	_ =	swait.ge [sflag:s30], $0x60  }
0xc3: {  	[sflag:s30] =	ssyncset.done $0x0  }
0xc4: {  	s12 =	rddreg [dreg:$0xb];
	[sflag:s30] =	ssyncadd.s32 $0xFFFFFFA0  }
0xc5: {  	[tilespmem:s23], [sflag:$0x4] =	stream.indirect.gather [hbm4b:s5+s22], $0x80, s26, s22, $0xb8;
	[tilespmem:$0x1A300] =	vst v63  }
0xc6: {  	s13 =	rddreg [dreg:$0xa];
	s11 =	sadd.s32 s10, s12  }
0xc7: {  	[tilespmem:s3], [sflag:$0x1] =	stream.linear.gather [hbm4b:s11+s3], $0x60, $0x38;
	[tilespmem:$0x1A300] =	vst v63  }
0xc8: {  	s14 =	sadd.s32 s10, s13  }
0xc9: {  	[tilespmem:s18], [sflag:$0x1] =	stream.linear.gather [hbm4b:s14+s3], $0x60, $0x38;
	[tilespmem:$0x1A300] =	vst v63  }
0xca: {  	_ =	swait.ge [sflag:s31], $0x3000  }
0xcb: {  	[sflag:s31] =	ssyncset.done $0x0  }
0xcc: {  	[sflag:s31] =	ssyncadd.s32 $0xFFFFD000  }
0xcd: {  	[spmem:s2] =	stream.indirect.scatter.add.f32 [tilespmem:s25], [sflag:$0x6], $0x80, s20, s22, $0xb8;
	[tilespmem:$0x1A300] =	vst v63  }
0xce: {  	_ =	swait.ge [sflag:s17], $0x3000  }
0xcf: {  	[sflag:s17] =	ssyncset.done $0x0  }
0xd0: {  	[sflag:s17] =	ssyncadd.s32 $0xFFFFD000  }
0xd1: {  	_ =	swait.ge [sflag:s21], $0x60  }
0xd2: {  	[sflag:s21] =	ssyncset.done $0x0  }
0xd3: {  	[sflag:s21] =	ssyncadd.s32 $0xFFFFFFA0  }
0xd4: {  	_ =	swait.ge [sflag:s21], $0x60  }
0xd5: {  	[sflag:s21] =	ssyncset.done $0x0  }
0xd6: {  	s15 =	rddreg [dreg:$0x9];
	[sflag:s21] =	ssyncadd.s32 $0xFFFFFFA0  }
0xd7: {  	[tilespmem:s25], [sflag:$0x5] =	stream.indirect.gather [hbm4b:s5+s22], $0x80, s3, s22, $0xb8;
	[tilespmem:$0x1A300] =	vst v63  }
0xd8: {  	s9 =	rddreg [dreg:$0x8];
	s11 =	sadd.s32 s10, s15  }
0xd9: {  	[tilespmem:s19], [sflag:$0x2] =	stream.linear.gather [hbm4b:s11+s3], $0x60, $0x38;
	[tilespmem:$0x1A300] =	vst v63  }
0xda: {  	s12 =	sadd.s32 s10, s9  }
0xdb: {  	[tilespmem:s20], [sflag:$0x2] =	stream.linear.gather [hbm4b:s12+s3], $0x60, $0x38;
	[tilespmem:$0x1A300] =	vst v63  }
0xdc: {  	_ =	swait.ge [sflag:s29], $0x3000  }
0xdd: {  	[sflag:s29] =	ssyncset.done $0x0  }
0xde: {  	[sflag:s29] =	ssyncadd.s32 $0xFFFFD000  }
0xdf: {  	[spmem:s2] =	stream.indirect.scatter.add.f32 [tilespmem:s23], [sflag:$0x6], $0x80, s28, s22, $0xb8;
	[tilespmem:$0x1A300] =	vst v63  }
0xe0: {  	_ =	swait.ge [sflag:s17], $0x3000  }
0xe1: {  	[sflag:s17] =	ssyncset.done $0x0  }
0xe2: {  	[sflag:s17] =	ssyncadd.s32 $0xFFFFD000  }
0xe3: {  	_ =	swait.ge [sflag:s24], $0x60  }
0xe4: {  	[sflag:s24] =	ssyncset.done $0x0  }
0xe5: {  	[sflag:s24] =	ssyncadd.s32 $0xFFFFFFA0  }
0xe6: {  	_ =	swait.ge [sflag:s24], $0x60  }
0xe7: {  	[sflag:s24] =	ssyncset.done $0x0  }
0xe8: {  	s13 =	rddreg [dreg:$0x7];
	[sflag:s24] =	ssyncadd.s32 $0xFFFFFFA0  }
0xe9: {  	[tilespmem:s23], [sflag:$0x4] =	stream.indirect.gather [hbm4b:s5+s22], $0x80, s19, s22, $0xb8;
	[tilespmem:$0x1A300] =	vst v63  }
0xea: {  	s14 =	rddreg [dreg:$0x6];
	s11 =	sadd.s32 s10, s13  }
0xeb: {  	[tilespmem:s26], [sflag:$0x3] =	stream.linear.gather [hbm4b:s11+s3], $0x60, $0x38;
	[tilespmem:$0x1A300] =	vst v63  }
0xec: {  	s15 =	sadd.s32 s10, s14  }
0xed: {  	[tilespmem:s28], [sflag:$0x3] =	stream.linear.gather [hbm4b:s15+s3], $0x60, $0x38;
	[tilespmem:$0x1A300] =	vst v63  }
0xee: {  	_ =	swait.ge [sflag:s31], $0x3000  }
0xef: {  	[sflag:s31] =	ssyncset.done $0x0  }
0xf0: {  	[sflag:s31] =	ssyncadd.s32 $0xFFFFD000  }
0xf1: {  	[spmem:s2] =	stream.indirect.scatter.add.f32 [tilespmem:s25], [sflag:$0x6], $0x80, s18, s22, $0xb8;
	[tilespmem:$0x1A300] =	vst v63  }
0xf2: {  	_ =	swait.ge [sflag:s17], $0x3000  }
0xf3: {  	[sflag:s17] =	ssyncset.done $0x0  }
0xf4: {  	[sflag:s17] =	ssyncadd.s32 $0xFFFFD000  }
0xf5: {  	_ =	swait.ge [sflag:s30], $0x60  }
0xf6: {  	[sflag:s30] =	ssyncset.done $0x0  }
0xf7: {  	[sflag:s30] =	ssyncadd.s32 $0xFFFFFFA0  }
0xf8: {  	_ =	swait.ge [sflag:s30], $0x60  }
0xf9: {  	s16 =	sadd.s32 $0x240, s16;
	p1 =	sne.s32 s10, $0x4C8;
	[sflag:s30] =	ssyncset.done $0x0  }
0xfa: {  	s11 =	sshrl.u32 @p1 s16, $0x3;
	[sflag:s30] =	ssyncadd.s32 $0xFFFFFFA0  }
0xfb: {  	[tilespmem:s25], [sflag:$0x5] =	stream.indirect.gather [hbm4b:s5+s22], $0x80, s26, s22, $0xb8;
	[tilespmem:$0x1A300] =	vst v63  }
0xfc: {  	s12 =	simm.s32 @p1 $0x0;
	s13 =	sadd.s32 @p1 s1, s11  }
0xfd: {  	[tilespmem:s12], [sflag:$0x1] =	stream.linear.gather @p1 [hbm4b:s13+s12], $0x60, $0x38;
	[tilespmem:$0x1A300] =	vst v63  }
0xfe: {  	s14 =	simm.s32 @p1 $0x180;
	s11 =	sadd.s32 @p1 s6, s11;
	s13 =	simm.s32 @p1 $0x4  }
0xff: {  	[tilespmem:s14], [sflag:$0x1] =	stream.linear.gather @p1 [hbm4b:s11+s12], $0x60, $0x38;
	[tilespmem:$0x1A300] =	vst v63  }
0x100: {  	_ =	swait.ge @p1 [sflag:s13], $0x3000  }
0x101: {  	s15 =	simm.s32 @p1 $0x200;
	s11 =	simm.s32 @p1 $0x300;
	[sflag:s13] =	ssyncset.done @p1 $0x0  }
0x102: {  	s14 =	simm.s32 @p1 $0x60;
	[sflag:s13] =	ssyncadd.s32 @p1 $0xFFFFD000;
	s13 =	simm.s32 @p1 $0x6  }
0x103: {  	[spmem:s2] =	stream.indirect.scatter.add.f32 @p1 [tilespmem:s11], [sflag:$0x6], $0x80, s15, s14, $0xb8;
	[tilespmem:$0x1A300] =	vst v63  }
0x104: {  	_ =	swait.ge @p1 [sflag:s13], $0x3000  }
0x105: {  	[sflag:s13] =	ssyncset.done @p1 $0x0  }
0x106: {  	s9 =	simm.s32 @p1 $0x1;
	[sflag:s13] =	ssyncadd.s32 @p1 $0xFFFFD000  }
0x107: {  	_ =	swait.ge @p1 [sflag:s9], $0x60  }
0x108: {  	[sflag:s9] =	ssyncset.done @p1 $0x0  }
0x109: {  	[sflag:s9] =	ssyncadd.s32 @p1 $0xFFFFFFA0  }
0x10a: {  	_ =	swait.ge @p1 [sflag:s9], $0x60  }
0x10b: {  	[sflag:s9] =	ssyncset.done @p1 $0x0  }
0x10c: {  	s13 =	rddreg [dreg:$0x5];
	[sflag:s9] =	ssyncadd.s32 @p1 $0xFFFFFFA0  }
0x10d: {  	[tilespmem:s11], [sflag:$0x4] =	stream.indirect.gather @p1 [hbm4b:s5+s14], $0x80, s12, s14, $0xb8;
	[tilespmem:$0x1A300] =	vst v63  }
0x10e: {  	s9 =	rddreg [dreg:$0x4];
	s11 =	sadd.s32 @p1 s10, s13;
	s13 =	simm.s32 @p1 $0x80  }
0x10f: {  	[tilespmem:s13], [sflag:$0x2] =	stream.linear.gather @p1 [hbm4b:s11+s12], $0x60, $0x38;
	[tilespmem:$0x1A300] =	vst v63  }
0x110: {  	s9 =	sadd.s32 @p1 s10, s9;
	s10 =	simm.s32 @!p1 $0x4  }
0x111: {  	[tilespmem:s15], [sflag:$0x2] =	stream.linear.gather @p1 [hbm4b:s9+s12], $0x60, $0x38;
	[tilespmem:$0x1A300] =	vst v63  }
0x112: {  	_ =	swait.ge @!p1 [sflag:s10], $0x3000  }
0x113: {  	s11 =	simm.s32 @!p1 $0x60;
	s9 =	simm.s32 @!p1 $0x300;
	[sflag:s10] =	ssyncset.done @!p1 $0x0  }
0x114: {  	s12 =	simm.s32 @!p1 $0x200;
	[sflag:s10] =	ssyncadd.s32 @!p1 $0xFFFFD000;
	s10 =	simm.s32 @!p1 $0x6  }
0x115: {  	[spmem:s2] =	stream.indirect.scatter.add.f32 @!p1 [tilespmem:s9], [sflag:$0x6], $0x80, s12, s11, $0xb8;
	[tilespmem:$0x1A300] =	vst v63  }
0x116: {  	_ =	swait.ge @!p1 [sflag:s10], $0x3000  }
0x117: {  	s7 =	sadd.s32 $0x48, s7;
	[sflag:s10] =	ssyncset.done @!p1 $0x0  }
0x118: {  	p0 =	sne.s32 s7, $0x510;
	[sflag:s10] =	ssyncadd.s32 @!p1 $0xFFFFD000  }
.Ltmp0:
0x119: {  	_ =	swait.ge [sflag:s31], $0x3000;
	(pc) =	sbr.rel @p0 .LBB2_2-.Ltmp0, $4  }
0x11a: {  	[sflag:s31] =	ssyncset.done $0x0  }
0x11b: {  	[sflag:s31] =	ssyncadd.s32 $0xFFFFD000  }
0x11c: {  	[spmem:s2] =	stream.indirect.scatter.add.f32 [tilespmem:s25], [sflag:$0x6], $0x80, s28, s22, $0xb8;
	[tilespmem:$0x1A300] =	vst v63  }
0x11d: {  	_ =	swait.ge [sflag:s17], $0x3000  }
0x11e: {  	[sflag:s17] =	ssyncset.done $0x0  }
0x11f: {  	[sflag:s17] =	ssyncadd.s32 $0xFFFFD000  }
0x120: {  	[bflag:$0x0] =	sbarrier.arrive $0xFFFF  }
0x121: {  	s7 =	rddreg [dreg:$0x14]  }
0x122: {  	[hbm:s7], [sflag:s8] =	dma.local [spmem:s4], $0x2800  }
0x123: {  	_ =	swait.ge [sflag:s17], $0x2800  }
0x124: {  	s0 =	sadd.s32 $0x1, s0;
	s16 =	rddreg [dreg:$0x15]  }
0x125: {  	p0 =	sne.s32 s0, s16  }
.Ltmp1:
0x126: {  	_ = 	snop;
	(pc) =	sbr.rel @p0 .LBB2_1-.Ltmp1, $3  }
0x127: {  	_ =	sdelay $0x1  }
0x128: {  	[sflag:s17] =	ssyncset.done $0x0  }
0x129: {  	s9 =	smov.u32 s8;
	[sflag:s17] =	ssyncadd.s32 $0xFFFFD800  }
0x12a: {  	_ =	sfence.sel $0x180000  }
0x12b: {  	[bflag:$0x0] =	sbarrier.arrive $0xFFFF  }
0x12c: {  	_ =	strace $0x9000004D  }
0x12d: {  	s0 =	stileid.u32;
	[bflag:$0x2] =	sbarrier.arrive $0xFFFF  }
0x12e: {  	p0 =	sne.s32 s0, $0x0;
	s0 =	rddreg [dreg:$0x3]  }
0x12f: {  	s0 =	sadd.s32 @!p0 $0x100000, s0  }
0x130: {  	[sflag:s0] =	ssyncadd.tile.s32 @!p0 $0x1;
	_ =	shalt  }
.Lfunc_end2:
_tile_overlayer_lowered:
.L_overlay_start_2:
0x131: {  	(tag) =	ssettag $0x2  }
0x132: {  	s0 =	rddreg [dreg:$0x0];
	s2 =	stileid.u32  }
0x133: {  	s1 =	rddreg [dreg:$0x1];
	p0 =	sne.s32 s2, $0x0  }
0x134: {  	s3 =	rddreg [dreg:$0x2];
	[bflag:$0x3] =	sbarrier.arrive $0xFFFF;
	s2 =	simm.s32 @!p0 $0x1C06  }
0x135: {  	[timem:s3], [sflag:s2] =	dma.local @!p0 [hbm:s0], s1  }
0x136: {  	s0 =	simm.s32 @!p0 $0x6  }
0x137: {  	_ =	swait.ge @!p0 [sflag:s0], s1  }
0x138: {  	s1 =	ssub.s32 @!p0 $0x0, s1;
	[sflag:s0] =	ssyncset.done @!p0 $0x0  }
0x139: {  	[sflag:s0] =	ssyncadd.s32 @!p0 s1  }
0x13a: {  	[bflag:$0x3] =	sbarrier.arrive $0xFFFF  }
0x13b: {  	_ =	shalt  }

// kernel: kernel.7.cloned.1.call-start
scs
__scs_entry_jumppad:
0x0: {  	(pc) =	sbr.rel $0x88, $3  }
0x1: {  	(tag) =	ssettag $0x0;
	lr =	simm.s32 $0x1  }
0x2: {  	[smem:$0x3F90] =	sst lr;
	_ =	strace $0xD0000000  }
0x3: {  	_ = 	snop  }
0x4: {  	_ = 	snop  }
0x5: {  	_ = 	snop  }
0x6: {  	_ = 	snop  }
0x7: {  	_ = 	snop  }
__scs_overlays_trampoline_lowered:
0x8: {  	[smem:$0x3F9F] =	sst s0  }
0x9: {  	[smem:$0x3FA0] =	sst s1  }
0xa: {  	[smem:$0x3FA1] =	sst s2  }
0xb: {  	[smem:$0x3FA2] =	sst s3  }
0xc: {  	[smem:$0x3FA3] =	sst s4  }
0xd: {  	[smem:$0x3FA4] =	sst s5  }
0xe: {  	[smem:$0x3FA5] =	sst s6  }
0xf: {  	[smem:$0x3FA6] =	sst s7  }
0x10: {  	[smem:$0x3FA7] =	sst s8  }
0x11: {  	[smem:$0x3FA8] =	sst s9;
	s0 =	simm.s32 @!p0 $0x0  }
0x12: {  	s1 =	sld [smem:$0x3F8E];
	s0 =	simm.s32 @p0 $0x1  }
0x13: {  	[smem:$0x3FA9] =	sst s0;
	s0 =	simm.s32 @!p1 $0x0  }
0x14: {  	s2 =	sld [smem:$0x3F8D];
	s0 =	simm.s32 @p1 $0x1  }
0x15: {  	[smem:$0x3FAA] =	sst s0;
	s0 =	simm.s32 @!p2 $0x0  }
0x16: {  	s3 =	sld [smem:$0x3FDB];
	s0 =	simm.s32 @p2 $0x1  }
0x17: {  	s4 =	simm.s32 $0x1BF5;
	[smem:$0x3FAC] =	sst s0  }
0x18: {  	s0 =	sld [smem:$0x3F8F];
	_ =	swait.ge [sflag:s4], $0x0  }
0x19: {  	s7 =	sld [smem:$0x3F90]  }
0x1a: {  	s8 =	sadd.s32 $0xFFFFE003, lr  }
0x1b: {  	s9 =	sadd.s32 $0xFFFFFEF7, lr;
	s5 =	simm.s32 $0xFFFFFFFF;
	p2 =	slt.u32 s8, $0xFFFFF086  }
0x1c: {  	p1 =	slt.u32 s9, $0xF7A;
	s5 =	simm.s32 @!p2 $0x0  }
0x1d: {  	s5 =	simm.s32 @p1 $0x1;
	p0 =	seq.s32 s7, s2  }
0x1e: {  	s7 =	smul.u32 @!p0 $0xF7A, s2;
	p2 =	seq.s32 @!p0 s5, $0x0  }
0x1f: {  	s9 =	smul.u32 $0xF7A, s1;
	s8 =	simm.s32 @!p0 $0x1BF5;
	p2 =	por !p2, p0  }
0x20: {  	[sflag:s8] =	ssyncset.s32 @!p0 $0xFFFFF086;
	s6 =	sadd.s32 @!p0 s3, s7;
	s7 =	simm.s32 @!p0 $0x108  }
0x21: {  	s3 =	sadd.s32 s3, s9;
	s6 =	sadd.s32 @!p0 $0x88, s6;
	s7 =	simm.s32 @p2 $0x1082  }
0x22: {  	[simem:s7], [sflag:s8] =	dma.local @!p0 [hbm:s6], $0xF7A  }
0x23: {  	s9 =	sor.u32 $0xD0000000, s2;
	s6 =	simm.s32 $0x108;
	_ =	swait.ge @!p0 [sflag:s8], $0x0  }
0x24: {  	s3 =	sadd.s32 $0x88, s3;
	s6 =	simm.s32 @!p1 $0x1082;
	[sflag:s4] =	ssyncset.s32 $0xFFFFF086  }
0x25: {  	[simem:s6], [sflag:s4] =	dma.local [hbm:s3], $0xF7A  }
0x26: {  	[smem:$0x3F90] =	sst s1;
	(tag) =	ssettag s2;
	_ =	strace s9  }
0x27: {  	s1 =	sld [smem:$0x3FA0]  }
0x28: {  	s2 =	sld [smem:$0x3FA1]  }
0x29: {  	s4 =	sld [smem:$0x3FA3]  }
0x2a: {  	p0 =	seq.s32 s5, $0x0;
	s5 =	sld [smem:$0x3FA4]  }
0x2b: {  	s6 =	sld [smem:$0x3FA5]  }
0x2c: {  	s7 =	sld [smem:$0x3FA6]  }
0x2d: {  	s3 =	simm.s32 $0x108;
	s8 =	sld [smem:$0x3FA7]  }
0x2e: {  	s3 =	simm.s32 @!p0 $0x1082;
	s9 =	sld [smem:$0x3FA8]  }
0x2f: {  	lr =	sadd.s32 s0, s3;
	s0 =	sld [smem:$0x3F9F]  }
0x30: {  	s3 =	sld [smem:$0x3FA2]  }
0x31: {  	[smem:$0x3FAB] =	sst s10  }
0x32: {  	s10 =	sld [smem:$0x3FA9];
	_ =	sdelay $0x3  }
0x33: {  	p0 =	seq.s32 s10, $0x1;
	s10 =	sld [smem:$0x3FAB];
	_ =	sdelay $0x3  }
0x34: {  	[smem:$0x3FAB] =	sst s10  }
0x35: {  	s10 =	sld [smem:$0x3FAA];
	_ =	sdelay $0x3  }
0x36: {  	p1 =	seq.s32 s10, $0x1;
	s10 =	sld [smem:$0x3FAB];
	_ =	sdelay $0x3  }
0x37: {  	[smem:$0x3FAB] =	sst s10  }
0x38: {  	s10 =	sld [smem:$0x3FAC]  }
0x39: {  	_ = 	snop;
	(pc) =	sbr.ind lr, $3  }
0x3a: {  	_ = 	snop  }
0x3b: {  	_ = 	snop  }
0x3c: {  	p2 =	seq.s32 s10, $0x1;
	s10 =	sld [smem:$0x3FAB]  }
0x3d: {  	_ =	shalt  }
0x3e: {  	_ =	shalt  }
0x3f: {  	_ =	shalt  }
0x40: {  	_ =	shalt  }
0x41: {  	_ =	shalt  }
0x42: {  	_ =	shalt  }
0x43: {  	_ =	shalt  }
0x44: {  	_ =	shalt  }
0x45: {  	_ =	shalt  }
0x46: {  	_ =	shalt  }
0x47: {  	_ =	shalt  }
0x48: {  	_ =	shalt  }
0x49: {  	_ =	shalt  }
0x4a: {  	_ =	shalt  }
0x4b: {  	_ =	shalt  }
0x4c: {  	_ =	shalt  }
0x4d: {  	_ =	shalt  }
0x4e: {  	_ =	shalt  }
0x4f: {  	_ =	shalt  }
0x50: {  	_ =	shalt  }
0x51: {  	_ =	shalt  }
0x52: {  	_ =	shalt  }
0x53: {  	_ =	shalt  }
0x54: {  	_ =	shalt  }
0x55: {  	_ =	shalt  }
0x56: {  	_ =	shalt  }
0x57: {  	_ =	shalt  }
0x58: {  	_ =	shalt  }
0x59: {  	_ =	shalt  }
0x5a: {  	_ =	shalt  }
0x5b: {  	_ =	shalt  }
0x5c: {  	_ =	shalt  }
0x5d: {  	_ =	shalt  }
0x5e: {  	_ =	shalt  }
0x5f: {  	_ =	shalt  }
0x60: {  	_ =	shalt  }
0x61: {  	_ =	shalt  }
0x62: {  	_ =	shalt  }
0x63: {  	_ =	shalt  }
0x64: {  	_ =	shalt  }
0x65: {  	_ =	shalt  }
0x66: {  	_ =	shalt  }
0x67: {  	_ =	shalt  }
0x68: {  	_ =	shalt  }
0x69: {  	_ =	shalt  }
0x6a: {  	_ =	shalt  }
0x6b: {  	_ =	shalt  }
0x6c: {  	_ =	shalt  }
0x6d: {  	_ =	shalt  }
0x6e: {  	_ =	shalt  }
0x6f: {  	_ =	shalt  }
0x70: {  	_ =	shalt  }
0x71: {  	_ =	shalt  }
0x72: {  	_ =	shalt  }
0x73: {  	_ =	shalt  }
0x74: {  	_ =	shalt  }
0x75: {  	_ =	shalt  }
0x76: {  	_ =	shalt  }
0x77: {  	_ =	shalt  }
0x78: {  	_ =	shalt  }
0x79: {  	_ =	shalt  }
0x7a: {  	_ =	shalt  }
0x7b: {  	_ =	shalt  }
0x7c: {  	_ =	shalt  }
0x7d: {  	_ =	shalt  }
0x7e: {  	_ =	shalt  }
0x7f: {  	_ =	shalt  }
0x80: {  	_ =	shalt  }
0x81: {  	_ =	shalt  }
0x82: {  	_ =	shalt  }
0x83: {  	_ =	shalt  }
0x84: {  	_ =	shalt  }
0x85: {  	_ =	shalt  }
0x86: {  	_ =	shalt  }
0x87: {  	_ =	shalt  }
.Lfunc_end0:
.L_simem_size_0:
called_computation_lowered:
.L_overlay_start_0:
0x88: {  	s2 =	sld [smem:$0x3FD9]  }
0x89: {  	s3 =	sld [smem:$0x3FFE];
	_ =	sdelay $0x1  }
0x8a: {  	s1 =	srdreg.scid  }
0x8b: {  	s0 =	sand.u32 $0x1, s1  }
0x8c: {  	s17 =	sshll.u32 s0, $0xA;
	s2 =	sadd.s32 s3, s2  }
0x8d: {  	s2 =	sadd.s32 s2, s17  }
0x8e: {  	[smem:$0x3FB7] =	sst s2  }
0x8f: {  	_ = 	snop  }
0x90: {  	s2 =	sld [smem:$0x3FC7];
	(tm) =	ssettm $0x1  }
0x91: {  	s18 =	sld [smem:$0x3FFB];
	_ =	sdelay $0x3  }
0x92: {  	_ =	strace s18  }
0x93: {  	s3 =	sld [smem:$0x3FFC];
	_ =	sdelay $0x3  }
0x94: {  	_ =	strace s3  }
0x95: {  	s3 =	sld [smem:$0x3FFD];
	_ =	sdelay $0x3  }
0x96: {  	_ =	strace s3  }
0x97: {  	_ =	strace $0x8FFFFFFF  }
0x98: {  	s19 =	sld [smem:$0x3FDB];
	_ =	sdelay $0x1  }
0x99: {  	s4 =	simm.s32 $_scs_section_size  }
0x9a: {  	s5 =	simm.s32 $_size__tile_overlayer_lowered;
	s6 =	simm.s32 $_tile_overlayer_lowered  }
0x9b: {  	s22 =	simm.s32 $0x1BFF;
	s21 =	sshll.u32 s6, $0x1;
	s3 =	sadd.s32 s4, s19  }
0x9c: {  	s7 =	simm.s32 $0x0;
	s20 =	sshll.u32 s5, $0x1;
	s5 =	sadd.s32 s21, s3  }
0x9d: {  	[timem:s7], [sflag:s22] =	dma.local [hbm:s5], s20  }
0x9e: {  	_ =	swait.ge [sflag:s22], s20  }
0x9f: {  	s4 =	ssub.s32 $0x0, s20;
	[sflag:s22] =	ssyncset.done $0x0  }
0xa0: {  	[sflag:s22] =	ssyncadd.s32 s4;
	_ =	sdelay $0x1  }
0xa1: {  	s23 =	simm.s32 $0x1B8B  }
0xa2: {  	_ =	swait.ge [sflag:s23], $0x1  }
0xa3: {  	[sflag:s23] =	ssyncset.done $0x0  }
0xa4: {  	s25 =	simm.s32 $0x1B8E;
	s24 =	sld [smem:$0x3FFE];
	[sflag:s23] =	ssyncadd.s32 $0xFFFFFFFF  }
0xa5: {  	s26 =	simm.s32 $execute0_lowered;
	[smem:$0x3FD2] =	sst s25  }
0xa6: {  	s5 =	sshll.u32 s26, $0x1;
	_ =	strace $0x80000046;
	[dreg:$0x1] =	wrdreg $0xFFFFFFFF  }
0xa7: {  	s28 =	simm.s32 $_size_execute0_lowered;
	s3 =	sadd.s32 s3, s5;
	[dreg:$0x0] =	wrdreg $0x0  }
0xa8: {  	s5 =	sshll.u32 s28, $0x1;
	[dreg:$0x2] =	wrdreg s3  }
0xa9: {  	[dreg:$0x3] =	wrdreg s5  }
0xaa: {  	[dreg:$0x4] =	wrdreg $0xC0  }
0xab: {  	_ =	task [dreg:s7], $0x5FFFF  }
0xac: {  	[dreg:$0x1] =	wrdreg $0xFFFFFFFF  }
0xad: {  	[dreg:$0x0] =	wrdreg $0x60  }
0xae: {  	[dreg:$0x2] =	wrdreg s2  }
0xaf: {  	[dreg:$0x3] =	wrdreg s24  }
0xb0: {  	[dreg:$0x4] =	wrdreg $0x9  }
0xb1: {  	_ =	task.clear_ibuf [dreg:s7], $0x5FFFF;
	_ =	strace $0x90000046  }
0xb2: {  	s29 =	simm.s32 $0x9;
	_ =	strace $0x80000048  }
0xb3: {  	_ =	swait.ge [sflag:s29], $0x1  }
0xb4: {  	[sflag:s29] =	ssyncadd.s32 $0xFFFFFFFF  }
0xb5: {  	_ =	strace $0x90000048  }
0xb6: {  	_ =	sfence  }
0xb7: {  	s30 =	sld [smem:$0x0];
	_ =	sdelay $0x2  }
0xb8: {  	s31 =	sshll.u32 s1, $0xD;
	s1 =	sshrl.u32 s1, $0x2  }
0xb9: {  	s3 =	sand.u32 $0x4000, s31;
	s1 =	sadd.s32 s1, s30  }
0xba: {  	s0 =	sor.u32 s3, s0;
	s1 =	sshll.u32 s1, $0x11  }
0xbb: {  	s0 =	sor.u32 s1, s0  }
0xbc: {  	s0 =	sadd.s32 $0x8F2B, s0  }
0xbd: {  	[sflag:s0] =	ssyncadd.remote.s32 $0x1  }
0xbe: {  	_ =	sfence.sel $0xFFFF  }
0xbf: {  	[dreg:$0x0] =	wrdreg $0xFFFFFFFF;
	(pc) =	sbr.abs _section_cstart, $3  }
0xc0: {  	[dreg:$0x1] =	wrdreg $0xFFFFFFFF  }
0xc1: {  	_ =	task.clear_ibuf [dreg:s7], $0x2FFFF;
	_ =	strace $0x9FFFFFFF  }
0xc2: {  	(tm) =	ssettm $0x7FFFFFFF  }
0xc3: {  	_ =	shalt  }
tec
execute0_lowered:
.L_overlay_start_1:
0x0: {  	(tag) =	ssettag $0x1  }
0x1: {  	s0 =	srdreg.scid  }
0x2: {  	s15 =	sand.u32 $0x1, s0  }
0x3: {  	s0 =	stileid.u32;
	s1 =	sshll.u32 s15, $0x4  }
0x4: {  	s2 =	rddreg [dreg:$0x0];
	s9 =	sor.u32 s0, s1  }
0x5: {  	s10 =	rddreg [dreg:$0x1];
	s3 =	simm.s32 $0x0;
	s14 =	smul.u32 $0x140, s9  }
0x6: {  	[smem:$0x7FF] =	sst s3  }
0x7: {  	s16 =	sadd.s32 $0x3200, s10;
	s1 =	rddreg [dreg:$0x2];
	s4 =	sshrl.u32 s14, $0x3  }
0x8: {  	_ =	strace $0x80000047;
	s5 =	sadd.s32 s16, s4;
	s4 =	simm.s32 $0x2  }
0x9: {  	[tilespmem:s3], [sflag:$0x2] =	stream.linear.gather [hbm4b:s5+s3], $0x50, $0x38;
	[tilespmem:$0x2880] =	vst v63  }
0xa: {  	_ =	swait.ge [sflag:s4], $0x50  }
0xb: {  	s6 =	simm.s32 $0x50;
	[sflag:s4] =	ssyncset.done $0x0  }
0xc: {  	s7 =	simm.s32 $0x80;
	s8 =	simm.s32 $0x1;
	[sflag:s4] =	ssyncadd.s32 $0xFFFFFFB0  }
0xd: {  	[tilespmem:s7], [sflag:$0x1] =	stream.indirect.gather [hbm4b:s2+s6], $0x80, s3, s6, $0xb8;
	[tilespmem:$0x2880] =	vst v63  }
0xe: {  	s9 =	smul.u32 $0x1400, s9;
	_ =	swait.ge [sflag:s8], $0x2800  }
0xf: {  	s17 =	sadd.s32 $0x3800, s10;
	[sflag:s8] =	ssyncset.done $0x0  }
0x10: {  	s9 =	sadd.s32 s17, s9;
	[sflag:s8] =	ssyncadd.s32 $0xFFFFD800  }
0x11: {  	[hbm4b:s9+s3] =	stream.linear.scatter [tilespmem:s7], [sflag:$0x2], $0x2800, $0x38;
	[tilespmem:$0x2880] =	vst v63  }
0x12: {  	s11 =	sadd.s32 $0x50, s14;
	_ =	swait.ge [sflag:s4], $0x2800  }
0x13: {  	s29 =	sshrl.u32 s11, $0x3;
	[sflag:s4] =	ssyncset.done $0x0  }
0x14: {  	s10 =	sadd.s32 s16, s29;
	[sflag:s4] =	ssyncadd.s32 $0xFFFFD800  }
0x15: {  	[tilespmem:s3], [sflag:$0x2] =	stream.linear.gather [hbm4b:s10+s3], $0x50, $0x38;
	[tilespmem:$0x2880] =	vst v63  }
0x16: {  	_ =	swait.ge [sflag:s4], $0x50  }
0x17: {  	[sflag:s4] =	ssyncset.done $0x0  }
0x18: {  	[sflag:s4] =	ssyncadd.s32 $0xFFFFFFB0  }
0x19: {  	[tilespmem:s7], [sflag:$0x1] =	stream.indirect.gather [hbm4b:s2+s6], $0x80, s3, s6, $0xb8;
	[tilespmem:$0x2880] =	vst v63  }
0x1a: {  	_ =	swait.ge [sflag:s8], $0x2800  }
0x1b: {  	s11 =	sshll.u32 s11, $0x4;
	[sflag:s8] =	ssyncset.done $0x0  }
0x1c: {  	s11 =	sadd.s32 s17, s11;
	[sflag:s8] =	ssyncadd.s32 $0xFFFFD800  }
0x1d: {  	[hbm4b:s11+s3] =	stream.linear.scatter [tilespmem:s7], [sflag:$0x2], $0x2800, $0x38;
	[tilespmem:$0x2880] =	vst v63  }
0x1e: {  	s13 =	sadd.s32 $0xA0, s14;
	_ =	swait.ge [sflag:s4], $0x2800  }
0x1f: {  	s12 =	sshrl.u32 s13, $0x3;
	[sflag:s4] =	ssyncset.done $0x0  }
0x20: {  	s12 =	sadd.s32 s16, s12;
	[sflag:s4] =	ssyncadd.s32 $0xFFFFD800  }
0x21: {  	[tilespmem:s3], [sflag:$0x2] =	stream.linear.gather [hbm4b:s12+s3], $0x50, $0x38;
	[tilespmem:$0x2880] =	vst v63  }
0x22: {  	_ =	swait.ge [sflag:s4], $0x50  }
0x23: {  	[sflag:s4] =	ssyncset.done $0x0  }
0x24: {  	[sflag:s4] =	ssyncadd.s32 $0xFFFFFFB0  }
0x25: {  	[tilespmem:s7], [sflag:$0x1] =	stream.indirect.gather [hbm4b:s2+s6], $0x80, s3, s6, $0xb8;
	[tilespmem:$0x2880] =	vst v63  }
0x26: {  	_ =	swait.ge [sflag:s8], $0x2800  }
0x27: {  	s13 =	sshll.u32 s13, $0x4;
	[sflag:s8] =	ssyncset.done $0x0  }
0x28: {  	s13 =	sadd.s32 s17, s13;
	[sflag:s8] =	ssyncadd.s32 $0xFFFFD800  }
0x29: {  	[hbm4b:s13+s3] =	stream.linear.scatter [tilespmem:s7], [sflag:$0x2], $0x2800, $0x38;
	[tilespmem:$0x2880] =	vst v63  }
0x2a: {  	s18 =	sadd.s32 $0xF0, s14;
	_ =	swait.ge [sflag:s4], $0x2800  }
0x2b: {  	s14 =	sshrl.u32 s18, $0x3;
	[sflag:s4] =	ssyncset.done $0x0  }
0x2c: {  	s15 =	ssub.s32 $0x2, s15;
	s14 =	sadd.s32 s16, s14;
	[sflag:s4] =	ssyncadd.s32 $0xFFFFD800  }
0x2d: {  	[tilespmem:s3], [sflag:$0x2] =	stream.linear.gather [hbm4b:s14+s3], $0x50, $0x38;
	[tilespmem:$0x2880] =	vst v63  }
0x2e: {  	s30 =	sshrl.u32 s15, $0x1;
	_ =	swait.ge [sflag:s4], $0x50  }
0x2f: {  	s16 =	ssub.s32 s15, s30;
	[sflag:s4] =	ssyncset.done $0x0  }
0x30: {  	s16 =	smax.u32 s16, $0x1;
	[sflag:s4] =	ssyncadd.s32 $0xFFFFFFB0  }
0x31: {  	[tilespmem:s7], [sflag:$0x1] =	stream.indirect.gather [hbm4b:s2+s6], $0x80, s3, s6, $0xb8;
	[tilespmem:$0x2880] =	vst v63  }
0x32: {  	p0 =	sne.s32 s16, $0x1;
	_ =	swait.ge [sflag:s8], $0x2800  }
.Ltmp0:
0x33: {  	s31 =	sshll.u32 s18, $0x4;
	[sflag:s8] =	ssyncset.done $0x0;
	(pc) =	sbr.rel @!p0 .LBB2_2-.Ltmp0, $4  }
0x34: {  	s15 =	sadd.s32 s17, s31;
	[sflag:s8] =	ssyncadd.s32 $0xFFFFD800  }
0x35: {  	[hbm4b:s15+s3] =	stream.linear.scatter [tilespmem:s7], [sflag:$0x2], $0x2800, $0x38;
	[tilespmem:$0x2880] =	vst v63  }
0x36: {  	_ =	swait.ge [sflag:s4], $0x2800  }
0x37: {  	s16 =	sadd.s32 $0xFFFFFFFF, s16;
	[sflag:s4] =	ssyncset.done $0x0  }
.LBB2_1:
0x38: {  	p0 =	sne.s32 s16, $0x1;
	s16 =	sadd.s32 $0xFFFFFFFF, s16;
	[sflag:s4] =	ssyncadd.s32 $0xFFFFD800  }
0x39: {  	[tilespmem:s3], [sflag:$0x2] =	stream.linear.gather [hbm4b:s5+s3], $0x50, $0x38;
	[tilespmem:$0x2880] =	vst v63  }
0x3a: {  	_ =	swait.ge [sflag:s4], $0x50  }
0x3b: {  	[sflag:s4] =	ssyncset.done $0x0  }
0x3c: {  	[sflag:s4] =	ssyncadd.s32 $0xFFFFFFB0  }
0x3d: {  	[tilespmem:s7], [sflag:$0x1] =	stream.indirect.gather [hbm4b:s2+s6], $0x80, s3, s6, $0xb8;
	[tilespmem:$0x2880] =	vst v63  }
0x3e: {  	_ =	swait.ge [sflag:s8], $0x2800  }
0x3f: {  	[sflag:s8] =	ssyncset.done $0x0  }
0x40: {  	[sflag:s8] =	ssyncadd.s32 $0xFFFFD800  }
0x41: {  	[hbm4b:s9+s3] =	stream.linear.scatter [tilespmem:s7], [sflag:$0x2], $0x2800, $0x38;
	[tilespmem:$0x2880] =	vst v63  }
0x42: {  	_ =	swait.ge [sflag:s4], $0x2800  }
0x43: {  	[sflag:s4] =	ssyncset.done $0x0  }
0x44: {  	[sflag:s4] =	ssyncadd.s32 $0xFFFFD800  }
0x45: {  	[tilespmem:s3], [sflag:$0x2] =	stream.linear.gather [hbm4b:s10+s3], $0x50, $0x38;
	[tilespmem:$0x2880] =	vst v63  }
0x46: {  	_ =	swait.ge [sflag:s4], $0x50  }
0x47: {  	[sflag:s4] =	ssyncset.done $0x0  }
0x48: {  	[sflag:s4] =	ssyncadd.s32 $0xFFFFFFB0  }
0x49: {  	[tilespmem:s7], [sflag:$0x1] =	stream.indirect.gather [hbm4b:s2+s6], $0x80, s3, s6, $0xb8;
	[tilespmem:$0x2880] =	vst v63  }
0x4a: {  	_ =	swait.ge [sflag:s8], $0x2800  }
0x4b: {  	[sflag:s8] =	ssyncset.done $0x0  }
0x4c: {  	[sflag:s8] =	ssyncadd.s32 $0xFFFFD800  }
0x4d: {  	[hbm4b:s11+s3] =	stream.linear.scatter [tilespmem:s7], [sflag:$0x2], $0x2800, $0x38;
	[tilespmem:$0x2880] =	vst v63  }
0x4e: {  	_ =	swait.ge [sflag:s4], $0x2800  }
0x4f: {  	[sflag:s4] =	ssyncset.done $0x0  }
0x50: {  	[sflag:s4] =	ssyncadd.s32 $0xFFFFD800  }
0x51: {  	[tilespmem:s3], [sflag:$0x2] =	stream.linear.gather [hbm4b:s12+s3], $0x50, $0x38;
	[tilespmem:$0x2880] =	vst v63  }
0x52: {  	_ =	swait.ge [sflag:s4], $0x50  }
0x53: {  	[sflag:s4] =	ssyncset.done $0x0  }
0x54: {  	[sflag:s4] =	ssyncadd.s32 $0xFFFFFFB0  }
0x55: {  	[tilespmem:s7], [sflag:$0x1] =	stream.indirect.gather [hbm4b:s2+s6], $0x80, s3, s6, $0xb8;
	[tilespmem:$0x2880] =	vst v63  }
0x56: {  	_ =	swait.ge [sflag:s8], $0x2800  }
0x57: {  	[sflag:s8] =	ssyncset.done $0x0  }
0x58: {  	[sflag:s8] =	ssyncadd.s32 $0xFFFFD800  }
0x59: {  	[hbm4b:s13+s3] =	stream.linear.scatter [tilespmem:s7], [sflag:$0x2], $0x2800, $0x38;
	[tilespmem:$0x2880] =	vst v63  }
0x5a: {  	_ =	swait.ge [sflag:s4], $0x2800  }
0x5b: {  	[sflag:s4] =	ssyncset.done $0x0  }
0x5c: {  	[sflag:s4] =	ssyncadd.s32 $0xFFFFD800  }
0x5d: {  	[tilespmem:s3], [sflag:$0x2] =	stream.linear.gather [hbm4b:s14+s3], $0x50, $0x38;
	[tilespmem:$0x2880] =	vst v63  }
0x5e: {  	_ =	swait.ge [sflag:s4], $0x50  }
0x5f: {  	[sflag:s4] =	ssyncset.done $0x0  }
0x60: {  	[sflag:s4] =	ssyncadd.s32 $0xFFFFFFB0  }
0x61: {  	[tilespmem:s7], [sflag:$0x1] =	stream.indirect.gather [hbm4b:s2+s6], $0x80, s3, s6, $0xb8;
	[tilespmem:$0x2880] =	vst v63  }
0x62: {  	_ =	swait.ge [sflag:s8], $0x2800  }
.Ltmp1:
0x63: {  	[sflag:s8] =	ssyncset.done $0x0;
	(pc) =	sbr.rel @p0 .LBB2_1-.Ltmp1, $4  }
0x64: {  	[sflag:s8] =	ssyncadd.s32 $0xFFFFD800  }
0x65: {  	[hbm4b:s15+s3] =	stream.linear.scatter [tilespmem:s7], [sflag:$0x2], $0x2800, $0x38;
	[tilespmem:$0x2880] =	vst v63  }
0x66: {  	_ =	swait.ge [sflag:s4], $0x2800  }
0x67: {  	[sflag:s4] =	ssyncset.done $0x0  }
.LBB2_2:
0x68: {  	[sflag:s4] =	ssyncadd.s32 $0xFFFFD800  }
0x69: {  	_ =	sfence.sel $0x180000  }
0x6a: {  	[bflag:$0x0] =	sbarrier.arrive $0xFFFF  }
0x6b: {  	p0 =	sne.s32 s0, $0x0;
	_ =	strace $0x90000047  }
0x6c: {  	s0 =	sadd.s32 @!p0 $0x100000, s1;
	[bflag:$0x2] =	sbarrier.arrive $0xFFFF  }
0x6d: {  	[sflag:s0] =	ssyncadd.tile.s32 @!p0 $0x1;
	_ =	shalt  }
.Lfunc_end2:
_tile_overlayer_lowered:
.L_overlay_start_2:
0x6e: {  	(tag) =	ssettag $0x2  }
0x6f: {  	s0 =	rddreg [dreg:$0x0];
	s2 =	stileid.u32  }
0x70: {  	s1 =	rddreg [dreg:$0x1];
	p0 =	sne.s32 s2, $0x0  }
0x71: {  	s3 =	rddreg [dreg:$0x2];
	[bflag:$0x3] =	sbarrier.arrive $0xFFFF;
	s2 =	simm.s32 @!p0 $0x1C02  }
0x72: {  	[timem:s3], [sflag:s2] =	dma.local @!p0 [hbm:s0], s1  }
0x73: {  	s0 =	simm.s32 @!p0 $0x2  }
0x74: {  	_ =	swait.ge @!p0 [sflag:s0], s1  }
0x75: {  	s1 =	ssub.s32 @!p0 $0x0, s1;
	[sflag:s0] =	ssyncset.done @!p0 $0x0  }
0x76: {  	[sflag:s0] =	ssyncadd.s32 @!p0 s1  }
0x77: {  	[bflag:$0x3] =	sbarrier.arrive $0xFFFF  }
0x78: {  	_ =	shalt  }

</sc_bundles>
